<compile_context>
chip_gen: v7x
topology: tpu7x:2x2x1
jax: 0.10.2.dev20260603
libtpu: 0.0.44.dev20260713+nightly
codegen_flags: <defaults>
</compile_context>

<pallas_src>
import functools

import jax
import jax.numpy as jnp
from jax import lax
from jax.experimental import pallas as pl
from jax.experimental.pallas import tpu as pltpu
from jax.experimental.pallas import tpu_sc as plsc

_V = 1_000_000
_D = 64
_BATCH = 4096
_SEQ = 200
_B = _BATCH * _SEQ
_NW = 32
_LANES = 128
_NBLK = _B // _LANES
_BLK_PER_W = _NBLK // _NW
_NPAIR = _BLK_PER_W // 2
_BT = _BATCH // _LANES
_SCALE = 8.0
_W = 256
_NWIN = _V // _W
_VMAIN = _NWIN * _W
_VTAIL = _V - _VMAIN

_mesh = plsc.VectorSubcoreMesh(core_axis_name="c", subcore_axis_name="s")


def _transpose_window(tin, tout, width, lane):
    @plsc.parallel_loop(0, width // 16)
    def q_body(q):
        dv16 = q * 16 + lane
        rowv = dv16 >> 1
        colb = (dv16 & 1) * _D

        @plsc.parallel_loop(0, _D, unroll=8)
        def j_body(j):
            dvec = (lane + j) & (_D - 1)
            vals = plsc.load_gather(tin, [dvec, dv16])
            plsc.store_scatter(tout, [rowv, colb + dvec], vals)


@functools.partial(
    pl.kernel,
    out_type=jax.ShapeDtypeStruct((_V // 2, 2 * _D), jnp.float32),
    mesh=_mesh,
    compiler_params=pltpu.CompilerParams(needs_layout_passes=False),
    scratch_types=[
        pltpu.VMEM((_D, _W), jnp.float32),
        pltpu.VMEM((_D, _W), jnp.float32),
        pltpu.VMEM((_W // 2, 2 * _D), jnp.float32),
        pltpu.VMEM((_W // 2, 2 * _D), jnp.float32),
        pltpu.VMEM((_D, _VTAIL), jnp.float32),
        pltpu.VMEM((_VTAIL // 2, 2 * _D), jnp.float32),
        pltpu.SemaphoreType.DMA,
        pltpu.SemaphoreType.DMA,
        pltpu.SemaphoreType.DMA,
        pltpu.SemaphoreType.DMA,
    ],
)
def _pack_table(tt_hbm, ttail_hbm, out_hbm, tin_a, tin_b, tout_a, tout_b,
                tin_t, tout_t, gsa, gsb, osa, osb):
    wid = lax.axis_index("s") * 2 + lax.axis_index("c")
    lane = lax.iota(jnp.int32, 16)
    nk = _NWIN // _NW + 1

    def start_in(tin, w, sem):
        pltpu.async_copy(tt_hbm.at[:, pl.ds(w * _W, _W)], tin, sem)

    def wait_in(tin, sem):
        pltpu.make_async_copy(tt_hbm.at[:, pl.ds(0, _W)], tin, sem).wait()

    def start_out(tout, w, sem):
        pltpu.async_copy(
            tout, out_hbm.at[pl.ds(w * (_W // 2), _W // 2)], sem)

    def wait_out(tout, sem):
        pltpu.make_async_copy(
            tout, out_hbm.at[pl.ds(0, _W // 2)], sem).wait()

    def guarded(w, fn):
        pl.when(w < _NWIN)(fn)

    w0 = wid
    guarded(w0, lambda: start_in(tin_a, w0, gsa))

    def k_body(h, carry):
        wa = wid + (2 * h) * _NW
        wb = wid + (2 * h + 1) * _NW

        def do_a():
            wait_in(tin_a, gsa)
            pl.when(h > 0)(lambda: wait_out(tout_a, osa))
            _transpose_window(tin_a, tout_a, _W, lane)
            start_out(tout_a, wa, osa)

        guarded(wb, lambda: start_in(tin_b, wb, gsb))
        guarded(wa, do_a)
        guarded(wid + (2 * h + 2) * _NW,
                lambda: start_in(tin_a, wid + (2 * h + 2) * _NW, gsa))

        def do_b():
            wait_in(tin_b, gsb)
            pl.when(h > 0)(lambda: wait_out(tout_b, osb))
            _transpose_window(tin_b, tout_b, _W, lane)
            start_out(tout_b, wb, osb)

        guarded(wb, do_b)
        return carry

    lax.fori_loop(0, (nk + 1) // 2, k_body, 0)
    guarded(w0, lambda: wait_out(tout_a, osa))
    guarded(wid + _NW, lambda: wait_out(tout_b, osb))

    @pl.when(wid == 0)
    def _():
        pltpu.sync_copy(ttail_hbm, tin_t)
        _transpose_window(tin_t, tout_t, _VTAIL, lane)
        pltpu.sync_copy(
            tout_t, out_hbm.at[pl.ds(_VMAIN // 2, _VTAIL // 2)])


@functools.partial(
    pl.kernel,
    out_type=jax.ShapeDtypeStruct((_SEQ, _D // 8, _BT, 8, _LANES),
                                  jnp.float32),
    mesh=_mesh,
    compiler_params=pltpu.CompilerParams(needs_layout_passes=False,
                                         use_tc_tiling_on_sc=False),
    scratch_types=[
        pltpu.VMEM((_BLK_PER_W, _LANES), jnp.int32),
        pltpu.VMEM((_LANES,), jnp.int32),
        pltpu.VMEM((_LANES,), jnp.int32),
        pltpu.VMEM((_LANES, _D), jnp.float32),
        pltpu.VMEM((_LANES, _D), jnp.float32),
        pltpu.VMEM((_D, _LANES), jnp.float32),
        pltpu.VMEM((_D, _LANES), jnp.float32),
        pltpu.SemaphoreType.DMA,
        pltpu.SemaphoreType.DMA,
        pltpu.SemaphoreType.DMA,
        pltpu.SemaphoreType.DMA,
    ],
)
def _gather(xt_hbm, table_hbm, out_hbm, idx_v, gidx_a, gidx_b, rows_a,
            rows_b, outv_a, outv_b, gsa, gsb, osa, osb):
    wid = lax.axis_index("s") * 2 + lax.axis_index("c")
    rbase = wid * _BLK_PER_W
    pltpu.sync_copy(xt_hbm.at[pl.ds(rbase, _BLK_PER_W)], idx_v)
    lane = lax.iota(jnp.int32, 16)

    def start_gather(gidx, rows_v, i, sem):
        @plsc.parallel_loop(0, _LANES // 16)
        def cp(q):
            gidx[pl.ds(q * 16, 16)] = idx_v[i, pl.ds(q * 16, 16)]

        pltpu.async_copy(table_hbm.at[gidx], rows_v, sem)

    def wait_gather(gidx, rows_v, sem):
        pltpu.make_async_copy(table_hbm.at[gidx], rows_v, sem).wait()

    def transpose_block(rows_v, out_v, i):
        @plsc.parallel_loop(0, _LANES // 16)
        def q_body(q):
            tok16 = q * 16 + lane

            @plsc.parallel_loop(0, _D, unroll=8)
            def j_body(j):
                cvec = (lane + j) & (_D - 1)
                vals = plsc.load_gather(rows_v, [tok16, cvec])
                plsc.store_scatter(out_v, [cvec, tok16], vals * _SCALE)

    def start_out(out_v, i, sem):
        r = rbase + i
        l = r // _BT
        bt = r % _BT
        for d1 in range(_D // 8):
            pltpu.async_copy(out_v.at[pl.ds(d1 * 8, 8)],
                             out_hbm.at[l, d1, bt], sem)

    def wait_out(out_v, sem):
        for d1 in range(_D // 8):
            pltpu.make_async_copy(out_v.at[pl.ds(d1 * 8, 8)],
                                  out_hbm.at[0, d1, 0], sem).wait()

    start_gather(gidx_a, rows_a, 0, gsa)

    def pair_body(h, carry):
        e = 2 * h
        o = e + 1
        start_gather(gidx_b, rows_b, o, gsb)
        wait_gather(gidx_a, rows_a, gsa)
        pl.when(h > 0)(lambda: wait_out(outv_a, osa))
        transpose_block(rows_a, outv_a, e)
        start_out(outv_a, e, osa)
        pl.when(h < _NPAIR - 1)(
            lambda: start_gather(gidx_a, rows_a, e + 2, gsa))
        wait_gather(gidx_b, rows_b, gsb)
        pl.when(h > 0)(lambda: wait_out(outv_b, osb))
        transpose_block(rows_b, outv_b, o)
        start_out(outv_b, o, osb)
        return carry

    lax.fori_loop(0, _NPAIR, pair_body, 0)
    wait_out(outv_a, osa)
    wait_out(outv_b, osb)


def kernel(x, table):
    xt = x.T.reshape(_NBLK, _LANES).astype(jnp.int32)
    tt = table.T
    ttail = table[_VMAIN:, :].T
    tpack = _pack_table(tt, ttail)
    trows = tpack.reshape(_V, _D)
    out5 = _gather(xt, trows)
    return out5.transpose(2, 4, 0, 1, 3).reshape(_BATCH, _SEQ, _D)

# --- scband reference (transcript-rebuilt; emitter-appended) ---
"""Pipeline reference for scband-vocabulary-embedder-68882685493837 (READ-ONLY COPY).

The authoritative reference and input builder live on the scoring server;
editing this copy changes nothing except your own understanding.
"""

import jax, jax.numpy as jnp
import numpy as np

TOTAL_VOCAB_SIZE = 1000000
EMBEDDING_DIMENSION = 64

def setup_inputs(seed: int = 0) -> dict:
    key = jax.random.key(seed)
    k_idx, k_tab = jax.random.split(key)
    x = jax.random.randint(k_idx, (4096, 200), 0, TOTAL_VOCAB_SIZE, dtype=jnp.int64 if jax.config.jax_enable_x64 else jnp.int32)
    table = jax.random.normal(k_tab, (TOTAL_VOCAB_SIZE, EMBEDDING_DIMENSION), dtype=jnp.float32)
    return {"x": x, "table": table}

def reference(x, table):
    # nn.Embedding lookup: gather rows of the embedding table
    emb = jnp.take(table, x, axis=0)  # [B, L, D]
    # Scale by sqrt(embedding_dimension) as in "Attention is All You Need"
    emb = emb * np.sqrt(EMBEDDING_DIMENSION)
    return emb

if __name__ == "__main__":
    import jax
    _d = setup_inputs()
    print(jax.jit(kernel)(*tuple(_d.values())))

</pallas_src>

<mosaic_0001>
#map = affine_map<(d0, d1) -> (0, 0)>
#map1 = affine_map<(d0, d1) -> (0, 0, 0, 0, 0)>
module attributes {stable_mosaic.version = 14 : i64} {
  func.func @_gather(%arg0: i32, %arg1: i32, %arg2: memref<6400x128xi32, #tpu.memory_space<hbm>>, %arg3: memref<1000000x64xf32, #tpu.memory_space<hbm>>, %arg4: memref<200x8x32x8x128xf32, #tpu.memory_space<hbm>>, %arg5: memref<200x128xi32, #tpu.memory_space<vmem>>, %arg6: memref<128xi32, #tpu.memory_space<vmem>>, %arg7: memref<128xi32, #tpu.memory_space<vmem>>, %arg8: memref<128x64xf32, #tpu.memory_space<vmem>>, %arg9: memref<128x64xf32, #tpu.memory_space<vmem>>, %arg10: memref<64x128xf32, #tpu.memory_space<vmem>>, %arg11: memref<64x128xf32, #tpu.memory_space<vmem>>, %arg12: memref<!tpu.dma_semaphore, #tpu.memory_space<semaphore_mem>>, %arg13: memref<!tpu.dma_semaphore, #tpu.memory_space<semaphore_mem>>, %arg14: memref<!tpu.dma_semaphore, #tpu.memory_space<semaphore_mem>>, %arg15: memref<!tpu.dma_semaphore, #tpu.memory_space<semaphore_mem>>) attributes {dimension_semantics = [#tpu.dimension_semantics<core_parallel>, #tpu.dimension_semantics<subcore_parallel>], iteration_bounds = array<i64: 2, 16>, scalar_prefetch = 0 : i64, scratch_operands = 11 : i64, tpu.core_type = #tpu.core_type<sc_vector_subcore>, window_params = [{transform_indices = #map}, {transform_indices = #map}, {transform_indices = #map1}]} {
    %mul3A = arith.constant 2 : i32
    %mul3A_0 = arith.muli %arg1, %mul3A : i32
    %add3A = arith.addi %mul3A_0, %arg0 : i32
    %mul3A_1 = arith.constant 200 : i32
    %mul3A_2 = arith.muli %add3A, %mul3A_1 : i32
    "tpu.region"() ({
      %run_scoped3A = tpu.sem_alloc : memref<!tpu.dma_semaphore, #tpu.memory_space<semaphore_mem>>
      %dma_start3A_283 = arith.constant 0 : i32
      %dma_start3A_284 = tpu.memref_slice %arg2[%mul3A_2, %dma_start3A_283] : memref<6400x128xi32, #tpu.memory_space<hbm>> -> memref<200x128xi32, #tpu.memory_space<hbm>>
      %dma_start3A_285 = arith.constant 0 : i32
      %dma_start3A_286 = tpu.memref_slice %arg2[%mul3A_2, %dma_start3A_285] : memref<6400x128xi32, #tpu.memory_space<hbm>> -> memref<200x128xi32, #tpu.memory_space<hbm>>
      tpu.enqueue_dma source(%dma_start3A_286 : memref<200x128xi32, #tpu.memory_space<hbm>>) target(%arg5 : memref<200x128xi32, #tpu.memory_space<vmem>>) target_semaphore(%run_scoped3A : memref<!tpu.dma_semaphore, #tpu.memory_space<semaphore_mem>>)
      %dma_wait3A_287 = arith.constant 0 : i32
      %dma_wait3A_288 = tpu.memref_slice %arg2[%mul3A_2, %dma_wait3A_287] : memref<6400x128xi32, #tpu.memory_space<hbm>> -> memref<200x128xi32, #tpu.memory_space<hbm>>
      %dma_wait3A_289 = arith.constant 0 : i32
      %dma_wait3A_290 = tpu.memref_slice %arg2[%mul3A_2, %dma_wait3A_289] : memref<6400x128xi32, #tpu.memory_space<hbm>> -> memref<200x128xi32, #tpu.memory_space<hbm>>
      tpu.wait_dma2 semaphore(%run_scoped3A : memref<!tpu.dma_semaphore, #tpu.memory_space<semaphore_mem>>) src(%dma_wait3A_290 : memref<200x128xi32, #tpu.memory_space<hbm>>) dst(%arg5 : memref<200x128xi32, #tpu.memory_space<vmem>>)
      tpu.yield
    }) : () -> ()
    %iota3A = tpu.iota {dimensions = array<i32: 0>} : vector<16xi32>
    %parallel_loop3A = arith.constant 0 : i32
    %parallel_loop3A_3 = arith.constant 8 : i32
    %parallel_loop3A_4 = arith.constant 1 : i32
    scf.for %parallel_loop3A_283 = %parallel_loop3A to %parallel_loop3A_3 step %parallel_loop3A_4  : i32 {
      %parallel_loop3A_284 = arith.constant 16 : i32
      %parallel_loop3A_285 = arith.muli %parallel_loop3A_283, %parallel_loop3A_284 : i32
      %parallel_loop3A_286 = arith.constant 0 : i32
      %parallel_loop3A_287 = arith.index_cast %parallel_loop3A_286 : i32 to index
      %parallel_loop3A_288 = arith.index_cast %parallel_loop3A_285 : i32 to index
      %parallel_loop3A_289 = tpu.vector_load %arg5[%parallel_loop3A_287, %parallel_loop3A_288] {strides = array<i32>} : memref<200x128xi32, #tpu.memory_space<vmem>>, vector<16xi32>,
      %parallel_loop3A_290 = arith.constant 16 : i32
      %parallel_loop3A_291 = arith.muli %parallel_loop3A_283, %parallel_loop3A_290 : i32
      %parallel_loop3A_292 = arith.index_cast %parallel_loop3A_291 : i32 to index
      %parallel_loop3A_293 = tpu.vector_load %arg6[%parallel_loop3A_292] {strides = array<i32>} : memref<128xi32, #tpu.memory_space<vmem>>, vector<16xi32>,
      tpu.vector_store %arg6[%parallel_loop3A_292], %parallel_loop3A_289 {strides = array<i32>} : memref<128xi32, #tpu.memory_space<vmem>>, vector<16xi32>,
    } {sc.loop_unroll_factor = 1 : i64, sc.parallel_access}
    %dma_start3A = arith.constant 0 : i32
    %dma_start3A_5 = arith.constant 0 : i32
    %dma_start3A_6 = tpu.memref_slice %arg3[%dma_start3A, %dma_start3A_5] : memref<1000000x64xf32, #tpu.memory_space<hbm>> -> memref<1000000x64xf32, #tpu.memory_space<hbm>>
    tpu.enqueue_indirect_dma source(%dma_start3A_6 : memref<1000000x64xf32, #tpu.memory_space<hbm>>) target(%arg8 : memref<128x64xf32, #tpu.memory_space<vmem>>) offsets(%arg6 : memref<128xi32, #tpu.memory_space<vmem>>) semaphore(%arg12 : memref<!tpu.dma_semaphore, #tpu.memory_space<semaphore_mem>>)
    %scan3A = arith.constant 0 : i32
    %scan3A_7 = arith.constant 0 : i32
    %scan3A_8 = arith.constant 100 : i32
    %scan3A_9 = arith.addi %scan3A_7, %scan3A_8 : i32
    %scan3A_10 = arith.constant 1 : i32
    scf.for %scan3A_283 = %scan3A_7 to %scan3A_9 step %scan3A_10  : i32 {
      %mul3A_284 = arith.constant 2 : i32
      %mul3A_285 = arith.muli %mul3A_284, %scan3A_283 : i32
      %add3A_286 = arith.constant 1 : i32
      %add3A_287 = arith.addi %mul3A_285, %add3A_286 : i32
      %parallel_loop3A_288 = arith.constant 0 : i32
      %parallel_loop3A_289 = arith.constant 8 : i32
      %parallel_loop3A_290 = arith.constant 1 : i32
      scf.for %parallel_loop3A_630 = %parallel_loop3A_288 to %parallel_loop3A_289 step %parallel_loop3A_290  : i32 {
        %parallel_loop3A_631 = arith.constant 16 : i32
        %parallel_loop3A_632 = arith.muli %parallel_loop3A_630, %parallel_loop3A_631 : i32
        %parallel_loop3A_633 = arith.index_cast %add3A_287 : i32 to index
        %parallel_loop3A_634 = arith.index_cast %parallel_loop3A_632 : i32 to index
        %parallel_loop3A_635 = tpu.vector_load %arg5[%parallel_loop3A_633, %parallel_loop3A_634] {strides = array<i32>} : memref<200x128xi32, #tpu.memory_space<vmem>>, vector<16xi32>,
        %parallel_loop3A_636 = arith.constant 16 : i32
        %parallel_loop3A_637 = arith.muli %parallel_loop3A_630, %parallel_loop3A_636 : i32
        %parallel_loop3A_638 = arith.index_cast %parallel_loop3A_637 : i32 to index
        %parallel_loop3A_639 = tpu.vector_load %arg7[%parallel_loop3A_638] {strides = array<i32>} : memref<128xi32, #tpu.memory_space<vmem>>, vector<16xi32>,
        tpu.vector_store %arg7[%parallel_loop3A_638], %parallel_loop3A_635 {strides = array<i32>} : memref<128xi32, #tpu.memory_space<vmem>>, vector<16xi32>,
      } {sc.loop_unroll_factor = 1 : i64, sc.parallel_access}
      %dma_start3A_291 = arith.constant 0 : i32
      %dma_start3A_292 = arith.constant 0 : i32
      %dma_start3A_293 = tpu.memref_slice %arg3[%dma_start3A_291, %dma_start3A_292] : memref<1000000x64xf32, #tpu.memory_space<hbm>> -> memref<1000000x64xf32, #tpu.memory_space<hbm>>
      tpu.enqueue_indirect_dma source(%dma_start3A_293 : memref<1000000x64xf32, #tpu.memory_space<hbm>>) target(%arg9 : memref<128x64xf32, #tpu.memory_space<vmem>>) offsets(%arg7 : memref<128xi32, #tpu.memory_space<vmem>>) semaphore(%arg13 : memref<!tpu.dma_semaphore, #tpu.memory_space<semaphore_mem>>)
      %dma_wait3A_294 = arith.constant 0 : i32
      %dma_wait3A_295 = arith.constant 0 : i32
      %dma_wait3A_296 = tpu.memref_slice %arg3[%dma_wait3A_294, %dma_wait3A_295] : memref<1000000x64xf32, #tpu.memory_space<hbm>> -> memref<1000000x64xf32, #tpu.memory_space<hbm>>
      tpu.wait_indirect_dma semaphore(%arg12 : memref<!tpu.dma_semaphore, #tpu.memory_space<semaphore_mem>>) src(%dma_wait3A_296 : memref<1000000x64xf32, #tpu.memory_space<hbm>>) dst(%arg8 : memref<128x64xf32, #tpu.memory_space<vmem>>)
      %gt3A = arith.constant 0 : i32
      %gt3A_297 = arith.cmpi sgt, %scan3A_283, %gt3A : i32
      %convert_element_type3A = arith.extui %gt3A_297 : i1 to i32
      %cond3A = arith.constant 0 : i32
      %cond3A_298 = arith.cmpi ne, %convert_element_type3A, %cond3A : i32
      scf.if %cond3A_298 {
        %dma_wait3A_630 = arith.constant 0 : i32
        %dma_wait3A_631 = arith.constant 0 : i32
        %dma_wait3A_632 = arith.constant 0 : i32
        %dma_wait3A_633 = arith.constant 0 : i32
        %dma_wait3A_634 = arith.constant 0 : i32
        %dma_wait3A_635 = tpu.memref_slice %arg10[%dma_wait3A_633, %dma_wait3A_634] : memref<64x128xf32, #tpu.memory_space<vmem>> -> memref<8x128xf32, #tpu.memory_space<vmem>>
        %dma_wait3A_636 = arith.constant 0 : i32
        %dma_wait3A_637 = arith.constant 0 : i32
        %dma_wait3A_638 = tpu.memref_slice %arg4[%dma_wait3A_630, %dma_wait3A_631, %dma_wait3A_632, %dma_wait3A_636, %dma_wait3A_637] : memref<200x8x32x8x128xf32, #tpu.memory_space<hbm>> -> memref<1x1x1x8x128xf32, #tpu.memory_space<hbm>>
        %dma_wait3A_639 = tpu.memref_squeeze %dma_wait3A_638 : memref<1x1x1x8x128xf32, #tpu.memory_space<hbm>> -> memref<8x128xf32, #tpu.memory_space<hbm>>
        %dma_wait3A_640 = arith.constant 0 : i32
        %dma_wait3A_641 = arith.constant 0 : i32
        %dma_wait3A_642 = tpu.memref_slice %arg4[%dma_wait3A_630, %dma_wait3A_631, %dma_wait3A_632, %dma_wait3A_640, %dma_wait3A_641] : memref<200x8x32x8x128xf32, #tpu.memory_space<hbm>> -> memref<1x1x1x8x128xf32, #tpu.memory_space<hbm>>
        %dma_wait3A_643 = tpu.memref_squeeze %dma_wait3A_642 : memref<1x1x1x8x128xf32, #tpu.memory_space<hbm>> -> memref<8x128xf32, #tpu.memory_space<hbm>>
        %dma_wait3A_644 = arith.constant 0 : i32
        %dma_wait3A_645 = arith.constant 0 : i32
        %dma_wait3A_646 = tpu.memref_slice %arg10[%dma_wait3A_644, %dma_wait3A_645] : memref<64x128xf32, #tpu.memory_space<vmem>> -> memref<8x128xf32, #tpu.memory_space<vmem>>
        tpu.wait_dma2 semaphore(%arg14 : memref<!tpu.dma_semaphore, #tpu.memory_space<semaphore_mem>>) src(%dma_wait3A_646 : memref<8x128xf32, #tpu.memory_space<vmem>>) dst(%dma_wait3A_643 : memref<8x128xf32, #tpu.memory_space<hbm>>)
        %dma_wait3A_647 = arith.constant 0 : i32
        %dma_wait3A_648 = arith.constant 1 : i32
        %dma_wait3A_649 = arith.constant 0 : i32
        %dma_wait3A_650 = arith.constant 8 : i32
        %dma_wait3A_651 = arith.constant 0 : i32
        %dma_wait3A_652 = tpu.memref_slice %arg10[%dma_wait3A_650, %dma_wait3A_651] : memref<64x128xf32, #tpu.memory_space<vmem>> -> memref<8x128xf32, #tpu.memory_space<vmem>>
        %dma_wait3A_653 = arith.constant 0 : i32
        %dma_wait3A_654 = arith.constant 0 : i32
        %dma_wait3A_655 = tpu.memref_slice %arg4[%dma_wait3A_647, %dma_wait3A_648, %dma_wait3A_649, %dma_wait3A_653, %dma_wait3A_654] : memref<200x8x32x8x128xf32, #tpu.memory_space<hbm>> -> memref<1x1x1x8x128xf32, #tpu.memory_space<hbm>>
        %dma_wait3A_656 = tpu.memref_squeeze %dma_wait3A_655 : memref<1x1x1x8x128xf32, #tpu.memory_space<hbm>> -> memref<8x128xf32, #tpu.memory_space<hbm>>
        %dma_wait3A_657 = arith.constant 0 : i32
        %dma_wait3A_658 = arith.constant 0 : i32
        %dma_wait3A_659 = tpu.memref_slice %arg4[%dma_wait3A_647, %dma_wait3A_648, %dma_wait3A_649, %dma_wait3A_657, %dma_wait3A_658] : memref<200x8x32x8x128xf32, #tpu.memory_space<hbm>> -> memref<1x1x1x8x128xf32, #tpu.memory_space<hbm>>
        %dma_wait3A_660 = tpu.memref_squeeze %dma_wait3A_659 : memref<1x1x1x8x128xf32, #tpu.memory_space<hbm>> -> memref<8x128xf32, #tpu.memory_space<hbm>>
        %dma_wait3A_661 = arith.constant 8 : i32
        %dma_wait3A_662 = arith.constant 0 : i32
        %dma_wait3A_663 = tpu.memref_slice %arg10[%dma_wait3A_661, %dma_wait3A_662] : memref<64x128xf32, #tpu.memory_space<vmem>> -> memref<8x128xf32, #tpu.memory_space<vmem>>
        tpu.wait_dma2 semaphore(%arg14 : memref<!tpu.dma_semaphore, #tpu.memory_space<semaphore_mem>>) src(%dma_wait3A_663 : memref<8x128xf32, #tpu.memory_space<vmem>>) dst(%dma_wait3A_660 : memref<8x128xf32, #tpu.memory_space<hbm>>)
        %dma_wait3A_664 = arith.constant 0 : i32
        %dma_wait3A_665 = arith.constant 2 : i32
        %dma_wait3A_666 = arith.constant 0 : i32
        %dma_wait3A_667 = arith.constant 16 : i32
        %dma_wait3A_668 = arith.constant 0 : i32
        %dma_wait3A_669 = tpu.memref_slice %arg10[%dma_wait3A_667, %dma_wait3A_668] : memref<64x128xf32, #tpu.memory_space<vmem>> -> memref<8x128xf32, #tpu.memory_space<vmem>>
        %dma_wait3A_670 = arith.constant 0 : i32
        %dma_wait3A_671 = arith.constant 0 : i32
        %dma_wait3A_672 = tpu.memref_slice %arg4[%dma_wait3A_664, %dma_wait3A_665, %dma_wait3A_666, %dma_wait3A_670, %dma_wait3A_671] : memref<200x8x32x8x128xf32, #tpu.memory_space<hbm>> -> memref<1x1x1x8x128xf32, #tpu.memory_space<hbm>>
        %dma_wait3A_673 = tpu.memref_squeeze %dma_wait3A_672 : memref<1x1x1x8x128xf32, #tpu.memory_space<hbm>> -> memref<8x128xf32, #tpu.memory_space<hbm>>
        %dma_wait3A_674 = arith.constant 0 : i32
        %dma_wait3A_675 = arith.constant 0 : i32
        %dma_wait3A_676 = tpu.memref_slice %arg4[%dma_wait3A_664, %dma_wait3A_665, %dma_wait3A_666, %dma_wait3A_674, %dma_wait3A_675] : memref<200x8x32x8x128xf32, #tpu.memory_space<hbm>> -> memref<1x1x1x8x128xf32, #tpu.memory_space<hbm>>
        %dma_wait3A_677 = tpu.memref_squeeze %dma_wait3A_676 : memref<1x1x1x8x128xf32, #tpu.memory_space<hbm>> -> memref<8x128xf32, #tpu.memory_space<hbm>>
        %dma_wait3A_678 = arith.constant 16 : i32
        %dma_wait3A_679 = arith.constant 0 : i32
        %dma_wait3A_680 = tpu.memref_slice %arg10[%dma_wait3A_678, %dma_wait3A_679] : memref<64x128xf32, #tpu.memory_space<vmem>> -> memref<8x128xf32, #tpu.memory_space<vmem>>
        tpu.wait_dma2 semaphore(%arg14 : memref<!tpu.dma_semaphore, #tpu.memory_space<semaphore_mem>>) src(%dma_wait3A_680 : memref<8x128xf32, #tpu.memory_space<vmem>>) dst(%dma_wait3A_677 : memref<8x128xf32, #tpu.memory_space<hbm>>)
        %dma_wait3A_681 = arith.constant 0 : i32
        %dma_wait3A_682 = arith.constant 3 : i32
        %dma_wait3A_683 = arith.constant 0 : i32
        %dma_wait3A_684 = arith.constant 24 : i32
        %dma_wait3A_685 = arith.constant 0 : i32
        %dma_wait3A_686 = tpu.memref_slice %arg10[%dma_wait3A_684, %dma_wait3A_685] : memref<64x128xf32, #tpu.memory_space<vmem>> -> memref<8x128xf32, #tpu.memory_space<vmem>>
        %dma_wait3A_687 = arith.constant 0 : i32
        %dma_wait3A_688 = arith.constant 0 : i32
        %dma_wait3A_689 = tpu.memref_slice %arg4[%dma_wait3A_681, %dma_wait3A_682, %dma_wait3A_683, %dma_wait3A_687, %dma_wait3A_688] : memref<200x8x32x8x128xf32, #tpu.memory_space<hbm>> -> memref<1x1x1x8x128xf32, #tpu.memory_space<hbm>>
        %dma_wait3A_690 = tpu.memref_squeeze %dma_wait3A_689 : memref<1x1x1x8x128xf32, #tpu.memory_space<hbm>> -> memref<8x128xf32, #tpu.memory_space<hbm>>
        %dma_wait3A_691 = arith.constant 0 : i32
        %dma_wait3A_692 = arith.constant 0 : i32
        %dma_wait3A_693 = tpu.memref_slice %arg4[%dma_wait3A_681, %dma_wait3A_682, %dma_wait3A_683, %dma_wait3A_691, %dma_wait3A_692] : memref<200x8x32x8x128xf32, #tpu.memory_space<hbm>> -> memref<1x1x1x8x128xf32, #tpu.memory_space<hbm>>
        %dma_wait3A_694 = tpu.memref_squeeze %dma_wait3A_693 : memref<1x1x1x8x128xf32, #tpu.memory_space<hbm>> -> memref<8x128xf32, #tpu.memory_space<hbm>>
        %dma_wait3A_695 = arith.constant 24 : i32
        %dma_wait3A_696 = arith.constant 0 : i32
        %dma_wait3A_697 = tpu.memref_slice %arg10[%dma_wait3A_695, %dma_wait3A_696] : memref<64x128xf32, #tpu.memory_space<vmem>> -> memref<8x128xf32, #tpu.memory_space<vmem>>
        tpu.wait_dma2 semaphore(%arg14 : memref<!tpu.dma_semaphore, #tpu.memory_space<semaphore_mem>>) src(%dma_wait3A_697 : memref<8x128xf32, #tpu.memory_space<vmem>>) dst(%dma_wait3A_694 : memref<8x128xf32, #tpu.memory_space<hbm>>)
        %dma_wait3A_698 = arith.constant 0 : i32
        %dma_wait3A_699 = arith.constant 4 : i32
        %dma_wait3A_700 = arith.constant 0 : i32
        %dma_wait3A_701 = arith.constant 32 : i32
        %dma_wait3A_702 = arith.constant 0 : i32
        %dma_wait3A_703 = tpu.memref_slice %arg10[%dma_wait3A_701, %dma_wait3A_702] : memref<64x128xf32, #tpu.memory_space<vmem>> -> memref<8x128xf32, #tpu.memory_space<vmem>>
        %dma_wait3A_704 = arith.constant 0 : i32
        %dma_wait3A_705 = arith.constant 0 : i32
        %dma_wait3A_706 = tpu.memref_slice %arg4[%dma_wait3A_698, %dma_wait3A_699, %dma_wait3A_700, %dma_wait3A_704, %dma_wait3A_705] : memref<200x8x32x8x128xf32, #tpu.memory_space<hbm>> -> memref<1x1x1x8x128xf32, #tpu.memory_space<hbm>>
        %dma_wait3A_707 = tpu.memref_squeeze %dma_wait3A_706 : memref<1x1x1x8x128xf32, #tpu.memory_space<hbm>> -> memref<8x128xf32, #tpu.memory_space<hbm>>
        %dma_wait3A_708 = arith.constant 0 : i32
        %dma_wait3A_709 = arith.constant 0 : i32
        %dma_wait3A_710 = tpu.memref_slice %arg4[%dma_wait3A_698, %dma_wait3A_699, %dma_wait3A_700, %dma_wait3A_708, %dma_wait3A_709] : memref<200x8x32x8x128xf32, #tpu.memory_space<hbm>> -> memref<1x1x1x8x128xf32, #tpu.memory_space<hbm>>
        %dma_wait3A_711 = tpu.memref_squeeze %dma_wait3A_710 : memref<1x1x1x8x128xf32, #tpu.memory_space<hbm>> -> memref<8x128xf32, #tpu.memory_space<hbm>>
        %dma_wait3A_712 = arith.constant 32 : i32
        %dma_wait3A_713 = arith.constant 0 : i32
        %dma_wait3A_714 = tpu.memref_slice %arg10[%dma_wait3A_712, %dma_wait3A_713] : memref<64x128xf32, #tpu.memory_space<vmem>> -> memref<8x128xf32, #tpu.memory_space<vmem>>
        tpu.wait_dma2 semaphore(%arg14 : memref<!tpu.dma_semaphore, #tpu.memory_space<semaphore_mem>>) src(%dma_wait3A_714 : memref<8x128xf32, #tpu.memory_space<vmem>>) dst(%dma_wait3A_711 : memref<8x128xf32, #tpu.memory_space<hbm>>)
        %dma_wait3A_715 = arith.constant 0 : i32
        %dma_wait3A_716 = arith.constant 5 : i32
        %dma_wait3A_717 = arith.constant 0 : i32
        %dma_wait3A_718 = arith.constant 40 : i32
        %dma_wait3A_719 = arith.constant 0 : i32
        %dma_wait3A_720 = tpu.memref_slice %arg10[%dma_wait3A_718, %dma_wait3A_719] : memref<64x128xf32, #tpu.memory_space<vmem>> -> memref<8x128xf32, #tpu.memory_space<vmem>>
        %dma_wait3A_721 = arith.constant 0 : i32
        %dma_wait3A_722 = arith.constant 0 : i32
        %dma_wait3A_723 = tpu.memref_slice %arg4[%dma_wait3A_715, %dma_wait3A_716, %dma_wait3A_717, %dma_wait3A_721, %dma_wait3A_722] : memref<200x8x32x8x128xf32, #tpu.memory_space<hbm>> -> memref<1x1x1x8x128xf32, #tpu.memory_space<hbm>>
        %dma_wait3A_724 = tpu.memref_squeeze %dma_wait3A_723 : memref<1x1x1x8x128xf32, #tpu.memory_space<hbm>> -> memref<8x128xf32, #tpu.memory_space<hbm>>
        %dma_wait3A_725 = arith.constant 0 : i32
        %dma_wait3A_726 = arith.constant 0 : i32
        %dma_wait3A_727 = tpu.memref_slice %arg4[%dma_wait3A_715, %dma_wait3A_716, %dma_wait3A_717, %dma_wait3A_725, %dma_wait3A_726] : memref<200x8x32x8x128xf32, #tpu.memory_space<hbm>> -> memref<1x1x1x8x128xf32, #tpu.memory_space<hbm>>
        %dma_wait3A_728 = tpu.memref_squeeze %dma_wait3A_727 : memref<1x1x1x8x128xf32, #tpu.memory_space<hbm>> -> memref<8x128xf32, #tpu.memory_space<hbm>>
        %dma_wait3A_729 = arith.constant 40 : i32
        %dma_wait3A_730 = arith.constant 0 : i32
        %dma_wait3A_731 = tpu.memref_slice %arg10[%dma_wait3A_729, %dma_wait3A_730] : memref<64x128xf32, #tpu.memory_space<vmem>> -> memref<8x128xf32, #tpu.memory_space<vmem>>
        tpu.wait_dma2 semaphore(%arg14 : memref<!tpu.dma_semaphore, #tpu.memory_space<semaphore_mem>>) src(%dma_wait3A_731 : memref<8x128xf32, #tpu.memory_space<vmem>>) dst(%dma_wait3A_728 : memref<8x128xf32, #tpu.memory_space<hbm>>)
        %dma_wait3A_732 = arith.constant 0 : i32
        %dma_wait3A_733 = arith.constant 6 : i32
        %dma_wait3A_734 = arith.constant 0 : i32
        %dma_wait3A_735 = arith.constant 48 : i32
        %dma_wait3A_736 = arith.constant 0 : i32
        %dma_wait3A_737 = tpu.memref_slice %arg10[%dma_wait3A_735, %dma_wait3A_736] : memref<64x128xf32, #tpu.memory_space<vmem>> -> memref<8x128xf32, #tpu.memory_space<vmem>>
        %dma_wait3A_738 = arith.constant 0 : i32
        %dma_wait3A_739 = arith.constant 0 : i32
        %dma_wait3A_740 = tpu.memref_slice %arg4[%dma_wait3A_732, %dma_wait3A_733, %dma_wait3A_734, %dma_wait3A_738, %dma_wait3A_739] : memref<200x8x32x8x128xf32, #tpu.memory_space<hbm>> -> memref<1x1x1x8x128xf32, #tpu.memory_space<hbm>>
        %dma_wait3A_741 = tpu.memref_squeeze %dma_wait3A_740 : memref<1x1x1x8x128xf32, #tpu.memory_space<hbm>> -> memref<8x128xf32, #tpu.memory_space<hbm>>
        %dma_wait3A_742 = arith.constant 0 : i32
        %dma_wait3A_743 = arith.constant 0 : i32
        %dma_wait3A_744 = tpu.memref_slice %arg4[%dma_wait3A_732, %dma_wait3A_733, %dma_wait3A_734, %dma_wait3A_742, %dma_wait3A_743] : memref<200x8x32x8x128xf32, #tpu.memory_space<hbm>> -> memref<1x1x1x8x128xf32, #tpu.memory_space<hbm>>
        %dma_wait3A_745 = tpu.memref_squeeze %dma_wait3A_744 : memref<1x1x1x8x128xf32, #tpu.memory_space<hbm>> -> memref<8x128xf32, #tpu.memory_space<hbm>>
        %dma_wait3A_746 = arith.constant 48 : i32
        %dma_wait3A_747 = arith.constant 0 : i32
        %dma_wait3A_748 = tpu.memref_slice %arg10[%dma_wait3A_746, %dma_wait3A_747] : memref<64x128xf32, #tpu.memory_space<vmem>> -> memref<8x128xf32, #tpu.memory_space<vmem>>
        tpu.wait_dma2 semaphore(%arg14 : memref<!tpu.dma_semaphore, #tpu.memory_space<semaphore_mem>>) src(%dma_wait3A_748 : memref<8x128xf32, #tpu.memory_space<vmem>>) dst(%dma_wait3A_745 : memref<8x128xf32, #tpu.memory_space<hbm>>)
        %dma_wait3A_749 = arith.constant 0 : i32
        %dma_wait3A_750 = arith.constant 7 : i32
        %dma_wait3A_751 = arith.constant 0 : i32
        %dma_wait3A_752 = arith.constant 56 : i32
        %dma_wait3A_753 = arith.constant 0 : i32
        %dma_wait3A_754 = tpu.memref_slice %arg10[%dma_wait3A_752, %dma_wait3A_753] : memref<64x128xf32, #tpu.memory_space<vmem>> -> memref<8x128xf32, #tpu.memory_space<vmem>>
        %dma_wait3A_755 = arith.constant 0 : i32
        %dma_wait3A_756 = arith.constant 0 : i32
        %dma_wait3A_757 = tpu.memref_slice %arg4[%dma_wait3A_749, %dma_wait3A_750, %dma_wait3A_751, %dma_wait3A_755, %dma_wait3A_756] : memref<200x8x32x8x128xf32, #tpu.memory_space<hbm>> -> memref<1x1x1x8x128xf32, #tpu.memory_space<hbm>>
        %dma_wait3A_758 = tpu.memref_squeeze %dma_wait3A_757 : memref<1x1x1x8x128xf32, #tpu.memory_space<hbm>> -> memref<8x128xf32, #tpu.memory_space<hbm>>
        %dma_wait3A_759 = arith.constant 0 : i32
        %dma_wait3A_760 = arith.constant 0 : i32
        %dma_wait3A_761 = tpu.memref_slice %arg4[%dma_wait3A_749, %dma_wait3A_750, %dma_wait3A_751, %dma_wait3A_759, %dma_wait3A_760] : memref<200x8x32x8x128xf32, #tpu.memory_space<hbm>> -> memref<1x1x1x8x128xf32, #tpu.memory_space<hbm>>
        %dma_wait3A_762 = tpu.memref_squeeze %dma_wait3A_761 : memref<1x1x1x8x128xf32, #tpu.memory_space<hbm>> -> memref<8x128xf32, #tpu.memory_space<hbm>>
        %dma_wait3A_763 = arith.constant 56 : i32
        %dma_wait3A_764 = arith.constant 0 : i32
        %dma_wait3A_765 = tpu.memref_slice %arg10[%dma_wait3A_763, %dma_wait3A_764] : memref<64x128xf32, #tpu.memory_space<vmem>> -> memref<8x128xf32, #tpu.memory_space<vmem>>
        tpu.wait_dma2 semaphore(%arg14 : memref<!tpu.dma_semaphore, #tpu.memory_space<semaphore_mem>>) src(%dma_wait3A_765 : memref<8x128xf32, #tpu.memory_space<vmem>>) dst(%dma_wait3A_762 : memref<8x128xf32, #tpu.memory_space<hbm>>)
      } else {
      }
      %parallel_loop3A_299 = arith.constant 0 : i32
      %parallel_loop3A_300 = arith.constant 8 : i32
      %parallel_loop3A_301 = arith.constant 1 : i32
      scf.for %parallel_loop3A_630 = %parallel_loop3A_299 to %parallel_loop3A_300 step %parallel_loop3A_301  : i32 {
        %parallel_loop3A_631 = arith.constant 16 : i32
        %parallel_loop3A_632 = arith.muli %parallel_loop3A_630, %parallel_loop3A_631 : i32
        %parallel_loop3A_633 = vector.broadcast %parallel_loop3A_632 : i32 to vector<16xi32>
        %parallel_loop3A_634 = arith.addi %parallel_loop3A_633, %iota3A : vector<16xi32>
        %parallel_loop3A_635 = arith.constant 0 : i32
        %parallel_loop3A_636 = arith.constant 64 : i32
        %parallel_loop3A_637 = arith.constant 1 : i32
        scf.for %parallel_loop3A_638 = %parallel_loop3A_635 to %parallel_loop3A_636 step %parallel_loop3A_637  : i32 {
          %parallel_loop3A_639 = vector.broadcast %parallel_loop3A_638 : i32 to vector<16xi32>
          %parallel_loop3A_640 = arith.addi %iota3A, %parallel_loop3A_639 : vector<16xi32>
          %parallel_loop3A_641 = arith.constant 63 : i32
          %parallel_loop3A_642 = vector.broadcast %parallel_loop3A_641 : i32 to vector<16xi32>
          %parallel_loop3A_643 = arith.andi %parallel_loop3A_640, %parallel_loop3A_642 : vector<16xi32>
          %parallel_loop3A_644 = tpu.vector_load_idx %arg8[%parallel_loop3A_634, %parallel_loop3A_643] : memref<128x64xf32, #tpu.memory_space<vmem>>[vector<16xi32>, vector<16xi32>], vector<16xf32>,
          %parallel_loop3A_645 = arith.constant 8.000000e+00 : f32
          %parallel_loop3A_646 = vector.broadcast %parallel_loop3A_645 : f32 to vector<16xf32>
          %parallel_loop3A_647 = arith.mulf %parallel_loop3A_644, %parallel_loop3A_646 : vector<16xf32>
          tpu.vector_store_idx %arg10[%parallel_loop3A_643, %parallel_loop3A_634], %parallel_loop3A_647 : memref<64x128xf32, #tpu.memory_space<vmem>>[vector<16xi32>, vector<16xi32>], vector<16xf32>,
        } {sc.loop_unroll_factor = 8 : i64, sc.parallel_access}
      } {sc.loop_unroll_factor = 1 : i64, sc.parallel_access}
      %add3A_302 = arith.addi %mul3A_2, %mul3A_285 : i32
      %jit3A = arith.constant 32 : i32
      %div3A = arith.divsi %add3A_302, %jit3A : i32
      %sign3A = arith.constant 0 : i32
      %sign3A_303 = arith.cmpi sgt, %add3A_302, %sign3A : i32
      %sign3A_304 = arith.extui %sign3A_303 : i1 to i32
      %sign3A_305 = arith.constant 0 : i32
      %sign3A_306 = arith.cmpi slt, %add3A_302, %sign3A_305 : i32
      %sign3A_307 = arith.extui %sign3A_306 : i1 to i32
      %sign3A_308 = arith.subi %sign3A_304, %sign3A_307 : i32
      %sign3A_309 = arith.constant 0 : i32
      %sign3A_310 = arith.cmpi sgt, %jit3A, %sign3A_309 : i32
      %sign3A_311 = arith.extui %sign3A_310 : i1 to i32
      %sign3A_312 = arith.constant 0 : i32
      %sign3A_313 = arith.cmpi slt, %jit3A, %sign3A_312 : i32
      %sign3A_314 = arith.extui %sign3A_313 : i1 to i32
      %sign3A_315 = arith.subi %sign3A_311, %sign3A_314 : i32
      %ne3A = arith.cmpi ne, %sign3A_308, %sign3A_315 : i32
      %rem3A = arith.remsi %add3A_302, %jit3A : i32
      %ne3A_316 = arith.constant 0 : i32
      %ne3A_317 = arith.cmpi ne, %rem3A, %ne3A_316 : i32
      %and3A = arith.andi %ne3A, %ne3A_317 : i1
      %sub3A = arith.constant 1 : i32
      %sub3A_318 = arith.subi %div3A, %sub3A : i32
      %select_n3A = arith.select %and3A, %sub3A_318, %div3A : i32
      %jit3A_319 = arith.constant 32 : i32
      %eq3A = arith.constant 0 : i32
      %eq3A_320 = arith.cmpi eq, %jit3A_319, %eq3A : i32
      %jit3A_321 = arith.constant 1 : i32
      %select_n3A_322 = arith.select %eq3A_320, %jit3A_321, %jit3A_319 : i32
      %rem3A_323 = arith.remsi %add3A_302, %select_n3A_322 : i32
      %ne3A_324 = arith.constant 0 : i32
      %ne3A_325 = arith.cmpi ne, %rem3A_323, %ne3A_324 : i32
      %lt3A = arith.constant 0 : i32
      %lt3A_326 = arith.cmpi slt, %rem3A_323, %lt3A : i32
      %lt3A_327 = arith.constant 0 : i32
      %lt3A_328 = arith.cmpi slt, %select_n3A_322, %lt3A_327 : i32
      %ne3A_329 = arith.xori %lt3A_326, %lt3A_328 : i1
      %and3A_330 = arith.andi %ne3A_329, %ne3A_325 : i1
      %add3A_331 = arith.addi %rem3A_323, %select_n3A_322 : i32
      %select_n3A_332 = arith.select %and3A_330, %add3A_331, %rem3A_323 : i32
      %dma_start3A_333 = arith.constant 0 : i32
      %dma_start3A_334 = arith.constant 0 : i32
      %dma_start3A_335 = arith.constant 0 : i32
      %dma_start3A_336 = tpu.memref_slice %arg10[%dma_start3A_334, %dma_start3A_335] : memref<64x128xf32, #tpu.memory_space<vmem>> -> memref<8x128xf32, #tpu.memory_space<vmem>>
      %dma_start3A_337 = arith.constant 0 : i32
      %dma_start3A_338 = arith.constant 0 : i32
      %dma_start3A_339 = tpu.memref_slice %arg4[%select_n3A, %dma_start3A_333, %select_n3A_332, %dma_start3A_337, %dma_start3A_338] : memref<200x8x32x8x128xf32, #tpu.memory_space<hbm>> -> memref<1x1x1x8x128xf32, #tpu.memory_space<hbm>>
      %dma_start3A_340 = tpu.memref_squeeze %dma_start3A_339 : memref<1x1x1x8x128xf32, #tpu.memory_space<hbm>> -> memref<8x128xf32, #tpu.memory_space<hbm>>
      %dma_start3A_341 = arith.constant 0 : i32
      %dma_start3A_342 = arith.constant 0 : i32
      %dma_start3A_343 = tpu.memref_slice %arg4[%select_n3A, %dma_start3A_333, %select_n3A_332, %dma_start3A_341, %dma_start3A_342] : memref<200x8x32x8x128xf32, #tpu.memory_space<hbm>> -> memref<1x1x1x8x128xf32, #tpu.memory_space<hbm>>
      %dma_start3A_344 = tpu.memref_squeeze %dma_start3A_343 : memref<1x1x1x8x128xf32, #tpu.memory_space<hbm>> -> memref<8x128xf32, #tpu.memory_space<hbm>>
      %dma_start3A_345 = arith.constant 0 : i32
      %dma_start3A_346 = arith.constant 0 : i32
      %dma_start3A_347 = tpu.memref_slice %arg10[%dma_start3A_345, %dma_start3A_346] : memref<64x128xf32, #tpu.memory_space<vmem>> -> memref<8x128xf32, #tpu.memory_space<vmem>>
      tpu.enqueue_dma source(%dma_start3A_347 : memref<8x128xf32, #tpu.memory_space<vmem>>) target(%dma_start3A_344 : memref<8x128xf32, #tpu.memory_space<hbm>>) target_semaphore(%arg14 : memref<!tpu.dma_semaphore, #tpu.memory_space<semaphore_mem>>)
      %dma_start3A_348 = arith.constant 1 : i32
      %dma_start3A_349 = arith.constant 8 : i32
      %dma_start3A_350 = arith.constant 0 : i32
      %dma_start3A_351 = tpu.memref_slice %arg10[%dma_start3A_349, %dma_start3A_350] : memref<64x128xf32, #tpu.memory_space<vmem>> -> memref<8x128xf32, #tpu.memory_space<vmem>>
      %dma_start3A_352 = arith.constant 0 : i32
      %dma_start3A_353 = arith.constant 0 : i32
      %dma_start3A_354 = tpu.memref_slice %arg4[%select_n3A, %dma_start3A_348, %select_n3A_332, %dma_start3A_352, %dma_start3A_353] : memref<200x8x32x8x128xf32, #tpu.memory_space<hbm>> -> memref<1x1x1x8x128xf32, #tpu.memory_space<hbm>>
      %dma_start3A_355 = tpu.memref_squeeze %dma_start3A_354 : memref<1x1x1x8x128xf32, #tpu.memory_space<hbm>> -> memref<8x128xf32, #tpu.memory_space<hbm>>
      %dma_start3A_356 = arith.constant 0 : i32
      %dma_start3A_357 = arith.constant 0 : i32
      %dma_start3A_358 = tpu.memref_slice %arg4[%select_n3A, %dma_start3A_348, %select_n3A_332, %dma_start3A_356, %dma_start3A_357] : memref<200x8x32x8x128xf32, #tpu.memory_space<hbm>> -> memref<1x1x1x8x128xf32, #tpu.memory_space<hbm>>
      %dma_start3A_359 = tpu.memref_squeeze %dma_start3A_358 : memref<1x1x1x8x128xf32, #tpu.memory_space<hbm>> -> memref<8x128xf32, #tpu.memory_space<hbm>>
      %dma_start3A_360 = arith.constant 8 : i32
      %dma_start3A_361 = arith.constant 0 : i32
      %dma_start3A_362 = tpu.memref_slice %arg10[%dma_start3A_360, %dma_start3A_361] : memref<64x128xf32, #tpu.memory_space<vmem>> -> memref<8x128xf32, #tpu.memory_space<vmem>>
      tpu.enqueue_dma source(%dma_start3A_362 : memref<8x128xf32, #tpu.memory_space<vmem>>) target(%dma_start3A_359 : memref<8x128xf32, #tpu.memory_space<hbm>>) target_semaphore(%arg14 : memref<!tpu.dma_semaphore, #tpu.memory_space<semaphore_mem>>)
      %dma_start3A_363 = arith.constant 2 : i32
      %dma_start3A_364 = arith.constant 16 : i32
      %dma_start3A_365 = arith.constant 0 : i32
      %dma_start3A_366 = tpu.memref_slice %arg10[%dma_start3A_364, %dma_start3A_365] : memref<64x128xf32, #tpu.memory_space<vmem>> -> memref<8x128xf32, #tpu.memory_space<vmem>>
      %dma_start3A_367 = arith.constant 0 : i32
      %dma_start3A_368 = arith.constant 0 : i32
      %dma_start3A_369 = tpu.memref_slice %arg4[%select_n3A, %dma_start3A_363, %select_n3A_332, %dma_start3A_367, %dma_start3A_368] : memref<200x8x32x8x128xf32, #tpu.memory_space<hbm>> -> memref<1x1x1x8x128xf32, #tpu.memory_space<hbm>>
      %dma_start3A_370 = tpu.memref_squeeze %dma_start3A_369 : memref<1x1x1x8x128xf32, #tpu.memory_space<hbm>> -> memref<8x128xf32, #tpu.memory_space<hbm>>
      %dma_start3A_371 = arith.constant 0 : i32
      %dma_start3A_372 = arith.constant 0 : i32
      %dma_start3A_373 = tpu.memref_slice %arg4[%select_n3A, %dma_start3A_363, %select_n3A_332, %dma_start3A_371, %dma_start3A_372] : memref<200x8x32x8x128xf32, #tpu.memory_space<hbm>> -> memref<1x1x1x8x128xf32, #tpu.memory_space<hbm>>
      %dma_start3A_374 = tpu.memref_squeeze %dma_start3A_373 : memref<1x1x1x8x128xf32, #tpu.memory_space<hbm>> -> memref<8x128xf32, #tpu.memory_space<hbm>>
      %dma_start3A_375 = arith.constant 16 : i32
      %dma_start3A_376 = arith.constant 0 : i32
      %dma_start3A_377 = tpu.memref_slice %arg10[%dma_start3A_375, %dma_start3A_376] : memref<64x128xf32, #tpu.memory_space<vmem>> -> memref<8x128xf32, #tpu.memory_space<vmem>>
      tpu.enqueue_dma source(%dma_start3A_377 : memref<8x128xf32, #tpu.memory_space<vmem>>) target(%dma_start3A_374 : memref<8x128xf32, #tpu.memory_space<hbm>>) target_semaphore(%arg14 : memref<!tpu.dma_semaphore, #tpu.memory_space<semaphore_mem>>)
      %dma_start3A_378 = arith.constant 3 : i32
      %dma_start3A_379 = arith.constant 24 : i32
      %dma_start3A_380 = arith.constant 0 : i32
      %dma_start3A_381 = tpu.memref_slice %arg10[%dma_start3A_379, %dma_start3A_380] : memref<64x128xf32, #tpu.memory_space<vmem>> -> memref<8x128xf32, #tpu.memory_space<vmem>>
      %dma_start3A_382 = arith.constant 0 : i32
      %dma_start3A_383 = arith.constant 0 : i32
      %dma_start3A_384 = tpu.memref_slice %arg4[%select_n3A, %dma_start3A_378, %select_n3A_332, %dma_start3A_382, %dma_start3A_383] : memref<200x8x32x8x128xf32, #tpu.memory_space<hbm>> -> memref<1x1x1x8x128xf32, #tpu.memory_space<hbm>>
      %dma_start3A_385 = tpu.memref_squeeze %dma_start3A_384 : memref<1x1x1x8x128xf32, #tpu.memory_space<hbm>> -> memref<8x128xf32, #tpu.memory_space<hbm>>
      %dma_start3A_386 = arith.constant 0 : i32
      %dma_start3A_387 = arith.constant 0 : i32
      %dma_start3A_388 = tpu.memref_slice %arg4[%select_n3A, %dma_start3A_378, %select_n3A_332, %dma_start3A_386, %dma_start3A_387] : memref<200x8x32x8x128xf32, #tpu.memory_space<hbm>> -> memref<1x1x1x8x128xf32, #tpu.memory_space<hbm>>
      %dma_start3A_389 = tpu.memref_squeeze %dma_start3A_388 : memref<1x1x1x8x128xf32, #tpu.memory_space<hbm>> -> memref<8x128xf32, #tpu.memory_space<hbm>>
      %dma_start3A_390 = arith.constant 24 : i32
      %dma_start3A_391 = arith.constant 0 : i32
      %dma_start3A_392 = tpu.memref_slice %arg10[%dma_start3A_390, %dma_start3A_391] : memref<64x128xf32, #tpu.memory_space<vmem>> -> memref<8x128xf32, #tpu.memory_space<vmem>>
      tpu.enqueue_dma source(%dma_start3A_392 : memref<8x128xf32, #tpu.memory_space<vmem>>) target(%dma_start3A_389 : memref<8x128xf32, #tpu.memory_space<hbm>>) target_semaphore(%arg14 : memref<!tpu.dma_semaphore, #tpu.memory_space<semaphore_mem>>)
      %dma_start3A_393 = arith.constant 4 : i32
      %dma_start3A_394 = arith.constant 32 : i32
      %dma_start3A_395 = arith.constant 0 : i32
      %dma_start3A_396 = tpu.memref_slice %arg10[%dma_start3A_394, %dma_start3A_395] : memref<64x128xf32, #tpu.memory_space<vmem>> -> memref<8x128xf32, #tpu.memory_space<vmem>>
      %dma_start3A_397 = arith.constant 0 : i32
      %dma_start3A_398 = arith.constant 0 : i32
      %dma_start3A_399 = tpu.memref_slice %arg4[%select_n3A, %dma_start3A_393, %select_n3A_332, %dma_start3A_397, %dma_start3A_398] : memref<200x8x32x8x128xf32, #tpu.memory_space<hbm>> -> memref<1x1x1x8x128xf32, #tpu.memory_space<hbm>>
      %dma_start3A_400 = tpu.memref_squeeze %dma_start3A_399 : memref<1x1x1x8x128xf32, #tpu.memory_space<hbm>> -> memref<8x128xf32, #tpu.memory_space<hbm>>
      %dma_start3A_401 = arith.constant 0 : i32
      %dma_start3A_402 = arith.constant 0 : i32
      %dma_start3A_403 = tpu.memref_slice %arg4[%select_n3A, %dma_start3A_393, %select_n3A_332, %dma_start3A_401, %dma_start3A_402] : memref<200x8x32x8x128xf32, #tpu.memory_space<hbm>> -> memref<1x1x1x8x128xf32, #tpu.memory_space<hbm>>
      %dma_start3A_404 = tpu.memref_squeeze %dma_start3A_403 : memref<1x1x1x8x128xf32, #tpu.memory_space<hbm>> -> memref<8x128xf32, #tpu.memory_space<hbm>>
      %dma_start3A_405 = arith.constant 32 : i32
      %dma_start3A_406 = arith.constant 0 : i32
      %dma_start3A_407 = tpu.memref_slice %arg10[%dma_start3A_405, %dma_start3A_406] : memref<64x128xf32, #tpu.memory_space<vmem>> -> memref<8x128xf32, #tpu.memory_space<vmem>>
      tpu.enqueue_dma source(%dma_start3A_407 : memref<8x128xf32, #tpu.memory_space<vmem>>) target(%dma_start3A_404 : memref<8x128xf32, #tpu.memory_space<hbm>>) target_semaphore(%arg14 : memref<!tpu.dma_semaphore, #tpu.memory_space<semaphore_mem>>)
      %dma_start3A_408 = arith.constant 5 : i32
      %dma_start3A_409 = arith.constant 40 : i32
      %dma_start3A_410 = arith.constant 0 : i32
      %dma_start3A_411 = tpu.memref_slice %arg10[%dma_start3A_409, %dma_start3A_410] : memref<64x128xf32, #tpu.memory_space<vmem>> -> memref<8x128xf32, #tpu.memory_space<vmem>>
      %dma_start3A_412 = arith.constant 0 : i32
      %dma_start3A_413 = arith.constant 0 : i32
      %dma_start3A_414 = tpu.memref_slice %arg4[%select_n3A, %dma_start3A_408, %select_n3A_332, %dma_start3A_412, %dma_start3A_413] : memref<200x8x32x8x128xf32, #tpu.memory_space<hbm>> -> memref<1x1x1x8x128xf32, #tpu.memory_space<hbm>>
      %dma_start3A_415 = tpu.memref_squeeze %dma_start3A_414 : memref<1x1x1x8x128xf32, #tpu.memory_space<hbm>> -> memref<8x128xf32, #tpu.memory_space<hbm>>
      %dma_start3A_416 = arith.constant 0 : i32
      %dma_start3A_417 = arith.constant 0 : i32
      %dma_start3A_418 = tpu.memref_slice %arg4[%select_n3A, %dma_start3A_408, %select_n3A_332, %dma_start3A_416, %dma_start3A_417] : memref<200x8x32x8x128xf32, #tpu.memory_space<hbm>> -> memref<1x1x1x8x128xf32, #tpu.memory_space<hbm>>
      %dma_start3A_419 = tpu.memref_squeeze %dma_start3A_418 : memref<1x1x1x8x128xf32, #tpu.memory_space<hbm>> -> memref<8x128xf32, #tpu.memory_space<hbm>>
      %dma_start3A_420 = arith.constant 40 : i32
      %dma_start3A_421 = arith.constant 0 : i32
      %dma_start3A_422 = tpu.memref_slice %arg10[%dma_start3A_420, %dma_start3A_421] : memref<64x128xf32, #tpu.memory_space<vmem>> -> memref<8x128xf32, #tpu.memory_space<vmem>>
      tpu.enqueue_dma source(%dma_start3A_422 : memref<8x128xf32, #tpu.memory_space<vmem>>) target(%dma_start3A_419 : memref<8x128xf32, #tpu.memory_space<hbm>>) target_semaphore(%arg14 : memref<!tpu.dma_semaphore, #tpu.memory_space<semaphore_mem>>)
      %dma_start3A_423 = arith.constant 6 : i32
      %dma_start3A_424 = arith.constant 48 : i32
      %dma_start3A_425 = arith.constant 0 : i32
      %dma_start3A_426 = tpu.memref_slice %arg10[%dma_start3A_424, %dma_start3A_425] : memref<64x128xf32, #tpu.memory_space<vmem>> -> memref<8x128xf32, #tpu.memory_space<vmem>>
      %dma_start3A_427 = arith.constant 0 : i32
      %dma_start3A_428 = arith.constant 0 : i32
      %dma_start3A_429 = tpu.memref_slice %arg4[%select_n3A, %dma_start3A_423, %select_n3A_332, %dma_start3A_427, %dma_start3A_428] : memref<200x8x32x8x128xf32, #tpu.memory_space<hbm>> -> memref<1x1x1x8x128xf32, #tpu.memory_space<hbm>>
      %dma_start3A_430 = tpu.memref_squeeze %dma_start3A_429 : memref<1x1x1x8x128xf32, #tpu.memory_space<hbm>> -> memref<8x128xf32, #tpu.memory_space<hbm>>
      %dma_start3A_431 = arith.constant 0 : i32
      %dma_start3A_432 = arith.constant 0 : i32
      %dma_start3A_433 = tpu.memref_slice %arg4[%select_n3A, %dma_start3A_423, %select_n3A_332, %dma_start3A_431, %dma_start3A_432] : memref<200x8x32x8x128xf32, #tpu.memory_space<hbm>> -> memref<1x1x1x8x128xf32, #tpu.memory_space<hbm>>
      %dma_start3A_434 = tpu.memref_squeeze %dma_start3A_433 : memref<1x1x1x8x128xf32, #tpu.memory_space<hbm>> -> memref<8x128xf32, #tpu.memory_space<hbm>>
      %dma_start3A_435 = arith.constant 48 : i32
      %dma_start3A_436 = arith.constant 0 : i32
      %dma_start3A_437 = tpu.memref_slice %arg10[%dma_start3A_435, %dma_start3A_436] : memref<64x128xf32, #tpu.memory_space<vmem>> -> memref<8x128xf32, #tpu.memory_space<vmem>>
      tpu.enqueue_dma source(%dma_start3A_437 : memref<8x128xf32, #tpu.memory_space<vmem>>) target(%dma_start3A_434 : memref<8x128xf32, #tpu.memory_space<hbm>>) target_semaphore(%arg14 : memref<!tpu.dma_semaphore, #tpu.memory_space<semaphore_mem>>)
      %dma_start3A_438 = arith.constant 7 : i32
      %dma_start3A_439 = arith.constant 56 : i32
      %dma_start3A_440 = arith.constant 0 : i32
      %dma_start3A_441 = tpu.memref_slice %arg10[%dma_start3A_439, %dma_start3A_440] : memref<64x128xf32, #tpu.memory_space<vmem>> -> memref<8x128xf32, #tpu.memory_space<vmem>>
      %dma_start3A_442 = arith.constant 0 : i32
      %dma_start3A_443 = arith.constant 0 : i32
      %dma_start3A_444 = tpu.memref_slice %arg4[%select_n3A, %dma_start3A_438, %select_n3A_332, %dma_start3A_442, %dma_start3A_443] : memref<200x8x32x8x128xf32, #tpu.memory_space<hbm>> -> memref<1x1x1x8x128xf32, #tpu.memory_space<hbm>>
      %dma_start3A_445 = tpu.memref_squeeze %dma_start3A_444 : memref<1x1x1x8x128xf32, #tpu.memory_space<hbm>> -> memref<8x128xf32, #tpu.memory_space<hbm>>
      %dma_start3A_446 = arith.constant 0 : i32
      %dma_start3A_447 = arith.constant 0 : i32
      %dma_start3A_448 = tpu.memref_slice %arg4[%select_n3A, %dma_start3A_438, %select_n3A_332, %dma_start3A_446, %dma_start3A_447] : memref<200x8x32x8x128xf32, #tpu.memory_space<hbm>> -> memref<1x1x1x8x128xf32, #tpu.memory_space<hbm>>
      %dma_start3A_449 = tpu.memref_squeeze %dma_start3A_448 : memref<1x1x1x8x128xf32, #tpu.memory_space<hbm>> -> memref<8x128xf32, #tpu.memory_space<hbm>>
      %dma_start3A_450 = arith.constant 56 : i32
      %dma_start3A_451 = arith.constant 0 : i32
      %dma_start3A_452 = tpu.memref_slice %arg10[%dma_start3A_450, %dma_start3A_451] : memref<64x128xf32, #tpu.memory_space<vmem>> -> memref<8x128xf32, #tpu.memory_space<vmem>>
      tpu.enqueue_dma source(%dma_start3A_452 : memref<8x128xf32, #tpu.memory_space<vmem>>) target(%dma_start3A_449 : memref<8x128xf32, #tpu.memory_space<hbm>>) target_semaphore(%arg14 : memref<!tpu.dma_semaphore, #tpu.memory_space<semaphore_mem>>)
      %lt3A_453 = arith.constant 99 : i32
      %lt3A_454 = arith.cmpi slt, %scan3A_283, %lt3A_453 : i32
      %convert_element_type3A_455 = arith.extui %lt3A_454 : i1 to i32
      %cond3A_456 = arith.constant 0 : i32
      %cond3A_457 = arith.cmpi ne, %convert_element_type3A_455, %cond3A_456 : i32
      scf.if %cond3A_457 {
        %add3A_630 = arith.constant 2 : i32
        %add3A_631 = arith.addi %mul3A_285, %add3A_630 : i32
        %parallel_loop3A_632 = arith.constant 0 : i32
        %parallel_loop3A_633 = arith.constant 8 : i32
        %parallel_loop3A_634 = arith.constant 1 : i32
        scf.for %parallel_loop3A_638 = %parallel_loop3A_632 to %parallel_loop3A_633 step %parallel_loop3A_634  : i32 {
          %parallel_loop3A_639 = arith.constant 16 : i32
          %parallel_loop3A_640 = arith.muli %parallel_loop3A_638, %parallel_loop3A_639 : i32
          %parallel_loop3A_641 = arith.index_cast %add3A_631 : i32 to index
          %parallel_loop3A_642 = arith.index_cast %parallel_loop3A_640 : i32 to index
          %parallel_loop3A_643 = tpu.vector_load %arg5[%parallel_loop3A_641, %parallel_loop3A_642] {strides = array<i32>} : memref<200x128xi32, #tpu.memory_space<vmem>>, vector<16xi32>,
          %parallel_loop3A_644 = arith.constant 16 : i32
          %parallel_loop3A_645 = arith.muli %parallel_loop3A_638, %parallel_loop3A_644 : i32
          %parallel_loop3A_646 = arith.index_cast %parallel_loop3A_645 : i32 to index
          %parallel_loop3A_647 = tpu.vector_load %arg6[%parallel_loop3A_646] {strides = array<i32>} : memref<128xi32, #tpu.memory_space<vmem>>, vector<16xi32>,
          tpu.vector_store %arg6[%parallel_loop3A_646], %parallel_loop3A_643 {strides = array<i32>} : memref<128xi32, #tpu.memory_space<vmem>>, vector<16xi32>,
        } {sc.loop_unroll_factor = 1 : i64, sc.parallel_access}
        %dma_start3A_635 = arith.constant 0 : i32
        %dma_start3A_636 = arith.constant 0 : i32
        %dma_start3A_637 = tpu.memref_slice %arg3[%dma_start3A_635, %dma_start3A_636] : memref<1000000x64xf32, #tpu.memory_space<hbm>> -> memref<1000000x64xf32, #tpu.memory_space<hbm>>
        tpu.enqueue_indirect_dma source(%dma_start3A_637 : memref<1000000x64xf32, #tpu.memory_space<hbm>>) target(%arg8 : memref<128x64xf32, #tpu.memory_space<vmem>>) offsets(%arg6 : memref<128xi32, #tpu.memory_space<vmem>>) semaphore(%arg12 : memref<!tpu.dma_semaphore, #tpu.memory_space<semaphore_mem>>)
      } else {
      }
      %dma_wait3A_458 = arith.constant 0 : i32
      %dma_wait3A_459 = arith.constant 0 : i32
      %dma_wait3A_460 = tpu.memref_slice %arg3[%dma_wait3A_458, %dma_wait3A_459] : memref<1000000x64xf32, #tpu.memory_space<hbm>> -> memref<1000000x64xf32, #tpu.memory_space<hbm>>
      tpu.wait_indirect_dma semaphore(%arg13 : memref<!tpu.dma_semaphore, #tpu.memory_space<semaphore_mem>>) src(%dma_wait3A_460 : memref<1000000x64xf32, #tpu.memory_space<hbm>>) dst(%arg9 : memref<128x64xf32, #tpu.memory_space<vmem>>)
      %gt3A_461 = arith.constant 0 : i32
      %gt3A_462 = arith.cmpi sgt, %scan3A_283, %gt3A_461 : i32
      %convert_element_type3A_463 = arith.extui %gt3A_462 : i1 to i32
      %cond3A_464 = arith.constant 0 : i32
      %cond3A_465 = arith.cmpi ne, %convert_element_type3A_463, %cond3A_464 : i32
      scf.if %cond3A_465 {
        %dma_wait3A_630 = arith.constant 0 : i32
        %dma_wait3A_631 = arith.constant 0 : i32
        %dma_wait3A_632 = arith.constant 0 : i32
        %dma_wait3A_633 = arith.constant 0 : i32
        %dma_wait3A_634 = arith.constant 0 : i32
        %dma_wait3A_635 = tpu.memref_slice %arg11[%dma_wait3A_633, %dma_wait3A_634] : memref<64x128xf32, #tpu.memory_space<vmem>> -> memref<8x128xf32, #tpu.memory_space<vmem>>
        %dma_wait3A_636 = arith.constant 0 : i32
        %dma_wait3A_637 = arith.constant 0 : i32
        %dma_wait3A_638 = tpu.memref_slice %arg4[%dma_wait3A_630, %dma_wait3A_631, %dma_wait3A_632, %dma_wait3A_636, %dma_wait3A_637] : memref<200x8x32x8x128xf32, #tpu.memory_space<hbm>> -> memref<1x1x1x8x128xf32, #tpu.memory_space<hbm>>
        %dma_wait3A_639 = tpu.memref_squeeze %dma_wait3A_638 : memref<1x1x1x8x128xf32, #tpu.memory_space<hbm>> -> memref<8x128xf32, #tpu.memory_space<hbm>>
        %dma_wait3A_640 = arith.constant 0 : i32
        %dma_wait3A_641 = arith.constant 0 : i32
        %dma_wait3A_642 = tpu.memref_slice %arg4[%dma_wait3A_630, %dma_wait3A_631, %dma_wait3A_632, %dma_wait3A_640, %dma_wait3A_641] : memref<200x8x32x8x128xf32, #tpu.memory_space<hbm>> -> memref<1x1x1x8x128xf32, #tpu.memory_space<hbm>>
        %dma_wait3A_643 = tpu.memref_squeeze %dma_wait3A_642 : memref<1x1x1x8x128xf32, #tpu.memory_space<hbm>> -> memref<8x128xf32, #tpu.memory_space<hbm>>
        %dma_wait3A_644 = arith.constant 0 : i32
        %dma_wait3A_645 = arith.constant 0 : i32
        %dma_wait3A_646 = tpu.memref_slice %arg11[%dma_wait3A_644, %dma_wait3A_645] : memref<64x128xf32, #tpu.memory_space<vmem>> -> memref<8x128xf32, #tpu.memory_space<vmem>>
        tpu.wait_dma2 semaphore(%arg15 : memref<!tpu.dma_semaphore, #tpu.memory_space<semaphore_mem>>) src(%dma_wait3A_646 : memref<8x128xf32, #tpu.memory_space<vmem>>) dst(%dma_wait3A_643 : memref<8x128xf32, #tpu.memory_space<hbm>>)
        %dma_wait3A_647 = arith.constant 0 : i32
        %dma_wait3A_648 = arith.constant 1 : i32
        %dma_wait3A_649 = arith.constant 0 : i32
        %dma_wait3A_650 = arith.constant 8 : i32
        %dma_wait3A_651 = arith.constant 0 : i32
        %dma_wait3A_652 = tpu.memref_slice %arg11[%dma_wait3A_650, %dma_wait3A_651] : memref<64x128xf32, #tpu.memory_space<vmem>> -> memref<8x128xf32, #tpu.memory_space<vmem>>
        %dma_wait3A_653 = arith.constant 0 : i32
        %dma_wait3A_654 = arith.constant 0 : i32
        %dma_wait3A_655 = tpu.memref_slice %arg4[%dma_wait3A_647, %dma_wait3A_648, %dma_wait3A_649, %dma_wait3A_653, %dma_wait3A_654] : memref<200x8x32x8x128xf32, #tpu.memory_space<hbm>> -> memref<1x1x1x8x128xf32, #tpu.memory_space<hbm>>
        %dma_wait3A_656 = tpu.memref_squeeze %dma_wait3A_655 : memref<1x1x1x8x128xf32, #tpu.memory_space<hbm>> -> memref<8x128xf32, #tpu.memory_space<hbm>>
        %dma_wait3A_657 = arith.constant 0 : i32
        %dma_wait3A_658 = arith.constant 0 : i32
        %dma_wait3A_659 = tpu.memref_slice %arg4[%dma_wait3A_647, %dma_wait3A_648, %dma_wait3A_649, %dma_wait3A_657, %dma_wait3A_658] : memref<200x8x32x8x128xf32, #tpu.memory_space<hbm>> -> memref<1x1x1x8x128xf32, #tpu.memory_space<hbm>>
        %dma_wait3A_660 = tpu.memref_squeeze %dma_wait3A_659 : memref<1x1x1x8x128xf32, #tpu.memory_space<hbm>> -> memref<8x128xf32, #tpu.memory_space<hbm>>
        %dma_wait3A_661 = arith.constant 8 : i32
        %dma_wait3A_662 = arith.constant 0 : i32
        %dma_wait3A_663 = tpu.memref_slice %arg11[%dma_wait3A_661, %dma_wait3A_662] : memref<64x128xf32, #tpu.memory_space<vmem>> -> memref<8x128xf32, #tpu.memory_space<vmem>>
        tpu.wait_dma2 semaphore(%arg15 : memref<!tpu.dma_semaphore, #tpu.memory_space<semaphore_mem>>) src(%dma_wait3A_663 : memref<8x128xf32, #tpu.memory_space<vmem>>) dst(%dma_wait3A_660 : memref<8x128xf32, #tpu.memory_space<hbm>>)
        %dma_wait3A_664 = arith.constant 0 : i32
        %dma_wait3A_665 = arith.constant 2 : i32
        %dma_wait3A_666 = arith.constant 0 : i32
        %dma_wait3A_667 = arith.constant 16 : i32
        %dma_wait3A_668 = arith.constant 0 : i32
        %dma_wait3A_669 = tpu.memref_slice %arg11[%dma_wait3A_667, %dma_wait3A_668] : memref<64x128xf32, #tpu.memory_space<vmem>> -> memref<8x128xf32, #tpu.memory_space<vmem>>
        %dma_wait3A_670 = arith.constant 0 : i32
        %dma_wait3A_671 = arith.constant 0 : i32
        %dma_wait3A_672 = tpu.memref_slice %arg4[%dma_wait3A_664, %dma_wait3A_665, %dma_wait3A_666, %dma_wait3A_670, %dma_wait3A_671] : memref<200x8x32x8x128xf32, #tpu.memory_space<hbm>> -> memref<1x1x1x8x128xf32, #tpu.memory_space<hbm>>
        %dma_wait3A_673 = tpu.memref_squeeze %dma_wait3A_672 : memref<1x1x1x8x128xf32, #tpu.memory_space<hbm>> -> memref<8x128xf32, #tpu.memory_space<hbm>>
        %dma_wait3A_674 = arith.constant 0 : i32
        %dma_wait3A_675 = arith.constant 0 : i32
        %dma_wait3A_676 = tpu.memref_slice %arg4[%dma_wait3A_664, %dma_wait3A_665, %dma_wait3A_666, %dma_wait3A_674, %dma_wait3A_675] : memref<200x8x32x8x128xf32, #tpu.memory_space<hbm>> -> memref<1x1x1x8x128xf32, #tpu.memory_space<hbm>>
        %dma_wait3A_677 = tpu.memref_squeeze %dma_wait3A_676 : memref<1x1x1x8x128xf32, #tpu.memory_space<hbm>> -> memref<8x128xf32, #tpu.memory_space<hbm>>
        %dma_wait3A_678 = arith.constant 16 : i32
        %dma_wait3A_679 = arith.constant 0 : i32
        %dma_wait3A_680 = tpu.memref_slice %arg11[%dma_wait3A_678, %dma_wait3A_679] : memref<64x128xf32, #tpu.memory_space<vmem>> -> memref<8x128xf32, #tpu.memory_space<vmem>>
        tpu.wait_dma2 semaphore(%arg15 : memref<!tpu.dma_semaphore, #tpu.memory_space<semaphore_mem>>) src(%dma_wait3A_680 : memref<8x128xf32, #tpu.memory_space<vmem>>) dst(%dma_wait3A_677 : memref<8x128xf32, #tpu.memory_space<hbm>>)
        %dma_wait3A_681 = arith.constant 0 : i32
        %dma_wait3A_682 = arith.constant 3 : i32
        %dma_wait3A_683 = arith.constant 0 : i32
        %dma_wait3A_684 = arith.constant 24 : i32
        %dma_wait3A_685 = arith.constant 0 : i32
        %dma_wait3A_686 = tpu.memref_slice %arg11[%dma_wait3A_684, %dma_wait3A_685] : memref<64x128xf32, #tpu.memory_space<vmem>> -> memref<8x128xf32, #tpu.memory_space<vmem>>
        %dma_wait3A_687 = arith.constant 0 : i32
        %dma_wait3A_688 = arith.constant 0 : i32
        %dma_wait3A_689 = tpu.memref_slice %arg4[%dma_wait3A_681, %dma_wait3A_682, %dma_wait3A_683, %dma_wait3A_687, %dma_wait3A_688] : memref<200x8x32x8x128xf32, #tpu.memory_space<hbm>> -> memref<1x1x1x8x128xf32, #tpu.memory_space<hbm>>
        %dma_wait3A_690 = tpu.memref_squeeze %dma_wait3A_689 : memref<1x1x1x8x128xf32, #tpu.memory_space<hbm>> -> memref<8x128xf32, #tpu.memory_space<hbm>>
        %dma_wait3A_691 = arith.constant 0 : i32
        %dma_wait3A_692 = arith.constant 0 : i32
        %dma_wait3A_693 = tpu.memref_slice %arg4[%dma_wait3A_681, %dma_wait3A_682, %dma_wait3A_683, %dma_wait3A_691, %dma_wait3A_692] : memref<200x8x32x8x128xf32, #tpu.memory_space<hbm>> -> memref<1x1x1x8x128xf32, #tpu.memory_space<hbm>>
        %dma_wait3A_694 = tpu.memref_squeeze %dma_wait3A_693 : memref<1x1x1x8x128xf32, #tpu.memory_space<hbm>> -> memref<8x128xf32, #tpu.memory_space<hbm>>
        %dma_wait3A_695 = arith.constant 24 : i32
        %dma_wait3A_696 = arith.constant 0 : i32
        %dma_wait3A_697 = tpu.memref_slice %arg11[%dma_wait3A_695, %dma_wait3A_696] : memref<64x128xf32, #tpu.memory_space<vmem>> -> memref<8x128xf32, #tpu.memory_space<vmem>>
        tpu.wait_dma2 semaphore(%arg15 : memref<!tpu.dma_semaphore, #tpu.memory_space<semaphore_mem>>) src(%dma_wait3A_697 : memref<8x128xf32, #tpu.memory_space<vmem>>) dst(%dma_wait3A_694 : memref<8x128xf32, #tpu.memory_space<hbm>>)
        %dma_wait3A_698 = arith.constant 0 : i32
        %dma_wait3A_699 = arith.constant 4 : i32
        %dma_wait3A_700 = arith.constant 0 : i32
        %dma_wait3A_701 = arith.constant 32 : i32
        %dma_wait3A_702 = arith.constant 0 : i32
        %dma_wait3A_703 = tpu.memref_slice %arg11[%dma_wait3A_701, %dma_wait3A_702] : memref<64x128xf32, #tpu.memory_space<vmem>> -> memref<8x128xf32, #tpu.memory_space<vmem>>
        %dma_wait3A_704 = arith.constant 0 : i32
        %dma_wait3A_705 = arith.constant 0 : i32
        %dma_wait3A_706 = tpu.memref_slice %arg4[%dma_wait3A_698, %dma_wait3A_699, %dma_wait3A_700, %dma_wait3A_704, %dma_wait3A_705] : memref<200x8x32x8x128xf32, #tpu.memory_space<hbm>> -> memref<1x1x1x8x128xf32, #tpu.memory_space<hbm>>
        %dma_wait3A_707 = tpu.memref_squeeze %dma_wait3A_706 : memref<1x1x1x8x128xf32, #tpu.memory_space<hbm>> -> memref<8x128xf32, #tpu.memory_space<hbm>>
        %dma_wait3A_708 = arith.constant 0 : i32
        %dma_wait3A_709 = arith.constant 0 : i32
        %dma_wait3A_710 = tpu.memref_slice %arg4[%dma_wait3A_698, %dma_wait3A_699, %dma_wait3A_700, %dma_wait3A_708, %dma_wait3A_709] : memref<200x8x32x8x128xf32, #tpu.memory_space<hbm>> -> memref<1x1x1x8x128xf32, #tpu.memory_space<hbm>>
        %dma_wait3A_711 = tpu.memref_squeeze %dma_wait3A_710 : memref<1x1x1x8x128xf32, #tpu.memory_space<hbm>> -> memref<8x128xf32, #tpu.memory_space<hbm>>
        %dma_wait3A_712 = arith.constant 32 : i32
        %dma_wait3A_713 = arith.constant 0 : i32
        %dma_wait3A_714 = tpu.memref_slice %arg11[%dma_wait3A_712, %dma_wait3A_713] : memref<64x128xf32, #tpu.memory_space<vmem>> -> memref<8x128xf32, #tpu.memory_space<vmem>>
        tpu.wait_dma2 semaphore(%arg15 : memref<!tpu.dma_semaphore, #tpu.memory_space<semaphore_mem>>) src(%dma_wait3A_714 : memref<8x128xf32, #tpu.memory_space<vmem>>) dst(%dma_wait3A_711 : memref<8x128xf32, #tpu.memory_space<hbm>>)
        %dma_wait3A_715 = arith.constant 0 : i32
        %dma_wait3A_716 = arith.constant 5 : i32
        %dma_wait3A_717 = arith.constant 0 : i32
        %dma_wait3A_718 = arith.constant 40 : i32
        %dma_wait3A_719 = arith.constant 0 : i32
        %dma_wait3A_720 = tpu.memref_slice %arg11[%dma_wait3A_718, %dma_wait3A_719] : memref<64x128xf32, #tpu.memory_space<vmem>> -> memref<8x128xf32, #tpu.memory_space<vmem>>
        %dma_wait3A_721 = arith.constant 0 : i32
        %dma_wait3A_722 = arith.constant 0 : i32
        %dma_wait3A_723 = tpu.memref_slice %arg4[%dma_wait3A_715, %dma_wait3A_716, %dma_wait3A_717, %dma_wait3A_721, %dma_wait3A_722] : memref<200x8x32x8x128xf32, #tpu.memory_space<hbm>> -> memref<1x1x1x8x128xf32, #tpu.memory_space<hbm>>
        %dma_wait3A_724 = tpu.memref_squeeze %dma_wait3A_723 : memref<1x1x1x8x128xf32, #tpu.memory_space<hbm>> -> memref<8x128xf32, #tpu.memory_space<hbm>>
        %dma_wait3A_725 = arith.constant 0 : i32
        %dma_wait3A_726 = arith.constant 0 : i32
        %dma_wait3A_727 = tpu.memref_slice %arg4[%dma_wait3A_715, %dma_wait3A_716, %dma_wait3A_717, %dma_wait3A_725, %dma_wait3A_726] : memref<200x8x32x8x128xf32, #tpu.memory_space<hbm>> -> memref<1x1x1x8x128xf32, #tpu.memory_space<hbm>>
        %dma_wait3A_728 = tpu.memref_squeeze %dma_wait3A_727 : memref<1x1x1x8x128xf32, #tpu.memory_space<hbm>> -> memref<8x128xf32, #tpu.memory_space<hbm>>
        %dma_wait3A_729 = arith.constant 40 : i32
        %dma_wait3A_730 = arith.constant 0 : i32
        %dma_wait3A_731 = tpu.memref_slice %arg11[%dma_wait3A_729, %dma_wait3A_730] : memref<64x128xf32, #tpu.memory_space<vmem>> -> memref<8x128xf32, #tpu.memory_space<vmem>>
        tpu.wait_dma2 semaphore(%arg15 : memref<!tpu.dma_semaphore, #tpu.memory_space<semaphore_mem>>) src(%dma_wait3A_731 : memref<8x128xf32, #tpu.memory_space<vmem>>) dst(%dma_wait3A_728 : memref<8x128xf32, #tpu.memory_space<hbm>>)
        %dma_wait3A_732 = arith.constant 0 : i32
        %dma_wait3A_733 = arith.constant 6 : i32
        %dma_wait3A_734 = arith.constant 0 : i32
        %dma_wait3A_735 = arith.constant 48 : i32
        %dma_wait3A_736 = arith.constant 0 : i32
        %dma_wait3A_737 = tpu.memref_slice %arg11[%dma_wait3A_735, %dma_wait3A_736] : memref<64x128xf32, #tpu.memory_space<vmem>> -> memref<8x128xf32, #tpu.memory_space<vmem>>
        %dma_wait3A_738 = arith.constant 0 : i32
        %dma_wait3A_739 = arith.constant 0 : i32
        %dma_wait3A_740 = tpu.memref_slice %arg4[%dma_wait3A_732, %dma_wait3A_733, %dma_wait3A_734, %dma_wait3A_738, %dma_wait3A_739] : memref<200x8x32x8x128xf32, #tpu.memory_space<hbm>> -> memref<1x1x1x8x128xf32, #tpu.memory_space<hbm>>
        %dma_wait3A_741 = tpu.memref_squeeze %dma_wait3A_740 : memref<1x1x1x8x128xf32, #tpu.memory_space<hbm>> -> memref<8x128xf32, #tpu.memory_space<hbm>>
        %dma_wait3A_742 = arith.constant 0 : i32
        %dma_wait3A_743 = arith.constant 0 : i32
        %dma_wait3A_744 = tpu.memref_slice %arg4[%dma_wait3A_732, %dma_wait3A_733, %dma_wait3A_734, %dma_wait3A_742, %dma_wait3A_743] : memref<200x8x32x8x128xf32, #tpu.memory_space<hbm>> -> memref<1x1x1x8x128xf32, #tpu.memory_space<hbm>>
        %dma_wait3A_745 = tpu.memref_squeeze %dma_wait3A_744 : memref<1x1x1x8x128xf32, #tpu.memory_space<hbm>> -> memref<8x128xf32, #tpu.memory_space<hbm>>
        %dma_wait3A_746 = arith.constant 48 : i32
        %dma_wait3A_747 = arith.constant 0 : i32
        %dma_wait3A_748 = tpu.memref_slice %arg11[%dma_wait3A_746, %dma_wait3A_747] : memref<64x128xf32, #tpu.memory_space<vmem>> -> memref<8x128xf32, #tpu.memory_space<vmem>>
        tpu.wait_dma2 semaphore(%arg15 : memref<!tpu.dma_semaphore, #tpu.memory_space<semaphore_mem>>) src(%dma_wait3A_748 : memref<8x128xf32, #tpu.memory_space<vmem>>) dst(%dma_wait3A_745 : memref<8x128xf32, #tpu.memory_space<hbm>>)
        %dma_wait3A_749 = arith.constant 0 : i32
        %dma_wait3A_750 = arith.constant 7 : i32
        %dma_wait3A_751 = arith.constant 0 : i32
        %dma_wait3A_752 = arith.constant 56 : i32
        %dma_wait3A_753 = arith.constant 0 : i32
        %dma_wait3A_754 = tpu.memref_slice %arg11[%dma_wait3A_752, %dma_wait3A_753] : memref<64x128xf32, #tpu.memory_space<vmem>> -> memref<8x128xf32, #tpu.memory_space<vmem>>
        %dma_wait3A_755 = arith.constant 0 : i32
        %dma_wait3A_756 = arith.constant 0 : i32
        %dma_wait3A_757 = tpu.memref_slice %arg4[%dma_wait3A_749, %dma_wait3A_750, %dma_wait3A_751, %dma_wait3A_755, %dma_wait3A_756] : memref<200x8x32x8x128xf32, #tpu.memory_space<hbm>> -> memref<1x1x1x8x128xf32, #tpu.memory_space<hbm>>
        %dma_wait3A_758 = tpu.memref_squeeze %dma_wait3A_757 : memref<1x1x1x8x128xf32, #tpu.memory_space<hbm>> -> memref<8x128xf32, #tpu.memory_space<hbm>>
        %dma_wait3A_759 = arith.constant 0 : i32
        %dma_wait3A_760 = arith.constant 0 : i32
        %dma_wait3A_761 = tpu.memref_slice %arg4[%dma_wait3A_749, %dma_wait3A_750, %dma_wait3A_751, %dma_wait3A_759, %dma_wait3A_760] : memref<200x8x32x8x128xf32, #tpu.memory_space<hbm>> -> memref<1x1x1x8x128xf32, #tpu.memory_space<hbm>>
        %dma_wait3A_762 = tpu.memref_squeeze %dma_wait3A_761 : memref<1x1x1x8x128xf32, #tpu.memory_space<hbm>> -> memref<8x128xf32, #tpu.memory_space<hbm>>
        %dma_wait3A_763 = arith.constant 56 : i32
        %dma_wait3A_764 = arith.constant 0 : i32
        %dma_wait3A_765 = tpu.memref_slice %arg11[%dma_wait3A_763, %dma_wait3A_764] : memref<64x128xf32, #tpu.memory_space<vmem>> -> memref<8x128xf32, #tpu.memory_space<vmem>>
        tpu.wait_dma2 semaphore(%arg15 : memref<!tpu.dma_semaphore, #tpu.memory_space<semaphore_mem>>) src(%dma_wait3A_765 : memref<8x128xf32, #tpu.memory_space<vmem>>) dst(%dma_wait3A_762 : memref<8x128xf32, #tpu.memory_space<hbm>>)
      } else {
      }
      %parallel_loop3A_466 = arith.constant 0 : i32
      %parallel_loop3A_467 = arith.constant 8 : i32
      %parallel_loop3A_468 = arith.constant 1 : i32
      scf.for %parallel_loop3A_630 = %parallel_loop3A_466 to %parallel_loop3A_467 step %parallel_loop3A_468  : i32 {
        %parallel_loop3A_631 = arith.constant 16 : i32
        %parallel_loop3A_632 = arith.muli %parallel_loop3A_630, %parallel_loop3A_631 : i32
        %parallel_loop3A_633 = vector.broadcast %parallel_loop3A_632 : i32 to vector<16xi32>
        %parallel_loop3A_634 = arith.addi %parallel_loop3A_633, %iota3A : vector<16xi32>
        %parallel_loop3A_635 = arith.constant 0 : i32
        %parallel_loop3A_636 = arith.constant 64 : i32
        %parallel_loop3A_637 = arith.constant 1 : i32
        scf.for %parallel_loop3A_638 = %parallel_loop3A_635 to %parallel_loop3A_636 step %parallel_loop3A_637  : i32 {
          %parallel_loop3A_639 = vector.broadcast %parallel_loop3A_638 : i32 to vector<16xi32>
          %parallel_loop3A_640 = arith.addi %iota3A, %parallel_loop3A_639 : vector<16xi32>
          %parallel_loop3A_641 = arith.constant 63 : i32
          %parallel_loop3A_642 = vector.broadcast %parallel_loop3A_641 : i32 to vector<16xi32>
          %parallel_loop3A_643 = arith.andi %parallel_loop3A_640, %parallel_loop3A_642 : vector<16xi32>
          %parallel_loop3A_644 = tpu.vector_load_idx %arg9[%parallel_loop3A_634, %parallel_loop3A_643] : memref<128x64xf32, #tpu.memory_space<vmem>>[vector<16xi32>, vector<16xi32>], vector<16xf32>,
          %parallel_loop3A_645 = arith.constant 8.000000e+00 : f32
          %parallel_loop3A_646 = vector.broadcast %parallel_loop3A_645 : f32 to vector<16xf32>
          %parallel_loop3A_647 = arith.mulf %parallel_loop3A_644, %parallel_loop3A_646 : vector<16xf32>
          tpu.vector_store_idx %arg11[%parallel_loop3A_643, %parallel_loop3A_634], %parallel_loop3A_647 : memref<64x128xf32, #tpu.memory_space<vmem>>[vector<16xi32>, vector<16xi32>], vector<16xf32>,
        } {sc.loop_unroll_factor = 8 : i64, sc.parallel_access}
      } {sc.loop_unroll_factor = 1 : i64, sc.parallel_access}
      %add3A_469 = arith.addi %mul3A_2, %add3A_287 : i32
      %jit3A_470 = arith.constant 32 : i32
      %div3A_471 = arith.divsi %add3A_469, %jit3A_470 : i32
      %sign3A_472 = arith.constant 0 : i32
      %sign3A_473 = arith.cmpi sgt, %add3A_469, %sign3A_472 : i32
      %sign3A_474 = arith.extui %sign3A_473 : i1 to i32
      %sign3A_475 = arith.constant 0 : i32
      %sign3A_476 = arith.cmpi slt, %add3A_469, %sign3A_475 : i32
      %sign3A_477 = arith.extui %sign3A_476 : i1 to i32
      %sign3A_478 = arith.subi %sign3A_474, %sign3A_477 : i32
      %sign3A_479 = arith.constant 0 : i32
      %sign3A_480 = arith.cmpi sgt, %jit3A_470, %sign3A_479 : i32
      %sign3A_481 = arith.extui %sign3A_480 : i1 to i32
      %sign3A_482 = arith.constant 0 : i32
      %sign3A_483 = arith.cmpi slt, %jit3A_470, %sign3A_482 : i32
      %sign3A_484 = arith.extui %sign3A_483 : i1 to i32
      %sign3A_485 = arith.subi %sign3A_481, %sign3A_484 : i32
      %ne3A_486 = arith.cmpi ne, %sign3A_478, %sign3A_485 : i32
      %rem3A_487 = arith.remsi %add3A_469, %jit3A_470 : i32
      %ne3A_488 = arith.constant 0 : i32
      %ne3A_489 = arith.cmpi ne, %rem3A_487, %ne3A_488 : i32
      %and3A_490 = arith.andi %ne3A_486, %ne3A_489 : i1
      %sub3A_491 = arith.constant 1 : i32
      %sub3A_492 = arith.subi %div3A_471, %sub3A_491 : i32
      %select_n3A_493 = arith.select %and3A_490, %sub3A_492, %div3A_471 : i32
      %jit3A_494 = arith.constant 32 : i32
      %eq3A_495 = arith.constant 0 : i32
      %eq3A_496 = arith.cmpi eq, %jit3A_494, %eq3A_495 : i32
      %jit3A_497 = arith.constant 1 : i32
      %select_n3A_498 = arith.select %eq3A_496, %jit3A_497, %jit3A_494 : i32
      %rem3A_499 = arith.remsi %add3A_469, %select_n3A_498 : i32
      %ne3A_500 = arith.constant 0 : i32
      %ne3A_501 = arith.cmpi ne, %rem3A_499, %ne3A_500 : i32
      %lt3A_502 = arith.constant 0 : i32
      %lt3A_503 = arith.cmpi slt, %rem3A_499, %lt3A_502 : i32
      %lt3A_504 = arith.constant 0 : i32
      %lt3A_505 = arith.cmpi slt, %select_n3A_498, %lt3A_504 : i32
      %ne3A_506 = arith.xori %lt3A_503, %lt3A_505 : i1
      %and3A_507 = arith.andi %ne3A_506, %ne3A_501 : i1
      %add3A_508 = arith.addi %rem3A_499, %select_n3A_498 : i32
      %select_n3A_509 = arith.select %and3A_507, %add3A_508, %rem3A_499 : i32
      %dma_start3A_510 = arith.constant 0 : i32
      %dma_start3A_511 = arith.constant 0 : i32
      %dma_start3A_512 = arith.constant 0 : i32
      %dma_start3A_513 = tpu.memref_slice %arg11[%dma_start3A_511, %dma_start3A_512] : memref<64x128xf32, #tpu.memory_space<vmem>> -> memref<8x128xf32, #tpu.memory_space<vmem>>
      %dma_start3A_514 = arith.constant 0 : i32
      %dma_start3A_515 = arith.constant 0 : i32
      %dma_start3A_516 = tpu.memref_slice %arg4[%select_n3A_493, %dma_start3A_510, %select_n3A_509, %dma_start3A_514, %dma_start3A_515] : memref<200x8x32x8x128xf32, #tpu.memory_space<hbm>> -> memref<1x1x1x8x128xf32, #tpu.memory_space<hbm>>
      %dma_start3A_517 = tpu.memref_squeeze %dma_start3A_516 : memref<1x1x1x8x128xf32, #tpu.memory_space<hbm>> -> memref<8x128xf32, #tpu.memory_space<hbm>>
      %dma_start3A_518 = arith.constant 0 : i32
      %dma_start3A_519 = arith.constant 0 : i32
      %dma_start3A_520 = tpu.memref_slice %arg4[%select_n3A_493, %dma_start3A_510, %select_n3A_509, %dma_start3A_518, %dma_start3A_519] : memref<200x8x32x8x128xf32, #tpu.memory_space<hbm>> -> memref<1x1x1x8x128xf32, #tpu.memory_space<hbm>>
      %dma_start3A_521 = tpu.memref_squeeze %dma_start3A_520 : memref<1x1x1x8x128xf32, #tpu.memory_space<hbm>> -> memref<8x128xf32, #tpu.memory_space<hbm>>
      %dma_start3A_522 = arith.constant 0 : i32
      %dma_start3A_523 = arith.constant 0 : i32
      %dma_start3A_524 = tpu.memref_slice %arg11[%dma_start3A_522, %dma_start3A_523] : memref<64x128xf32, #tpu.memory_space<vmem>> -> memref<8x128xf32, #tpu.memory_space<vmem>>
      tpu.enqueue_dma source(%dma_start3A_524 : memref<8x128xf32, #tpu.memory_space<vmem>>) target(%dma_start3A_521 : memref<8x128xf32, #tpu.memory_space<hbm>>) target_semaphore(%arg15 : memref<!tpu.dma_semaphore, #tpu.memory_space<semaphore_mem>>)
      %dma_start3A_525 = arith.constant 1 : i32
      %dma_start3A_526 = arith.constant 8 : i32
      %dma_start3A_527 = arith.constant 0 : i32
      %dma_start3A_528 = tpu.memref_slice %arg11[%dma_start3A_526, %dma_start3A_527] : memref<64x128xf32, #tpu.memory_space<vmem>> -> memref<8x128xf32, #tpu.memory_space<vmem>>
      %dma_start3A_529 = arith.constant 0 : i32
      %dma_start3A_530 = arith.constant 0 : i32
      %dma_start3A_531 = tpu.memref_slice %arg4[%select_n3A_493, %dma_start3A_525, %select_n3A_509, %dma_start3A_529, %dma_start3A_530] : memref<200x8x32x8x128xf32, #tpu.memory_space<hbm>> -> memref<1x1x1x8x128xf32, #tpu.memory_space<hbm>>
      %dma_start3A_532 = tpu.memref_squeeze %dma_start3A_531 : memref<1x1x1x8x128xf32, #tpu.memory_space<hbm>> -> memref<8x128xf32, #tpu.memory_space<hbm>>
      %dma_start3A_533 = arith.constant 0 : i32
      %dma_start3A_534 = arith.constant 0 : i32
      %dma_start3A_535 = tpu.memref_slice %arg4[%select_n3A_493, %dma_start3A_525, %select_n3A_509, %dma_start3A_533, %dma_start3A_534] : memref<200x8x32x8x128xf32, #tpu.memory_space<hbm>> -> memref<1x1x1x8x128xf32, #tpu.memory_space<hbm>>
      %dma_start3A_536 = tpu.memref_squeeze %dma_start3A_535 : memref<1x1x1x8x128xf32, #tpu.memory_space<hbm>> -> memref<8x128xf32, #tpu.memory_space<hbm>>
      %dma_start3A_537 = arith.constant 8 : i32
      %dma_start3A_538 = arith.constant 0 : i32
      %dma_start3A_539 = tpu.memref_slice %arg11[%dma_start3A_537, %dma_start3A_538] : memref<64x128xf32, #tpu.memory_space<vmem>> -> memref<8x128xf32, #tpu.memory_space<vmem>>
      tpu.enqueue_dma source(%dma_start3A_539 : memref<8x128xf32, #tpu.memory_space<vmem>>) target(%dma_start3A_536 : memref<8x128xf32, #tpu.memory_space<hbm>>) target_semaphore(%arg15 : memref<!tpu.dma_semaphore, #tpu.memory_space<semaphore_mem>>)
      %dma_start3A_540 = arith.constant 2 : i32
      %dma_start3A_541 = arith.constant 16 : i32
      %dma_start3A_542 = arith.constant 0 : i32
      %dma_start3A_543 = tpu.memref_slice %arg11[%dma_start3A_541, %dma_start3A_542] : memref<64x128xf32, #tpu.memory_space<vmem>> -> memref<8x128xf32, #tpu.memory_space<vmem>>
      %dma_start3A_544 = arith.constant 0 : i32
      %dma_start3A_545 = arith.constant 0 : i32
      %dma_start3A_546 = tpu.memref_slice %arg4[%select_n3A_493, %dma_start3A_540, %select_n3A_509, %dma_start3A_544, %dma_start3A_545] : memref<200x8x32x8x128xf32, #tpu.memory_space<hbm>> -> memref<1x1x1x8x128xf32, #tpu.memory_space<hbm>>
      %dma_start3A_547 = tpu.memref_squeeze %dma_start3A_546 : memref<1x1x1x8x128xf32, #tpu.memory_space<hbm>> -> memref<8x128xf32, #tpu.memory_space<hbm>>
      %dma_start3A_548 = arith.constant 0 : i32
      %dma_start3A_549 = arith.constant 0 : i32
      %dma_start3A_550 = tpu.memref_slice %arg4[%select_n3A_493, %dma_start3A_540, %select_n3A_509, %dma_start3A_548, %dma_start3A_549] : memref<200x8x32x8x128xf32, #tpu.memory_space<hbm>> -> memref<1x1x1x8x128xf32, #tpu.memory_space<hbm>>
      %dma_start3A_551 = tpu.memref_squeeze %dma_start3A_550 : memref<1x1x1x8x128xf32, #tpu.memory_space<hbm>> -> memref<8x128xf32, #tpu.memory_space<hbm>>
      %dma_start3A_552 = arith.constant 16 : i32
      %dma_start3A_553 = arith.constant 0 : i32
      %dma_start3A_554 = tpu.memref_slice %arg11[%dma_start3A_552, %dma_start3A_553] : memref<64x128xf32, #tpu.memory_space<vmem>> -> memref<8x128xf32, #tpu.memory_space<vmem>>
      tpu.enqueue_dma source(%dma_start3A_554 : memref<8x128xf32, #tpu.memory_space<vmem>>) target(%dma_start3A_551 : memref<8x128xf32, #tpu.memory_space<hbm>>) target_semaphore(%arg15 : memref<!tpu.dma_semaphore, #tpu.memory_space<semaphore_mem>>)
      %dma_start3A_555 = arith.constant 3 : i32
      %dma_start3A_556 = arith.constant 24 : i32
      %dma_start3A_557 = arith.constant 0 : i32
      %dma_start3A_558 = tpu.memref_slice %arg11[%dma_start3A_556, %dma_start3A_557] : memref<64x128xf32, #tpu.memory_space<vmem>> -> memref<8x128xf32, #tpu.memory_space<vmem>>
      %dma_start3A_559 = arith.constant 0 : i32
      %dma_start3A_560 = arith.constant 0 : i32
      %dma_start3A_561 = tpu.memref_slice %arg4[%select_n3A_493, %dma_start3A_555, %select_n3A_509, %dma_start3A_559, %dma_start3A_560] : memref<200x8x32x8x128xf32, #tpu.memory_space<hbm>> -> memref<1x1x1x8x128xf32, #tpu.memory_space<hbm>>
      %dma_start3A_562 = tpu.memref_squeeze %dma_start3A_561 : memref<1x1x1x8x128xf32, #tpu.memory_space<hbm>> -> memref<8x128xf32, #tpu.memory_space<hbm>>
      %dma_start3A_563 = arith.constant 0 : i32
      %dma_start3A_564 = arith.constant 0 : i32
      %dma_start3A_565 = tpu.memref_slice %arg4[%select_n3A_493, %dma_start3A_555, %select_n3A_509, %dma_start3A_563, %dma_start3A_564] : memref<200x8x32x8x128xf32, #tpu.memory_space<hbm>> -> memref<1x1x1x8x128xf32, #tpu.memory_space<hbm>>
      %dma_start3A_566 = tpu.memref_squeeze %dma_start3A_565 : memref<1x1x1x8x128xf32, #tpu.memory_space<hbm>> -> memref<8x128xf32, #tpu.memory_space<hbm>>
      %dma_start3A_567 = arith.constant 24 : i32
      %dma_start3A_568 = arith.constant 0 : i32
      %dma_start3A_569 = tpu.memref_slice %arg11[%dma_start3A_567, %dma_start3A_568] : memref<64x128xf32, #tpu.memory_space<vmem>> -> memref<8x128xf32, #tpu.memory_space<vmem>>
      tpu.enqueue_dma source(%dma_start3A_569 : memref<8x128xf32, #tpu.memory_space<vmem>>) target(%dma_start3A_566 : memref<8x128xf32, #tpu.memory_space<hbm>>) target_semaphore(%arg15 : memref<!tpu.dma_semaphore, #tpu.memory_space<semaphore_mem>>)
      %dma_start3A_570 = arith.constant 4 : i32
      %dma_start3A_571 = arith.constant 32 : i32
      %dma_start3A_572 = arith.constant 0 : i32
      %dma_start3A_573 = tpu.memref_slice %arg11[%dma_start3A_571, %dma_start3A_572] : memref<64x128xf32, #tpu.memory_space<vmem>> -> memref<8x128xf32, #tpu.memory_space<vmem>>
      %dma_start3A_574 = arith.constant 0 : i32
      %dma_start3A_575 = arith.constant 0 : i32
      %dma_start3A_576 = tpu.memref_slice %arg4[%select_n3A_493, %dma_start3A_570, %select_n3A_509, %dma_start3A_574, %dma_start3A_575] : memref<200x8x32x8x128xf32, #tpu.memory_space<hbm>> -> memref<1x1x1x8x128xf32, #tpu.memory_space<hbm>>
      %dma_start3A_577 = tpu.memref_squeeze %dma_start3A_576 : memref<1x1x1x8x128xf32, #tpu.memory_space<hbm>> -> memref<8x128xf32, #tpu.memory_space<hbm>>
      %dma_start3A_578 = arith.constant 0 : i32
      %dma_start3A_579 = arith.constant 0 : i32
      %dma_start3A_580 = tpu.memref_slice %arg4[%select_n3A_493, %dma_start3A_570, %select_n3A_509, %dma_start3A_578, %dma_start3A_579] : memref<200x8x32x8x128xf32, #tpu.memory_space<hbm>> -> memref<1x1x1x8x128xf32, #tpu.memory_space<hbm>>
      %dma_start3A_581 = tpu.memref_squeeze %dma_start3A_580 : memref<1x1x1x8x128xf32, #tpu.memory_space<hbm>> -> memref<8x128xf32, #tpu.memory_space<hbm>>
      %dma_start3A_582 = arith.constant 32 : i32
      %dma_start3A_583 = arith.constant 0 : i32
      %dma_start3A_584 = tpu.memref_slice %arg11[%dma_start3A_582, %dma_start3A_583] : memref<64x128xf32, #tpu.memory_space<vmem>> -> memref<8x128xf32, #tpu.memory_space<vmem>>
      tpu.enqueue_dma source(%dma_start3A_584 : memref<8x128xf32, #tpu.memory_space<vmem>>) target(%dma_start3A_581 : memref<8x128xf32, #tpu.memory_space<hbm>>) target_semaphore(%arg15 : memref<!tpu.dma_semaphore, #tpu.memory_space<semaphore_mem>>)
      %dma_start3A_585 = arith.constant 5 : i32
      %dma_start3A_586 = arith.constant 40 : i32
      %dma_start3A_587 = arith.constant 0 : i32
      %dma_start3A_588 = tpu.memref_slice %arg11[%dma_start3A_586, %dma_start3A_587] : memref<64x128xf32, #tpu.memory_space<vmem>> -> memref<8x128xf32, #tpu.memory_space<vmem>>
      %dma_start3A_589 = arith.constant 0 : i32
      %dma_start3A_590 = arith.constant 0 : i32
      %dma_start3A_591 = tpu.memref_slice %arg4[%select_n3A_493, %dma_start3A_585, %select_n3A_509, %dma_start3A_589, %dma_start3A_590] : memref<200x8x32x8x128xf32, #tpu.memory_space<hbm>> -> memref<1x1x1x8x128xf32, #tpu.memory_space<hbm>>
      %dma_start3A_592 = tpu.memref_squeeze %dma_start3A_591 : memref<1x1x1x8x128xf32, #tpu.memory_space<hbm>> -> memref<8x128xf32, #tpu.memory_space<hbm>>
      %dma_start3A_593 = arith.constant 0 : i32
      %dma_start3A_594 = arith.constant 0 : i32
      %dma_start3A_595 = tpu.memref_slice %arg4[%select_n3A_493, %dma_start3A_585, %select_n3A_509, %dma_start3A_593, %dma_start3A_594] : memref<200x8x32x8x128xf32, #tpu.memory_space<hbm>> -> memref<1x1x1x8x128xf32, #tpu.memory_space<hbm>>
      %dma_start3A_596 = tpu.memref_squeeze %dma_start3A_595 : memref<1x1x1x8x128xf32, #tpu.memory_space<hbm>> -> memref<8x128xf32, #tpu.memory_space<hbm>>
      %dma_start3A_597 = arith.constant 40 : i32
      %dma_start3A_598 = arith.constant 0 : i32
      %dma_start3A_599 = tpu.memref_slice %arg11[%dma_start3A_597, %dma_start3A_598] : memref<64x128xf32, #tpu.memory_space<vmem>> -> memref<8x128xf32, #tpu.memory_space<vmem>>
      tpu.enqueue_dma source(%dma_start3A_599 : memref<8x128xf32, #tpu.memory_space<vmem>>) target(%dma_start3A_596 : memref<8x128xf32, #tpu.memory_space<hbm>>) target_semaphore(%arg15 : memref<!tpu.dma_semaphore, #tpu.memory_space<semaphore_mem>>)
      %dma_start3A_600 = arith.constant 6 : i32
      %dma_start3A_601 = arith.constant 48 : i32
      %dma_start3A_602 = arith.constant 0 : i32
      %dma_start3A_603 = tpu.memref_slice %arg11[%dma_start3A_601, %dma_start3A_602] : memref<64x128xf32, #tpu.memory_space<vmem>> -> memref<8x128xf32, #tpu.memory_space<vmem>>
      %dma_start3A_604 = arith.constant 0 : i32
      %dma_start3A_605 = arith.constant 0 : i32
      %dma_start3A_606 = tpu.memref_slice %arg4[%select_n3A_493, %dma_start3A_600, %select_n3A_509, %dma_start3A_604, %dma_start3A_605] : memref<200x8x32x8x128xf32, #tpu.memory_space<hbm>> -> memref<1x1x1x8x128xf32, #tpu.memory_space<hbm>>
      %dma_start3A_607 = tpu.memref_squeeze %dma_start3A_606 : memref<1x1x1x8x128xf32, #tpu.memory_space<hbm>> -> memref<8x128xf32, #tpu.memory_space<hbm>>
      %dma_start3A_608 = arith.constant 0 : i32
      %dma_start3A_609 = arith.constant 0 : i32
      %dma_start3A_610 = tpu.memref_slice %arg4[%select_n3A_493, %dma_start3A_600, %select_n3A_509, %dma_start3A_608, %dma_start3A_609] : memref<200x8x32x8x128xf32, #tpu.memory_space<hbm>> -> memref<1x1x1x8x128xf32, #tpu.memory_space<hbm>>
      %dma_start3A_611 = tpu.memref_squeeze %dma_start3A_610 : memref<1x1x1x8x128xf32, #tpu.memory_space<hbm>> -> memref<8x128xf32, #tpu.memory_space<hbm>>
      %dma_start3A_612 = arith.constant 48 : i32
      %dma_start3A_613 = arith.constant 0 : i32
      %dma_start3A_614 = tpu.memref_slice %arg11[%dma_start3A_612, %dma_start3A_613] : memref<64x128xf32, #tpu.memory_space<vmem>> -> memref<8x128xf32, #tpu.memory_space<vmem>>
      tpu.enqueue_dma source(%dma_start3A_614 : memref<8x128xf32, #tpu.memory_space<vmem>>) target(%dma_start3A_611 : memref<8x128xf32, #tpu.memory_space<hbm>>) target_semaphore(%arg15 : memref<!tpu.dma_semaphore, #tpu.memory_space<semaphore_mem>>)
      %dma_start3A_615 = arith.constant 7 : i32
      %dma_start3A_616 = arith.constant 56 : i32
      %dma_start3A_617 = arith.constant 0 : i32
      %dma_start3A_618 = tpu.memref_slice %arg11[%dma_start3A_616, %dma_start3A_617] : memref<64x128xf32, #tpu.memory_space<vmem>> -> memref<8x128xf32, #tpu.memory_space<vmem>>
      %dma_start3A_619 = arith.constant 0 : i32
      %dma_start3A_620 = arith.constant 0 : i32
      %dma_start3A_621 = tpu.memref_slice %arg4[%select_n3A_493, %dma_start3A_615, %select_n3A_509, %dma_start3A_619, %dma_start3A_620] : memref<200x8x32x8x128xf32, #tpu.memory_space<hbm>> -> memref<1x1x1x8x128xf32, #tpu.memory_space<hbm>>
      %dma_start3A_622 = tpu.memref_squeeze %dma_start3A_621 : memref<1x1x1x8x128xf32, #tpu.memory_space<hbm>> -> memref<8x128xf32, #tpu.memory_space<hbm>>
      %dma_start3A_623 = arith.constant 0 : i32
      %dma_start3A_624 = arith.constant 0 : i32
      %dma_start3A_625 = tpu.memref_slice %arg4[%select_n3A_493, %dma_start3A_615, %select_n3A_509, %dma_start3A_623, %dma_start3A_624] : memref<200x8x32x8x128xf32, #tpu.memory_space<hbm>> -> memref<1x1x1x8x128xf32, #tpu.memory_space<hbm>>
      %dma_start3A_626 = tpu.memref_squeeze %dma_start3A_625 : memref<1x1x1x8x128xf32, #tpu.memory_space<hbm>> -> memref<8x128xf32, #tpu.memory_space<hbm>>
      %dma_start3A_627 = arith.constant 56 : i32
      %dma_start3A_628 = arith.constant 0 : i32
      %dma_start3A_629 = tpu.memref_slice %arg11[%dma_start3A_627, %dma_start3A_628] : memref<64x128xf32, #tpu.memory_space<vmem>> -> memref<8x128xf32, #tpu.memory_space<vmem>>
      tpu.enqueue_dma source(%dma_start3A_629 : memref<8x128xf32, #tpu.memory_space<vmem>>) target(%dma_start3A_626 : memref<8x128xf32, #tpu.memory_space<hbm>>) target_semaphore(%arg15 : memref<!tpu.dma_semaphore, #tpu.memory_space<semaphore_mem>>)
    }
    %scan3A_11 = arith.constant 100 : i32
    %dma_wait3A = arith.constant 0 : i32
    %dma_wait3A_12 = arith.constant 0 : i32
    %dma_wait3A_13 = arith.constant 0 : i32
    %dma_wait3A_14 = arith.constant 0 : i32
    %dma_wait3A_15 = arith.constant 0 : i32
    %dma_wait3A_16 = tpu.memref_slice %arg10[%dma_wait3A_14, %dma_wait3A_15] : memref<64x128xf32, #tpu.memory_space<vmem>> -> memref<8x128xf32, #tpu.memory_space<vmem>>
    %dma_wait3A_17 = arith.constant 0 : i32
    %dma_wait3A_18 = arith.constant 0 : i32
    %dma_wait3A_19 = tpu.memref_slice %arg4[%dma_wait3A, %dma_wait3A_12, %dma_wait3A_13, %dma_wait3A_17, %dma_wait3A_18] : memref<200x8x32x8x128xf32, #tpu.memory_space<hbm>> -> memref<1x1x1x8x128xf32, #tpu.memory_space<hbm>>
    %dma_wait3A_20 = tpu.memref_squeeze %dma_wait3A_19 : memref<1x1x1x8x128xf32, #tpu.memory_space<hbm>> -> memref<8x128xf32, #tpu.memory_space<hbm>>
    %dma_wait3A_21 = arith.constant 0 : i32
    %dma_wait3A_22 = arith.constant 0 : i32
    %dma_wait3A_23 = tpu.memref_slice %arg4[%dma_wait3A, %dma_wait3A_12, %dma_wait3A_13, %dma_wait3A_21, %dma_wait3A_22] : memref<200x8x32x8x128xf32, #tpu.memory_space<hbm>> -> memref<1x1x1x8x128xf32, #tpu.memory_space<hbm>>
    %dma_wait3A_24 = tpu.memref_squeeze %dma_wait3A_23 : memref<1x1x1x8x128xf32, #tpu.memory_space<hbm>> -> memref<8x128xf32, #tpu.memory_space<hbm>>
    %dma_wait3A_25 = arith.constant 0 : i32
    %dma_wait3A_26 = arith.constant 0 : i32
    %dma_wait3A_27 = tpu.memref_slice %arg10[%dma_wait3A_25, %dma_wait3A_26] : memref<64x128xf32, #tpu.memory_space<vmem>> -> memref<8x128xf32, #tpu.memory_space<vmem>>
    tpu.wait_dma2 semaphore(%arg14 : memref<!tpu.dma_semaphore, #tpu.memory_space<semaphore_mem>>) src(%dma_wait3A_27 : memref<8x128xf32, #tpu.memory_space<vmem>>) dst(%dma_wait3A_24 : memref<8x128xf32, #tpu.memory_space<hbm>>)
    %dma_wait3A_28 = arith.constant 0 : i32
    %dma_wait3A_29 = arith.constant 1 : i32
    %dma_wait3A_30 = arith.constant 0 : i32
    %dma_wait3A_31 = arith.constant 8 : i32
    %dma_wait3A_32 = arith.constant 0 : i32
    %dma_wait3A_33 = tpu.memref_slice %arg10[%dma_wait3A_31, %dma_wait3A_32] : memref<64x128xf32, #tpu.memory_space<vmem>> -> memref<8x128xf32, #tpu.memory_space<vmem>>
    %dma_wait3A_34 = arith.constant 0 : i32
    %dma_wait3A_35 = arith.constant 0 : i32
    %dma_wait3A_36 = tpu.memref_slice %arg4[%dma_wait3A_28, %dma_wait3A_29, %dma_wait3A_30, %dma_wait3A_34, %dma_wait3A_35] : memref<200x8x32x8x128xf32, #tpu.memory_space<hbm>> -> memref<1x1x1x8x128xf32, #tpu.memory_space<hbm>>
    %dma_wait3A_37 = tpu.memref_squeeze %dma_wait3A_36 : memref<1x1x1x8x128xf32, #tpu.memory_space<hbm>> -> memref<8x128xf32, #tpu.memory_space<hbm>>
    %dma_wait3A_38 = arith.constant 0 : i32
    %dma_wait3A_39 = arith.constant 0 : i32
    %dma_wait3A_40 = tpu.memref_slice %arg4[%dma_wait3A_28, %dma_wait3A_29, %dma_wait3A_30, %dma_wait3A_38, %dma_wait3A_39] : memref<200x8x32x8x128xf32, #tpu.memory_space<hbm>> -> memref<1x1x1x8x128xf32, #tpu.memory_space<hbm>>
    %dma_wait3A_41 = tpu.memref_squeeze %dma_wait3A_40 : memref<1x1x1x8x128xf32, #tpu.memory_space<hbm>> -> memref<8x128xf32, #tpu.memory_space<hbm>>
    %dma_wait3A_42 = arith.constant 8 : i32
    %dma_wait3A_43 = arith.constant 0 : i32
    %dma_wait3A_44 = tpu.memref_slice %arg10[%dma_wait3A_42, %dma_wait3A_43] : memref<64x128xf32, #tpu.memory_space<vmem>> -> memref<8x128xf32, #tpu.memory_space<vmem>>
    tpu.wait_dma2 semaphore(%arg14 : memref<!tpu.dma_semaphore, #tpu.memory_space<semaphore_mem>>) src(%dma_wait3A_44 : memref<8x128xf32, #tpu.memory_space<vmem>>) dst(%dma_wait3A_41 : memref<8x128xf32, #tpu.memory_space<hbm>>)
    %dma_wait3A_45 = arith.constant 0 : i32
    %dma_wait3A_46 = arith.constant 2 : i32
    %dma_wait3A_47 = arith.constant 0 : i32
    %dma_wait3A_48 = arith.constant 16 : i32
    %dma_wait3A_49 = arith.constant 0 : i32
    %dma_wait3A_50 = tpu.memref_slice %arg10[%dma_wait3A_48, %dma_wait3A_49] : memref<64x128xf32, #tpu.memory_space<vmem>> -> memref<8x128xf32, #tpu.memory_space<vmem>>
    %dma_wait3A_51 = arith.constant 0 : i32
    %dma_wait3A_52 = arith.constant 0 : i32
    %dma_wait3A_53 = tpu.memref_slice %arg4[%dma_wait3A_45, %dma_wait3A_46, %dma_wait3A_47, %dma_wait3A_51, %dma_wait3A_52] : memref<200x8x32x8x128xf32, #tpu.memory_space<hbm>> -> memref<1x1x1x8x128xf32, #tpu.memory_space<hbm>>
    %dma_wait3A_54 = tpu.memref_squeeze %dma_wait3A_53 : memref<1x1x1x8x128xf32, #tpu.memory_space<hbm>> -> memref<8x128xf32, #tpu.memory_space<hbm>>
    %dma_wait3A_55 = arith.constant 0 : i32
    %dma_wait3A_56 = arith.constant 0 : i32
    %dma_wait3A_57 = tpu.memref_slice %arg4[%dma_wait3A_45, %dma_wait3A_46, %dma_wait3A_47, %dma_wait3A_55, %dma_wait3A_56] : memref<200x8x32x8x128xf32, #tpu.memory_space<hbm>> -> memref<1x1x1x8x128xf32, #tpu.memory_space<hbm>>
    %dma_wait3A_58 = tpu.memref_squeeze %dma_wait3A_57 : memref<1x1x1x8x128xf32, #tpu.memory_space<hbm>> -> memref<8x128xf32, #tpu.memory_space<hbm>>
    %dma_wait3A_59 = arith.constant 16 : i32
    %dma_wait3A_60 = arith.constant 0 : i32
    %dma_wait3A_61 = tpu.memref_slice %arg10[%dma_wait3A_59, %dma_wait3A_60] : memref<64x128xf32, #tpu.memory_space<vmem>> -> memref<8x128xf32, #tpu.memory_space<vmem>>
    tpu.wait_dma2 semaphore(%arg14 : memref<!tpu.dma_semaphore, #tpu.memory_space<semaphore_mem>>) src(%dma_wait3A_61 : memref<8x128xf32, #tpu.memory_space<vmem>>) dst(%dma_wait3A_58 : memref<8x128xf32, #tpu.memory_space<hbm>>)
    %dma_wait3A_62 = arith.constant 0 : i32
    %dma_wait3A_63 = arith.constant 3 : i32
    %dma_wait3A_64 = arith.constant 0 : i32
    %dma_wait3A_65 = arith.constant 24 : i32
    %dma_wait3A_66 = arith.constant 0 : i32
    %dma_wait3A_67 = tpu.memref_slice %arg10[%dma_wait3A_65, %dma_wait3A_66] : memref<64x128xf32, #tpu.memory_space<vmem>> -> memref<8x128xf32, #tpu.memory_space<vmem>>
    %dma_wait3A_68 = arith.constant 0 : i32
    %dma_wait3A_69 = arith.constant 0 : i32
    %dma_wait3A_70 = tpu.memref_slice %arg4[%dma_wait3A_62, %dma_wait3A_63, %dma_wait3A_64, %dma_wait3A_68, %dma_wait3A_69] : memref<200x8x32x8x128xf32, #tpu.memory_space<hbm>> -> memref<1x1x1x8x128xf32, #tpu.memory_space<hbm>>
    %dma_wait3A_71 = tpu.memref_squeeze %dma_wait3A_70 : memref<1x1x1x8x128xf32, #tpu.memory_space<hbm>> -> memref<8x128xf32, #tpu.memory_space<hbm>>
    %dma_wait3A_72 = arith.constant 0 : i32
    %dma_wait3A_73 = arith.constant 0 : i32
    %dma_wait3A_74 = tpu.memref_slice %arg4[%dma_wait3A_62, %dma_wait3A_63, %dma_wait3A_64, %dma_wait3A_72, %dma_wait3A_73] : memref<200x8x32x8x128xf32, #tpu.memory_space<hbm>> -> memref<1x1x1x8x128xf32, #tpu.memory_space<hbm>>
    %dma_wait3A_75 = tpu.memref_squeeze %dma_wait3A_74 : memref<1x1x1x8x128xf32, #tpu.memory_space<hbm>> -> memref<8x128xf32, #tpu.memory_space<hbm>>
    %dma_wait3A_76 = arith.constant 24 : i32
    %dma_wait3A_77 = arith.constant 0 : i32
    %dma_wait3A_78 = tpu.memref_slice %arg10[%dma_wait3A_76, %dma_wait3A_77] : memref<64x128xf32, #tpu.memory_space<vmem>> -> memref<8x128xf32, #tpu.memory_space<vmem>>
    tpu.wait_dma2 semaphore(%arg14 : memref<!tpu.dma_semaphore, #tpu.memory_space<semaphore_mem>>) src(%dma_wait3A_78 : memref<8x128xf32, #tpu.memory_space<vmem>>) dst(%dma_wait3A_75 : memref<8x128xf32, #tpu.memory_space<hbm>>)
    %dma_wait3A_79 = arith.constant 0 : i32
    %dma_wait3A_80 = arith.constant 4 : i32
    %dma_wait3A_81 = arith.constant 0 : i32
    %dma_wait3A_82 = arith.constant 32 : i32
    %dma_wait3A_83 = arith.constant 0 : i32
    %dma_wait3A_84 = tpu.memref_slice %arg10[%dma_wait3A_82, %dma_wait3A_83] : memref<64x128xf32, #tpu.memory_space<vmem>> -> memref<8x128xf32, #tpu.memory_space<vmem>>
    %dma_wait3A_85 = arith.constant 0 : i32
    %dma_wait3A_86 = arith.constant 0 : i32
    %dma_wait3A_87 = tpu.memref_slice %arg4[%dma_wait3A_79, %dma_wait3A_80, %dma_wait3A_81, %dma_wait3A_85, %dma_wait3A_86] : memref<200x8x32x8x128xf32, #tpu.memory_space<hbm>> -> memref<1x1x1x8x128xf32, #tpu.memory_space<hbm>>
    %dma_wait3A_88 = tpu.memref_squeeze %dma_wait3A_87 : memref<1x1x1x8x128xf32, #tpu.memory_space<hbm>> -> memref<8x128xf32, #tpu.memory_space<hbm>>
    %dma_wait3A_89 = arith.constant 0 : i32
    %dma_wait3A_90 = arith.constant 0 : i32
    %dma_wait3A_91 = tpu.memref_slice %arg4[%dma_wait3A_79, %dma_wait3A_80, %dma_wait3A_81, %dma_wait3A_89, %dma_wait3A_90] : memref<200x8x32x8x128xf32, #tpu.memory_space<hbm>> -> memref<1x1x1x8x128xf32, #tpu.memory_space<hbm>>
    %dma_wait3A_92 = tpu.memref_squeeze %dma_wait3A_91 : memref<1x1x1x8x128xf32, #tpu.memory_space<hbm>> -> memref<8x128xf32, #tpu.memory_space<hbm>>
    %dma_wait3A_93 = arith.constant 32 : i32
    %dma_wait3A_94 = arith.constant 0 : i32
    %dma_wait3A_95 = tpu.memref_slice %arg10[%dma_wait3A_93, %dma_wait3A_94] : memref<64x128xf32, #tpu.memory_space<vmem>> -> memref<8x128xf32, #tpu.memory_space<vmem>>
    tpu.wait_dma2 semaphore(%arg14 : memref<!tpu.dma_semaphore, #tpu.memory_space<semaphore_mem>>) src(%dma_wait3A_95 : memref<8x128xf32, #tpu.memory_space<vmem>>) dst(%dma_wait3A_92 : memref<8x128xf32, #tpu.memory_space<hbm>>)
    %dma_wait3A_96 = arith.constant 0 : i32
    %dma_wait3A_97 = arith.constant 5 : i32
    %dma_wait3A_98 = arith.constant 0 : i32
    %dma_wait3A_99 = arith.constant 40 : i32
    %dma_wait3A_100 = arith.constant 0 : i32
    %dma_wait3A_101 = tpu.memref_slice %arg10[%dma_wait3A_99, %dma_wait3A_100] : memref<64x128xf32, #tpu.memory_space<vmem>> -> memref<8x128xf32, #tpu.memory_space<vmem>>
    %dma_wait3A_102 = arith.constant 0 : i32
    %dma_wait3A_103 = arith.constant 0 : i32
    %dma_wait3A_104 = tpu.memref_slice %arg4[%dma_wait3A_96, %dma_wait3A_97, %dma_wait3A_98, %dma_wait3A_102, %dma_wait3A_103] : memref<200x8x32x8x128xf32, #tpu.memory_space<hbm>> -> memref<1x1x1x8x128xf32, #tpu.memory_space<hbm>>
    %dma_wait3A_105 = tpu.memref_squeeze %dma_wait3A_104 : memref<1x1x1x8x128xf32, #tpu.memory_space<hbm>> -> memref<8x128xf32, #tpu.memory_space<hbm>>
    %dma_wait3A_106 = arith.constant 0 : i32
    %dma_wait3A_107 = arith.constant 0 : i32
    %dma_wait3A_108 = tpu.memref_slice %arg4[%dma_wait3A_96, %dma_wait3A_97, %dma_wait3A_98, %dma_wait3A_106, %dma_wait3A_107] : memref<200x8x32x8x128xf32, #tpu.memory_space<hbm>> -> memref<1x1x1x8x128xf32, #tpu.memory_space<hbm>>
    %dma_wait3A_109 = tpu.memref_squeeze %dma_wait3A_108 : memref<1x1x1x8x128xf32, #tpu.memory_space<hbm>> -> memref<8x128xf32, #tpu.memory_space<hbm>>
    %dma_wait3A_110 = arith.constant 40 : i32
    %dma_wait3A_111 = arith.constant 0 : i32
    %dma_wait3A_112 = tpu.memref_slice %arg10[%dma_wait3A_110, %dma_wait3A_111] : memref<64x128xf32, #tpu.memory_space<vmem>> -> memref<8x128xf32, #tpu.memory_space<vmem>>
    tpu.wait_dma2 semaphore(%arg14 : memref<!tpu.dma_semaphore, #tpu.memory_space<semaphore_mem>>) src(%dma_wait3A_112 : memref<8x128xf32, #tpu.memory_space<vmem>>) dst(%dma_wait3A_109 : memref<8x128xf32, #tpu.memory_space<hbm>>)
    %dma_wait3A_113 = arith.constant 0 : i32
    %dma_wait3A_114 = arith.constant 6 : i32
    %dma_wait3A_115 = arith.constant 0 : i32
    %dma_wait3A_116 = arith.constant 48 : i32
    %dma_wait3A_117 = arith.constant 0 : i32
    %dma_wait3A_118 = tpu.memref_slice %arg10[%dma_wait3A_116, %dma_wait3A_117] : memref<64x128xf32, #tpu.memory_space<vmem>> -> memref<8x128xf32, #tpu.memory_space<vmem>>
    %dma_wait3A_119 = arith.constant 0 : i32
    %dma_wait3A_120 = arith.constant 0 : i32
    %dma_wait3A_121 = tpu.memref_slice %arg4[%dma_wait3A_113, %dma_wait3A_114, %dma_wait3A_115, %dma_wait3A_119, %dma_wait3A_120] : memref<200x8x32x8x128xf32, #tpu.memory_space<hbm>> -> memref<1x1x1x8x128xf32, #tpu.memory_space<hbm>>
    %dma_wait3A_122 = tpu.memref_squeeze %dma_wait3A_121 : memref<1x1x1x8x128xf32, #tpu.memory_space<hbm>> -> memref<8x128xf32, #tpu.memory_space<hbm>>
    %dma_wait3A_123 = arith.constant 0 : i32
    %dma_wait3A_124 = arith.constant 0 : i32
    %dma_wait3A_125 = tpu.memref_slice %arg4[%dma_wait3A_113, %dma_wait3A_114, %dma_wait3A_115, %dma_wait3A_123, %dma_wait3A_124] : memref<200x8x32x8x128xf32, #tpu.memory_space<hbm>> -> memref<1x1x1x8x128xf32, #tpu.memory_space<hbm>>
    %dma_wait3A_126 = tpu.memref_squeeze %dma_wait3A_125 : memref<1x1x1x8x128xf32, #tpu.memory_space<hbm>> -> memref<8x128xf32, #tpu.memory_space<hbm>>
    %dma_wait3A_127 = arith.constant 48 : i32
    %dma_wait3A_128 = arith.constant 0 : i32
    %dma_wait3A_129 = tpu.memref_slice %arg10[%dma_wait3A_127, %dma_wait3A_128] : memref<64x128xf32, #tpu.memory_space<vmem>> -> memref<8x128xf32, #tpu.memory_space<vmem>>
    tpu.wait_dma2 semaphore(%arg14 : memref<!tpu.dma_semaphore, #tpu.memory_space<semaphore_mem>>) src(%dma_wait3A_129 : memref<8x128xf32, #tpu.memory_space<vmem>>) dst(%dma_wait3A_126 : memref<8x128xf32, #tpu.memory_space<hbm>>)
    %dma_wait3A_130 = arith.constant 0 : i32
    %dma_wait3A_131 = arith.constant 7 : i32
    %dma_wait3A_132 = arith.constant 0 : i32
    %dma_wait3A_133 = arith.constant 56 : i32
    %dma_wait3A_134 = arith.constant 0 : i32
    %dma_wait3A_135 = tpu.memref_slice %arg10[%dma_wait3A_133, %dma_wait3A_134] : memref<64x128xf32, #tpu.memory_space<vmem>> -> memref<8x128xf32, #tpu.memory_space<vmem>>
    %dma_wait3A_136 = arith.constant 0 : i32
    %dma_wait3A_137 = arith.constant 0 : i32
    %dma_wait3A_138 = tpu.memref_slice %arg4[%dma_wait3A_130, %dma_wait3A_131, %dma_wait3A_132, %dma_wait3A_136, %dma_wait3A_137] : memref<200x8x32x8x128xf32, #tpu.memory_space<hbm>> -> memref<1x1x1x8x128xf32, #tpu.memory_space<hbm>>
    %dma_wait3A_139 = tpu.memref_squeeze %dma_wait3A_138 : memref<1x1x1x8x128xf32, #tpu.memory_space<hbm>> -> memref<8x128xf32, #tpu.memory_space<hbm>>
    %dma_wait3A_140 = arith.constant 0 : i32
    %dma_wait3A_141 = arith.constant 0 : i32
    %dma_wait3A_142 = tpu.memref_slice %arg4[%dma_wait3A_130, %dma_wait3A_131, %dma_wait3A_132, %dma_wait3A_140, %dma_wait3A_141] : memref<200x8x32x8x128xf32, #tpu.memory_space<hbm>> -> memref<1x1x1x8x128xf32, #tpu.memory_space<hbm>>
    %dma_wait3A_143 = tpu.memref_squeeze %dma_wait3A_142 : memref<1x1x1x8x128xf32, #tpu.memory_space<hbm>> -> memref<8x128xf32, #tpu.memory_space<hbm>>
    %dma_wait3A_144 = arith.constant 56 : i32
    %dma_wait3A_145 = arith.constant 0 : i32
    %dma_wait3A_146 = tpu.memref_slice %arg10[%dma_wait3A_144, %dma_wait3A_145] : memref<64x128xf32, #tpu.memory_space<vmem>> -> memref<8x128xf32, #tpu.memory_space<vmem>>
    tpu.wait_dma2 semaphore(%arg14 : memref<!tpu.dma_semaphore, #tpu.memory_space<semaphore_mem>>) src(%dma_wait3A_146 : memref<8x128xf32, #tpu.memory_space<vmem>>) dst(%dma_wait3A_143 : memref<8x128xf32, #tpu.memory_space<hbm>>)
    %dma_wait3A_147 = arith.constant 0 : i32
    %dma_wait3A_148 = arith.constant 0 : i32
    %dma_wait3A_149 = arith.constant 0 : i32
    %dma_wait3A_150 = arith.constant 0 : i32
    %dma_wait3A_151 = arith.constant 0 : i32
    %dma_wait3A_152 = tpu.memref_slice %arg11[%dma_wait3A_150, %dma_wait3A_151] : memref<64x128xf32, #tpu.memory_space<vmem>> -> memref<8x128xf32, #tpu.memory_space<vmem>>
    %dma_wait3A_153 = arith.constant 0 : i32
    %dma_wait3A_154 = arith.constant 0 : i32
    %dma_wait3A_155 = tpu.memref_slice %arg4[%dma_wait3A_147, %dma_wait3A_148, %dma_wait3A_149, %dma_wait3A_153, %dma_wait3A_154] : memref<200x8x32x8x128xf32, #tpu.memory_space<hbm>> -> memref<1x1x1x8x128xf32, #tpu.memory_space<hbm>>
    %dma_wait3A_156 = tpu.memref_squeeze %dma_wait3A_155 : memref<1x1x1x8x128xf32, #tpu.memory_space<hbm>> -> memref<8x128xf32, #tpu.memory_space<hbm>>
    %dma_wait3A_157 = arith.constant 0 : i32
    %dma_wait3A_158 = arith.constant 0 : i32
    %dma_wait3A_159 = tpu.memref_slice %arg4[%dma_wait3A_147, %dma_wait3A_148, %dma_wait3A_149, %dma_wait3A_157, %dma_wait3A_158] : memref<200x8x32x8x128xf32, #tpu.memory_space<hbm>> -> memref<1x1x1x8x128xf32, #tpu.memory_space<hbm>>
    %dma_wait3A_160 = tpu.memref_squeeze %dma_wait3A_159 : memref<1x1x1x8x128xf32, #tpu.memory_space<hbm>> -> memref<8x128xf32, #tpu.memory_space<hbm>>
    %dma_wait3A_161 = arith.constant 0 : i32
    %dma_wait3A_162 = arith.constant 0 : i32
    %dma_wait3A_163 = tpu.memref_slice %arg11[%dma_wait3A_161, %dma_wait3A_162] : memref<64x128xf32, #tpu.memory_space<vmem>> -> memref<8x128xf32, #tpu.memory_space<vmem>>
    tpu.wait_dma2 semaphore(%arg15 : memref<!tpu.dma_semaphore, #tpu.memory_space<semaphore_mem>>) src(%dma_wait3A_163 : memref<8x128xf32, #tpu.memory_space<vmem>>) dst(%dma_wait3A_160 : memref<8x128xf32, #tpu.memory_space<hbm>>)
    %dma_wait3A_164 = arith.constant 0 : i32
    %dma_wait3A_165 = arith.constant 1 : i32
    %dma_wait3A_166 = arith.constant 0 : i32
    %dma_wait3A_167 = arith.constant 8 : i32
    %dma_wait3A_168 = arith.constant 0 : i32
    %dma_wait3A_169 = tpu.memref_slice %arg11[%dma_wait3A_167, %dma_wait3A_168] : memref<64x128xf32, #tpu.memory_space<vmem>> -> memref<8x128xf32, #tpu.memory_space<vmem>>
    %dma_wait3A_170 = arith.constant 0 : i32
    %dma_wait3A_171 = arith.constant 0 : i32
    %dma_wait3A_172 = tpu.memref_slice %arg4[%dma_wait3A_164, %dma_wait3A_165, %dma_wait3A_166, %dma_wait3A_170, %dma_wait3A_171] : memref<200x8x32x8x128xf32, #tpu.memory_space<hbm>> -> memref<1x1x1x8x128xf32, #tpu.memory_space<hbm>>
    %dma_wait3A_173 = tpu.memref_squeeze %dma_wait3A_172 : memref<1x1x1x8x128xf32, #tpu.memory_space<hbm>> -> memref<8x128xf32, #tpu.memory_space<hbm>>
    %dma_wait3A_174 = arith.constant 0 : i32
    %dma_wait3A_175 = arith.constant 0 : i32
    %dma_wait3A_176 = tpu.memref_slice %arg4[%dma_wait3A_164, %dma_wait3A_165, %dma_wait3A_166, %dma_wait3A_174, %dma_wait3A_175] : memref<200x8x32x8x128xf32, #tpu.memory_space<hbm>> -> memref<1x1x1x8x128xf32, #tpu.memory_space<hbm>>
    %dma_wait3A_177 = tpu.memref_squeeze %dma_wait3A_176 : memref<1x1x1x8x128xf32, #tpu.memory_space<hbm>> -> memref<8x128xf32, #tpu.memory_space<hbm>>
    %dma_wait3A_178 = arith.constant 8 : i32
    %dma_wait3A_179 = arith.constant 0 : i32
    %dma_wait3A_180 = tpu.memref_slice %arg11[%dma_wait3A_178, %dma_wait3A_179] : memref<64x128xf32, #tpu.memory_space<vmem>> -> memref<8x128xf32, #tpu.memory_space<vmem>>
    tpu.wait_dma2 semaphore(%arg15 : memref<!tpu.dma_semaphore, #tpu.memory_space<semaphore_mem>>) src(%dma_wait3A_180 : memref<8x128xf32, #tpu.memory_space<vmem>>) dst(%dma_wait3A_177 : memref<8x128xf32, #tpu.memory_space<hbm>>)
    %dma_wait3A_181 = arith.constant 0 : i32
    %dma_wait3A_182 = arith.constant 2 : i32
    %dma_wait3A_183 = arith.constant 0 : i32
    %dma_wait3A_184 = arith.constant 16 : i32
    %dma_wait3A_185 = arith.constant 0 : i32
    %dma_wait3A_186 = tpu.memref_slice %arg11[%dma_wait3A_184, %dma_wait3A_185] : memref<64x128xf32, #tpu.memory_space<vmem>> -> memref<8x128xf32, #tpu.memory_space<vmem>>
    %dma_wait3A_187 = arith.constant 0 : i32
    %dma_wait3A_188 = arith.constant 0 : i32
    %dma_wait3A_189 = tpu.memref_slice %arg4[%dma_wait3A_181, %dma_wait3A_182, %dma_wait3A_183, %dma_wait3A_187, %dma_wait3A_188] : memref<200x8x32x8x128xf32, #tpu.memory_space<hbm>> -> memref<1x1x1x8x128xf32, #tpu.memory_space<hbm>>
    %dma_wait3A_190 = tpu.memref_squeeze %dma_wait3A_189 : memref<1x1x1x8x128xf32, #tpu.memory_space<hbm>> -> memref<8x128xf32, #tpu.memory_space<hbm>>
    %dma_wait3A_191 = arith.constant 0 : i32
    %dma_wait3A_192 = arith.constant 0 : i32
    %dma_wait3A_193 = tpu.memref_slice %arg4[%dma_wait3A_181, %dma_wait3A_182, %dma_wait3A_183, %dma_wait3A_191, %dma_wait3A_192] : memref<200x8x32x8x128xf32, #tpu.memory_space<hbm>> -> memref<1x1x1x8x128xf32, #tpu.memory_space<hbm>>
    %dma_wait3A_194 = tpu.memref_squeeze %dma_wait3A_193 : memref<1x1x1x8x128xf32, #tpu.memory_space<hbm>> -> memref<8x128xf32, #tpu.memory_space<hbm>>
    %dma_wait3A_195 = arith.constant 16 : i32
    %dma_wait3A_196 = arith.constant 0 : i32
    %dma_wait3A_197 = tpu.memref_slice %arg11[%dma_wait3A_195, %dma_wait3A_196] : memref<64x128xf32, #tpu.memory_space<vmem>> -> memref<8x128xf32, #tpu.memory_space<vmem>>
    tpu.wait_dma2 semaphore(%arg15 : memref<!tpu.dma_semaphore, #tpu.memory_space<semaphore_mem>>) src(%dma_wait3A_197 : memref<8x128xf32, #tpu.memory_space<vmem>>) dst(%dma_wait3A_194 : memref<8x128xf32, #tpu.memory_space<hbm>>)
    %dma_wait3A_198 = arith.constant 0 : i32
    %dma_wait3A_199 = arith.constant 3 : i32
    %dma_wait3A_200 = arith.constant 0 : i32
    %dma_wait3A_201 = arith.constant 24 : i32
    %dma_wait3A_202 = arith.constant 0 : i32
    %dma_wait3A_203 = tpu.memref_slice %arg11[%dma_wait3A_201, %dma_wait3A_202] : memref<64x128xf32, #tpu.memory_space<vmem>> -> memref<8x128xf32, #tpu.memory_space<vmem>>
    %dma_wait3A_204 = arith.constant 0 : i32
    %dma_wait3A_205 = arith.constant 0 : i32
    %dma_wait3A_206 = tpu.memref_slice %arg4[%dma_wait3A_198, %dma_wait3A_199, %dma_wait3A_200, %dma_wait3A_204, %dma_wait3A_205] : memref<200x8x32x8x128xf32, #tpu.memory_space<hbm>> -> memref<1x1x1x8x128xf32, #tpu.memory_space<hbm>>
    %dma_wait3A_207 = tpu.memref_squeeze %dma_wait3A_206 : memref<1x1x1x8x128xf32, #tpu.memory_space<hbm>> -> memref<8x128xf32, #tpu.memory_space<hbm>>
    %dma_wait3A_208 = arith.constant 0 : i32
    %dma_wait3A_209 = arith.constant 0 : i32
    %dma_wait3A_210 = tpu.memref_slice %arg4[%dma_wait3A_198, %dma_wait3A_199, %dma_wait3A_200, %dma_wait3A_208, %dma_wait3A_209] : memref<200x8x32x8x128xf32, #tpu.memory_space<hbm>> -> memref<1x1x1x8x128xf32, #tpu.memory_space<hbm>>
    %dma_wait3A_211 = tpu.memref_squeeze %dma_wait3A_210 : memref<1x1x1x8x128xf32, #tpu.memory_space<hbm>> -> memref<8x128xf32, #tpu.memory_space<hbm>>
    %dma_wait3A_212 = arith.constant 24 : i32
    %dma_wait3A_213 = arith.constant 0 : i32
    %dma_wait3A_214 = tpu.memref_slice %arg11[%dma_wait3A_212, %dma_wait3A_213] : memref<64x128xf32, #tpu.memory_space<vmem>> -> memref<8x128xf32, #tpu.memory_space<vmem>>
    tpu.wait_dma2 semaphore(%arg15 : memref<!tpu.dma_semaphore, #tpu.memory_space<semaphore_mem>>) src(%dma_wait3A_214 : memref<8x128xf32, #tpu.memory_space<vmem>>) dst(%dma_wait3A_211 : memref<8x128xf32, #tpu.memory_space<hbm>>)
    %dma_wait3A_215 = arith.constant 0 : i32
    %dma_wait3A_216 = arith.constant 4 : i32
    %dma_wait3A_217 = arith.constant 0 : i32
    %dma_wait3A_218 = arith.constant 32 : i32
    %dma_wait3A_219 = arith.constant 0 : i32
    %dma_wait3A_220 = tpu.memref_slice %arg11[%dma_wait3A_218, %dma_wait3A_219] : memref<64x128xf32, #tpu.memory_space<vmem>> -> memref<8x128xf32, #tpu.memory_space<vmem>>
    %dma_wait3A_221 = arith.constant 0 : i32
    %dma_wait3A_222 = arith.constant 0 : i32
    %dma_wait3A_223 = tpu.memref_slice %arg4[%dma_wait3A_215, %dma_wait3A_216, %dma_wait3A_217, %dma_wait3A_221, %dma_wait3A_222] : memref<200x8x32x8x128xf32, #tpu.memory_space<hbm>> -> memref<1x1x1x8x128xf32, #tpu.memory_space<hbm>>
    %dma_wait3A_224 = tpu.memref_squeeze %dma_wait3A_223 : memref<1x1x1x8x128xf32, #tpu.memory_space<hbm>> -> memref<8x128xf32, #tpu.memory_space<hbm>>
    %dma_wait3A_225 = arith.constant 0 : i32
    %dma_wait3A_226 = arith.constant 0 : i32
    %dma_wait3A_227 = tpu.memref_slice %arg4[%dma_wait3A_215, %dma_wait3A_216, %dma_wait3A_217, %dma_wait3A_225, %dma_wait3A_226] : memref<200x8x32x8x128xf32, #tpu.memory_space<hbm>> -> memref<1x1x1x8x128xf32, #tpu.memory_space<hbm>>
    %dma_wait3A_228 = tpu.memref_squeeze %dma_wait3A_227 : memref<1x1x1x8x128xf32, #tpu.memory_space<hbm>> -> memref<8x128xf32, #tpu.memory_space<hbm>>
    %dma_wait3A_229 = arith.constant 32 : i32
    %dma_wait3A_230 = arith.constant 0 : i32
    %dma_wait3A_231 = tpu.memref_slice %arg11[%dma_wait3A_229, %dma_wait3A_230] : memref<64x128xf32, #tpu.memory_space<vmem>> -> memref<8x128xf32, #tpu.memory_space<vmem>>
    tpu.wait_dma2 semaphore(%arg15 : memref<!tpu.dma_semaphore, #tpu.memory_space<semaphore_mem>>) src(%dma_wait3A_231 : memref<8x128xf32, #tpu.memory_space<vmem>>) dst(%dma_wait3A_228 : memref<8x128xf32, #tpu.memory_space<hbm>>)
    %dma_wait3A_232 = arith.constant 0 : i32
    %dma_wait3A_233 = arith.constant 5 : i32
    %dma_wait3A_234 = arith.constant 0 : i32
    %dma_wait3A_235 = arith.constant 40 : i32
    %dma_wait3A_236 = arith.constant 0 : i32
    %dma_wait3A_237 = tpu.memref_slice %arg11[%dma_wait3A_235, %dma_wait3A_236] : memref<64x128xf32, #tpu.memory_space<vmem>> -> memref<8x128xf32, #tpu.memory_space<vmem>>
    %dma_wait3A_238 = arith.constant 0 : i32
    %dma_wait3A_239 = arith.constant 0 : i32
    %dma_wait3A_240 = tpu.memref_slice %arg4[%dma_wait3A_232, %dma_wait3A_233, %dma_wait3A_234, %dma_wait3A_238, %dma_wait3A_239] : memref<200x8x32x8x128xf32, #tpu.memory_space<hbm>> -> memref<1x1x1x8x128xf32, #tpu.memory_space<hbm>>
    %dma_wait3A_241 = tpu.memref_squeeze %dma_wait3A_240 : memref<1x1x1x8x128xf32, #tpu.memory_space<hbm>> -> memref<8x128xf32, #tpu.memory_space<hbm>>
    %dma_wait3A_242 = arith.constant 0 : i32
    %dma_wait3A_243 = arith.constant 0 : i32
    %dma_wait3A_244 = tpu.memref_slice %arg4[%dma_wait3A_232, %dma_wait3A_233, %dma_wait3A_234, %dma_wait3A_242, %dma_wait3A_243] : memref<200x8x32x8x128xf32, #tpu.memory_space<hbm>> -> memref<1x1x1x8x128xf32, #tpu.memory_space<hbm>>
    %dma_wait3A_245 = tpu.memref_squeeze %dma_wait3A_244 : memref<1x1x1x8x128xf32, #tpu.memory_space<hbm>> -> memref<8x128xf32, #tpu.memory_space<hbm>>
    %dma_wait3A_246 = arith.constant 40 : i32
    %dma_wait3A_247 = arith.constant 0 : i32
    %dma_wait3A_248 = tpu.memref_slice %arg11[%dma_wait3A_246, %dma_wait3A_247] : memref<64x128xf32, #tpu.memory_space<vmem>> -> memref<8x128xf32, #tpu.memory_space<vmem>>
    tpu.wait_dma2 semaphore(%arg15 : memref<!tpu.dma_semaphore, #tpu.memory_space<semaphore_mem>>) src(%dma_wait3A_248 : memref<8x128xf32, #tpu.memory_space<vmem>>) dst(%dma_wait3A_245 : memref<8x128xf32, #tpu.memory_space<hbm>>)
    %dma_wait3A_249 = arith.constant 0 : i32
    %dma_wait3A_250 = arith.constant 6 : i32
    %dma_wait3A_251 = arith.constant 0 : i32
    %dma_wait3A_252 = arith.constant 48 : i32
    %dma_wait3A_253 = arith.constant 0 : i32
    %dma_wait3A_254 = tpu.memref_slice %arg11[%dma_wait3A_252, %dma_wait3A_253] : memref<64x128xf32, #tpu.memory_space<vmem>> -> memref<8x128xf32, #tpu.memory_space<vmem>>
    %dma_wait3A_255 = arith.constant 0 : i32
    %dma_wait3A_256 = arith.constant 0 : i32
    %dma_wait3A_257 = tpu.memref_slice %arg4[%dma_wait3A_249, %dma_wait3A_250, %dma_wait3A_251, %dma_wait3A_255, %dma_wait3A_256] : memref<200x8x32x8x128xf32, #tpu.memory_space<hbm>> -> memref<1x1x1x8x128xf32, #tpu.memory_space<hbm>>
    %dma_wait3A_258 = tpu.memref_squeeze %dma_wait3A_257 : memref<1x1x1x8x128xf32, #tpu.memory_space<hbm>> -> memref<8x128xf32, #tpu.memory_space<hbm>>
    %dma_wait3A_259 = arith.constant 0 : i32
    %dma_wait3A_260 = arith.constant 0 : i32
    %dma_wait3A_261 = tpu.memref_slice %arg4[%dma_wait3A_249, %dma_wait3A_250, %dma_wait3A_251, %dma_wait3A_259, %dma_wait3A_260] : memref<200x8x32x8x128xf32, #tpu.memory_space<hbm>> -> memref<1x1x1x8x128xf32, #tpu.memory_space<hbm>>
    %dma_wait3A_262 = tpu.memref_squeeze %dma_wait3A_261 : memref<1x1x1x8x128xf32, #tpu.memory_space<hbm>> -> memref<8x128xf32, #tpu.memory_space<hbm>>
    %dma_wait3A_263 = arith.constant 48 : i32
    %dma_wait3A_264 = arith.constant 0 : i32
    %dma_wait3A_265 = tpu.memref_slice %arg11[%dma_wait3A_263, %dma_wait3A_264] : memref<64x128xf32, #tpu.memory_space<vmem>> -> memref<8x128xf32, #tpu.memory_space<vmem>>
    tpu.wait_dma2 semaphore(%arg15 : memref<!tpu.dma_semaphore, #tpu.memory_space<semaphore_mem>>) src(%dma_wait3A_265 : memref<8x128xf32, #tpu.memory_space<vmem>>) dst(%dma_wait3A_262 : memref<8x128xf32, #tpu.memory_space<hbm>>)
    %dma_wait3A_266 = arith.constant 0 : i32
    %dma_wait3A_267 = arith.constant 7 : i32
    %dma_wait3A_268 = arith.constant 0 : i32
    %dma_wait3A_269 = arith.constant 56 : i32
    %dma_wait3A_270 = arith.constant 0 : i32
    %dma_wait3A_271 = tpu.memref_slice %arg11[%dma_wait3A_269, %dma_wait3A_270] : memref<64x128xf32, #tpu.memory_space<vmem>> -> memref<8x128xf32, #tpu.memory_space<vmem>>
    %dma_wait3A_272 = arith.constant 0 : i32
    %dma_wait3A_273 = arith.constant 0 : i32
    %dma_wait3A_274 = tpu.memref_slice %arg4[%dma_wait3A_266, %dma_wait3A_267, %dma_wait3A_268, %dma_wait3A_272, %dma_wait3A_273] : memref<200x8x32x8x128xf32, #tpu.memory_space<hbm>> -> memref<1x1x1x8x128xf32, #tpu.memory_space<hbm>>
    %dma_wait3A_275 = tpu.memref_squeeze %dma_wait3A_274 : memref<1x1x1x8x128xf32, #tpu.memory_space<hbm>> -> memref<8x128xf32, #tpu.memory_space<hbm>>
    %dma_wait3A_276 = arith.constant 0 : i32
    %dma_wait3A_277 = arith.constant 0 : i32
    %dma_wait3A_278 = tpu.memref_slice %arg4[%dma_wait3A_266, %dma_wait3A_267, %dma_wait3A_268, %dma_wait3A_276, %dma_wait3A_277] : memref<200x8x32x8x128xf32, #tpu.memory_space<hbm>> -> memref<1x1x1x8x128xf32, #tpu.memory_space<hbm>>
    %dma_wait3A_279 = tpu.memref_squeeze %dma_wait3A_278 : memref<1x1x1x8x128xf32, #tpu.memory_space<hbm>> -> memref<8x128xf32, #tpu.memory_space<hbm>>
    %dma_wait3A_280 = arith.constant 56 : i32
    %dma_wait3A_281 = arith.constant 0 : i32
    %dma_wait3A_282 = tpu.memref_slice %arg11[%dma_wait3A_280, %dma_wait3A_281] : memref<64x128xf32, #tpu.memory_space<vmem>> -> memref<8x128xf32, #tpu.memory_space<vmem>>
    tpu.wait_dma2 semaphore(%arg15 : memref<!tpu.dma_semaphore, #tpu.memory_space<semaphore_mem>>) src(%dma_wait3A_282 : memref<8x128xf32, #tpu.memory_space<vmem>>) dst(%dma_wait3A_279 : memref<8x128xf32, #tpu.memory_space<hbm>>)
    return
  }
}

#map = affine_map<(d0, d1) -> (0, 0)>
module attributes {stable_mosaic.version = 14 : i64} {
  func.func @_pack_table(%arg0: i32, %arg1: i32, %arg2: memref<64x1000000xf32, #tpu.memory_space<hbm>>, %arg3: memref<64x64xf32, #tpu.memory_space<hbm>>, %arg4: memref<500000x128xf32, #tpu.memory_space<hbm>>, %arg5: memref<64x256xf32, #tpu.memory_space<vmem>>, %arg6: memref<64x256xf32, #tpu.memory_space<vmem>>, %arg7: memref<128x128xf32, #tpu.memory_space<vmem>>, %arg8: memref<128x128xf32, #tpu.memory_space<vmem>>, %arg9: memref<64x64xf32, #tpu.memory_space<vmem>>, %arg10: memref<32x128xf32, #tpu.memory_space<vmem>>, %arg11: memref<!tpu.dma_semaphore, #tpu.memory_space<semaphore_mem>>, %arg12: memref<!tpu.dma_semaphore, #tpu.memory_space<semaphore_mem>>, %arg13: memref<!tpu.dma_semaphore, #tpu.memory_space<semaphore_mem>>, %arg14: memref<!tpu.dma_semaphore, #tpu.memory_space<semaphore_mem>>) attributes {dimension_semantics = [#tpu.dimension_semantics<core_parallel>, #tpu.dimension_semantics<subcore_parallel>], iteration_bounds = array<i64: 2, 16>, scalar_prefetch = 0 : i64, scratch_operands = 10 : i64, tpu.core_type = #tpu.core_type<sc_vector_subcore>, window_params = [{transform_indices = #map}, {transform_indices = #map}, {transform_indices = #map}]} {
    %mul3A = arith.constant 2 : i32
    %mul3A_0 = arith.muli %arg1, %mul3A : i32
    %add3A = arith.addi %mul3A_0, %arg0 : i32
    %iota3A = tpu.iota {dimensions = array<i32: 0>} : vector<16xi32>
    %lt3A = arith.constant 3906 : i32
    %lt3A_1 = arith.cmpi slt, %add3A, %lt3A : i32
    %convert_element_type3A = arith.extui %lt3A_1 : i1 to i32
    %cond3A = arith.constant 0 : i32
    %cond3A_2 = arith.cmpi ne, %convert_element_type3A, %cond3A : i32
    scf.if %cond3A_2 {
      %mul3A_24 = arith.constant 256 : i32
      %mul3A_25 = arith.muli %add3A, %mul3A_24 : i32
      %dma_start3A = arith.constant 0 : i32
      %dma_start3A_26 = tpu.memref_slice %arg2[%dma_start3A, %mul3A_25] : memref<64x1000000xf32, #tpu.memory_space<hbm>> -> memref<64x256xf32, #tpu.memory_space<hbm>>
      %dma_start3A_27 = arith.constant 0 : i32
      %dma_start3A_28 = tpu.memref_slice %arg2[%dma_start3A_27, %mul3A_25] : memref<64x1000000xf32, #tpu.memory_space<hbm>> -> memref<64x256xf32, #tpu.memory_space<hbm>>
      tpu.enqueue_dma source(%dma_start3A_28 : memref<64x256xf32, #tpu.memory_space<hbm>>) target(%arg5 : memref<64x256xf32, #tpu.memory_space<vmem>>) target_semaphore(%arg11 : memref<!tpu.dma_semaphore, #tpu.memory_space<semaphore_mem>>)
    } else {
    }
    %scan3A = arith.constant 0 : i32
    %scan3A_3 = arith.constant 0 : i32
    %scan3A_4 = arith.constant 62 : i32
    %scan3A_5 = arith.addi %scan3A_3, %scan3A_4 : i32
    %scan3A_6 = arith.constant 1 : i32
    scf.for %scan3A_24 = %scan3A_3 to %scan3A_5 step %scan3A_6  : i32 {
      %mul3A_25 = arith.constant 2 : i32
      %mul3A_26 = arith.muli %mul3A_25, %scan3A_24 : i32
      %mul3A_27 = arith.constant 32 : i32
      %mul3A_28 = arith.muli %mul3A_26, %mul3A_27 : i32
      %add3A_29 = arith.addi %add3A, %mul3A_28 : i32
      %mul3A_30 = arith.constant 2 : i32
      %mul3A_31 = arith.muli %mul3A_30, %scan3A_24 : i32
      %add3A_32 = arith.constant 1 : i32
      %add3A_33 = arith.addi %mul3A_31, %add3A_32 : i32
      %mul3A_34 = arith.constant 32 : i32
      %mul3A_35 = arith.muli %add3A_33, %mul3A_34 : i32
      %add3A_36 = arith.addi %add3A, %mul3A_35 : i32
      %lt3A_37 = arith.constant 3906 : i32
      %lt3A_38 = arith.cmpi slt, %add3A_36, %lt3A_37 : i32
      %convert_element_type3A_39 = arith.extui %lt3A_38 : i1 to i32
      %cond3A_40 = arith.constant 0 : i32
      %cond3A_41 = arith.cmpi ne, %convert_element_type3A_39, %cond3A_40 : i32
      scf.if %cond3A_41 {
        %mul3A_64 = arith.constant 256 : i32
        %mul3A_65 = arith.muli %add3A_36, %mul3A_64 : i32
        %dma_start3A = arith.constant 0 : i32
        %dma_start3A_66 = tpu.memref_slice %arg2[%dma_start3A, %mul3A_65] : memref<64x1000000xf32, #tpu.memory_space<hbm>> -> memref<64x256xf32, #tpu.memory_space<hbm>>
        %dma_start3A_67 = arith.constant 0 : i32
        %dma_start3A_68 = tpu.memref_slice %arg2[%dma_start3A_67, %mul3A_65] : memref<64x1000000xf32, #tpu.memory_space<hbm>> -> memref<64x256xf32, #tpu.memory_space<hbm>>
        tpu.enqueue_dma source(%dma_start3A_68 : memref<64x256xf32, #tpu.memory_space<hbm>>) target(%arg6 : memref<64x256xf32, #tpu.memory_space<vmem>>) target_semaphore(%arg12 : memref<!tpu.dma_semaphore, #tpu.memory_space<semaphore_mem>>)
      } else {
      }
      %lt3A_42 = arith.constant 3906 : i32
      %lt3A_43 = arith.cmpi slt, %add3A_29, %lt3A_42 : i32
      %convert_element_type3A_44 = arith.extui %lt3A_43 : i1 to i32
      %cond3A_45 = arith.constant 0 : i32
      %cond3A_46 = arith.cmpi ne, %convert_element_type3A_44, %cond3A_45 : i32
      scf.if %cond3A_46 {
        %dma_wait3A = arith.constant 0 : i32
        %dma_wait3A_64 = arith.constant 0 : i32
        %dma_wait3A_65 = tpu.memref_slice %arg2[%dma_wait3A, %dma_wait3A_64] : memref<64x1000000xf32, #tpu.memory_space<hbm>> -> memref<64x256xf32, #tpu.memory_space<hbm>>
        %dma_wait3A_66 = arith.constant 0 : i32
        %dma_wait3A_67 = arith.constant 0 : i32
        %dma_wait3A_68 = tpu.memref_slice %arg2[%dma_wait3A_66, %dma_wait3A_67] : memref<64x1000000xf32, #tpu.memory_space<hbm>> -> memref<64x256xf32, #tpu.memory_space<hbm>>
        tpu.wait_dma2 semaphore(%arg11 : memref<!tpu.dma_semaphore, #tpu.memory_space<semaphore_mem>>) src(%dma_wait3A_68 : memref<64x256xf32, #tpu.memory_space<hbm>>) dst(%arg5 : memref<64x256xf32, #tpu.memory_space<vmem>>)
        %gt3A = arith.constant 0 : i32
        %gt3A_69 = arith.cmpi sgt, %scan3A_24, %gt3A : i32
        %convert_element_type3A_70 = arith.extui %gt3A_69 : i1 to i32
        %cond3A_71 = arith.constant 0 : i32
        %cond3A_72 = arith.cmpi ne, %convert_element_type3A_70, %cond3A_71 : i32
        scf.if %cond3A_72 {
          %dma_wait3A_80 = arith.constant 0 : i32
          %dma_wait3A_81 = arith.constant 0 : i32
          %dma_wait3A_82 = tpu.memref_slice %arg4[%dma_wait3A_80, %dma_wait3A_81] : memref<500000x128xf32, #tpu.memory_space<hbm>> -> memref<128x128xf32, #tpu.memory_space<hbm>>
          %dma_wait3A_83 = arith.constant 0 : i32
          %dma_wait3A_84 = arith.constant 0 : i32
          %dma_wait3A_85 = tpu.memref_slice %arg4[%dma_wait3A_83, %dma_wait3A_84] : memref<500000x128xf32, #tpu.memory_space<hbm>> -> memref<128x128xf32, #tpu.memory_space<hbm>>
          tpu.wait_dma2 semaphore(%arg13 : memref<!tpu.dma_semaphore, #tpu.memory_space<semaphore_mem>>) src(%arg7 : memref<128x128xf32, #tpu.memory_space<vmem>>) dst(%dma_wait3A_85 : memref<128x128xf32, #tpu.memory_space<hbm>>)
        } else {
        }
        %parallel_loop3A = arith.constant 0 : i32
        %parallel_loop3A_73 = arith.constant 16 : i32
        %parallel_loop3A_74 = arith.constant 1 : i32
        scf.for %parallel_loop3A_80 = %parallel_loop3A to %parallel_loop3A_73 step %parallel_loop3A_74  : i32 {
          %parallel_loop3A_81 = arith.constant 16 : i32
          %parallel_loop3A_82 = arith.muli %parallel_loop3A_80, %parallel_loop3A_81 : i32
          %parallel_loop3A_83 = vector.broadcast %parallel_loop3A_82 : i32 to vector<16xi32>
          %parallel_loop3A_84 = arith.addi %parallel_loop3A_83, %iota3A : vector<16xi32>
          %parallel_loop3A_85 = arith.constant 1 : i32
          %parallel_loop3A_86 = vector.broadcast %parallel_loop3A_85 : i32 to vector<16xi32>
          %parallel_loop3A_87 = arith.shrsi %parallel_loop3A_84, %parallel_loop3A_86 : vector<16xi32>
          %parallel_loop3A_88 = arith.constant 1 : i32
          %parallel_loop3A_89 = vector.broadcast %parallel_loop3A_88 : i32 to vector<16xi32>
          %parallel_loop3A_90 = arith.andi %parallel_loop3A_84, %parallel_loop3A_89 : vector<16xi32>
          %parallel_loop3A_91 = arith.constant 64 : i32
          %parallel_loop3A_92 = vector.broadcast %parallel_loop3A_91 : i32 to vector<16xi32>
          %parallel_loop3A_93 = arith.muli %parallel_loop3A_90, %parallel_loop3A_92 : vector<16xi32>
          %parallel_loop3A_94 = arith.constant 0 : i32
          %parallel_loop3A_95 = arith.constant 64 : i32
          %parallel_loop3A_96 = arith.constant 1 : i32
          scf.for %parallel_loop3A_97 = %parallel_loop3A_94 to %parallel_loop3A_95 step %parallel_loop3A_96  : i32 {
            %parallel_loop3A_98 = vector.broadcast %parallel_loop3A_97 : i32 to vector<16xi32>
            %parallel_loop3A_99 = arith.addi %iota3A, %parallel_loop3A_98 : vector<16xi32>
            %parallel_loop3A_100 = arith.constant 63 : i32
            %parallel_loop3A_101 = vector.broadcast %parallel_loop3A_100 : i32 to vector<16xi32>
            %parallel_loop3A_102 = arith.andi %parallel_loop3A_99, %parallel_loop3A_101 : vector<16xi32>
            %parallel_loop3A_103 = tpu.vector_load_idx %arg5[%parallel_loop3A_102, %parallel_loop3A_84] : memref<64x256xf32, #tpu.memory_space<vmem>>[vector<16xi32>, vector<16xi32>], vector<16xf32>,
            %parallel_loop3A_104 = arith.addi %parallel_loop3A_93, %parallel_loop3A_102 : vector<16xi32>
            tpu.vector_store_idx %arg7[%parallel_loop3A_87, %parallel_loop3A_104], %parallel_loop3A_103 : memref<128x128xf32, #tpu.memory_space<vmem>>[vector<16xi32>, vector<16xi32>], vector<16xf32>,
          } {sc.loop_unroll_factor = 8 : i64, sc.parallel_access}
        } {sc.loop_unroll_factor = 1 : i64, sc.parallel_access}
        %mul3A_75 = arith.constant 128 : i32
        %mul3A_76 = arith.muli %add3A_29, %mul3A_75 : i32
        %dma_start3A = arith.constant 0 : i32
        %dma_start3A_77 = tpu.memref_slice %arg4[%mul3A_76, %dma_start3A] : memref<500000x128xf32, #tpu.memory_space<hbm>> -> memref<128x128xf32, #tpu.memory_space<hbm>>
        %dma_start3A_78 = arith.constant 0 : i32
        %dma_start3A_79 = tpu.memref_slice %arg4[%mul3A_76, %dma_start3A_78] : memref<500000x128xf32, #tpu.memory_space<hbm>> -> memref<128x128xf32, #tpu.memory_space<hbm>>
        tpu.enqueue_dma source(%arg7 : memref<128x128xf32, #tpu.memory_space<vmem>>) target(%dma_start3A_79 : memref<128x128xf32, #tpu.memory_space<hbm>>) target_semaphore(%arg13 : memref<!tpu.dma_semaphore, #tpu.memory_space<semaphore_mem>>)
      } else {
      }
      %mul3A_47 = arith.constant 2 : i32
      %mul3A_48 = arith.muli %mul3A_47, %scan3A_24 : i32
      %add3A_49 = arith.constant 2 : i32
      %add3A_50 = arith.addi %mul3A_48, %add3A_49 : i32
      %mul3A_51 = arith.constant 32 : i32
      %mul3A_52 = arith.muli %add3A_50, %mul3A_51 : i32
      %add3A_53 = arith.addi %add3A, %mul3A_52 : i32
      %lt3A_54 = arith.constant 3906 : i32
      %lt3A_55 = arith.cmpi slt, %add3A_53, %lt3A_54 : i32
      %convert_element_type3A_56 = arith.extui %lt3A_55 : i1 to i32
      %cond3A_57 = arith.constant 0 : i32
      %cond3A_58 = arith.cmpi ne, %convert_element_type3A_56, %cond3A_57 : i32
      scf.if %cond3A_58 {
        %mul3A_64 = arith.constant 2 : i32
        %mul3A_65 = arith.muli %mul3A_64, %scan3A_24 : i32
        %add3A_66 = arith.constant 2 : i32
        %add3A_67 = arith.addi %mul3A_65, %add3A_66 : i32
        %mul3A_68 = arith.constant 32 : i32
        %mul3A_69 = arith.muli %add3A_67, %mul3A_68 : i32
        %add3A_70 = arith.addi %add3A, %mul3A_69 : i32
        %mul3A_71 = arith.constant 256 : i32
        %mul3A_72 = arith.muli %add3A_70, %mul3A_71 : i32
        %dma_start3A = arith.constant 0 : i32
        %dma_start3A_73 = tpu.memref_slice %arg2[%dma_start3A, %mul3A_72] : memref<64x1000000xf32, #tpu.memory_space<hbm>> -> memref<64x256xf32, #tpu.memory_space<hbm>>
        %dma_start3A_74 = arith.constant 0 : i32
        %dma_start3A_75 = tpu.memref_slice %arg2[%dma_start3A_74, %mul3A_72] : memref<64x1000000xf32, #tpu.memory_space<hbm>> -> memref<64x256xf32, #tpu.memory_space<hbm>>
        tpu.enqueue_dma source(%dma_start3A_75 : memref<64x256xf32, #tpu.memory_space<hbm>>) target(%arg5 : memref<64x256xf32, #tpu.memory_space<vmem>>) target_semaphore(%arg11 : memref<!tpu.dma_semaphore, #tpu.memory_space<semaphore_mem>>)
      } else {
      }
      %lt3A_59 = arith.constant 3906 : i32
      %lt3A_60 = arith.cmpi slt, %add3A_36, %lt3A_59 : i32
      %convert_element_type3A_61 = arith.extui %lt3A_60 : i1 to i32
      %cond3A_62 = arith.constant 0 : i32
      %cond3A_63 = arith.cmpi ne, %convert_element_type3A_61, %cond3A_62 : i32
      scf.if %cond3A_63 {
        %dma_wait3A = arith.constant 0 : i32
        %dma_wait3A_64 = arith.constant 0 : i32
        %dma_wait3A_65 = tpu.memref_slice %arg2[%dma_wait3A, %dma_wait3A_64] : memref<64x1000000xf32, #tpu.memory_space<hbm>> -> memref<64x256xf32, #tpu.memory_space<hbm>>
        %dma_wait3A_66 = arith.constant 0 : i32
        %dma_wait3A_67 = arith.constant 0 : i32
        %dma_wait3A_68 = tpu.memref_slice %arg2[%dma_wait3A_66, %dma_wait3A_67] : memref<64x1000000xf32, #tpu.memory_space<hbm>> -> memref<64x256xf32, #tpu.memory_space<hbm>>
        tpu.wait_dma2 semaphore(%arg12 : memref<!tpu.dma_semaphore, #tpu.memory_space<semaphore_mem>>) src(%dma_wait3A_68 : memref<64x256xf32, #tpu.memory_space<hbm>>) dst(%arg6 : memref<64x256xf32, #tpu.memory_space<vmem>>)
        %gt3A = arith.constant 0 : i32
        %gt3A_69 = arith.cmpi sgt, %scan3A_24, %gt3A : i32
        %convert_element_type3A_70 = arith.extui %gt3A_69 : i1 to i32
        %cond3A_71 = arith.constant 0 : i32
        %cond3A_72 = arith.cmpi ne, %convert_element_type3A_70, %cond3A_71 : i32
        scf.if %cond3A_72 {
          %dma_wait3A_80 = arith.constant 0 : i32
          %dma_wait3A_81 = arith.constant 0 : i32
          %dma_wait3A_82 = tpu.memref_slice %arg4[%dma_wait3A_80, %dma_wait3A_81] : memref<500000x128xf32, #tpu.memory_space<hbm>> -> memref<128x128xf32, #tpu.memory_space<hbm>>
          %dma_wait3A_83 = arith.constant 0 : i32
          %dma_wait3A_84 = arith.constant 0 : i32
          %dma_wait3A_85 = tpu.memref_slice %arg4[%dma_wait3A_83, %dma_wait3A_84] : memref<500000x128xf32, #tpu.memory_space<hbm>> -> memref<128x128xf32, #tpu.memory_space<hbm>>
          tpu.wait_dma2 semaphore(%arg14 : memref<!tpu.dma_semaphore, #tpu.memory_space<semaphore_mem>>) src(%arg8 : memref<128x128xf32, #tpu.memory_space<vmem>>) dst(%dma_wait3A_85 : memref<128x128xf32, #tpu.memory_space<hbm>>)
        } else {
        }
        %parallel_loop3A = arith.constant 0 : i32
        %parallel_loop3A_73 = arith.constant 16 : i32
        %parallel_loop3A_74 = arith.constant 1 : i32
        scf.for %parallel_loop3A_80 = %parallel_loop3A to %parallel_loop3A_73 step %parallel_loop3A_74  : i32 {
          %parallel_loop3A_81 = arith.constant 16 : i32
          %parallel_loop3A_82 = arith.muli %parallel_loop3A_80, %parallel_loop3A_81 : i32
          %parallel_loop3A_83 = vector.broadcast %parallel_loop3A_82 : i32 to vector<16xi32>
          %parallel_loop3A_84 = arith.addi %parallel_loop3A_83, %iota3A : vector<16xi32>
          %parallel_loop3A_85 = arith.constant 1 : i32
          %parallel_loop3A_86 = vector.broadcast %parallel_loop3A_85 : i32 to vector<16xi32>
          %parallel_loop3A_87 = arith.shrsi %parallel_loop3A_84, %parallel_loop3A_86 : vector<16xi32>
          %parallel_loop3A_88 = arith.constant 1 : i32
          %parallel_loop3A_89 = vector.broadcast %parallel_loop3A_88 : i32 to vector<16xi32>
          %parallel_loop3A_90 = arith.andi %parallel_loop3A_84, %parallel_loop3A_89 : vector<16xi32>
          %parallel_loop3A_91 = arith.constant 64 : i32
          %parallel_loop3A_92 = vector.broadcast %parallel_loop3A_91 : i32 to vector<16xi32>
          %parallel_loop3A_93 = arith.muli %parallel_loop3A_90, %parallel_loop3A_92 : vector<16xi32>
          %parallel_loop3A_94 = arith.constant 0 : i32
          %parallel_loop3A_95 = arith.constant 64 : i32
          %parallel_loop3A_96 = arith.constant 1 : i32
          scf.for %parallel_loop3A_97 = %parallel_loop3A_94 to %parallel_loop3A_95 step %parallel_loop3A_96  : i32 {
            %parallel_loop3A_98 = vector.broadcast %parallel_loop3A_97 : i32 to vector<16xi32>
            %parallel_loop3A_99 = arith.addi %iota3A, %parallel_loop3A_98 : vector<16xi32>
            %parallel_loop3A_100 = arith.constant 63 : i32
            %parallel_loop3A_101 = vector.broadcast %parallel_loop3A_100 : i32 to vector<16xi32>
            %parallel_loop3A_102 = arith.andi %parallel_loop3A_99, %parallel_loop3A_101 : vector<16xi32>
            %parallel_loop3A_103 = tpu.vector_load_idx %arg6[%parallel_loop3A_102, %parallel_loop3A_84] : memref<64x256xf32, #tpu.memory_space<vmem>>[vector<16xi32>, vector<16xi32>], vector<16xf32>,
            %parallel_loop3A_104 = arith.addi %parallel_loop3A_93, %parallel_loop3A_102 : vector<16xi32>
            tpu.vector_store_idx %arg8[%parallel_loop3A_87, %parallel_loop3A_104], %parallel_loop3A_103 : memref<128x128xf32, #tpu.memory_space<vmem>>[vector<16xi32>, vector<16xi32>], vector<16xf32>,
          } {sc.loop_unroll_factor = 8 : i64, sc.parallel_access}
        } {sc.loop_unroll_factor = 1 : i64, sc.parallel_access}
        %mul3A_75 = arith.constant 128 : i32
        %mul3A_76 = arith.muli %add3A_36, %mul3A_75 : i32
        %dma_start3A = arith.constant 0 : i32
        %dma_start3A_77 = tpu.memref_slice %arg4[%mul3A_76, %dma_start3A] : memref<500000x128xf32, #tpu.memory_space<hbm>> -> memref<128x128xf32, #tpu.memory_space<hbm>>
        %dma_start3A_78 = arith.constant 0 : i32
        %dma_start3A_79 = tpu.memref_slice %arg4[%mul3A_76, %dma_start3A_78] : memref<500000x128xf32, #tpu.memory_space<hbm>> -> memref<128x128xf32, #tpu.memory_space<hbm>>
        tpu.enqueue_dma source(%arg8 : memref<128x128xf32, #tpu.memory_space<vmem>>) target(%dma_start3A_79 : memref<128x128xf32, #tpu.memory_space<hbm>>) target_semaphore(%arg14 : memref<!tpu.dma_semaphore, #tpu.memory_space<semaphore_mem>>)
      } else {
      }
    }
    %scan3A_7 = arith.constant 62 : i32
    %lt3A_8 = arith.constant 3906 : i32
    %lt3A_9 = arith.cmpi slt, %add3A, %lt3A_8 : i32
    %convert_element_type3A_10 = arith.extui %lt3A_9 : i1 to i32
    %cond3A_11 = arith.constant 0 : i32
    %cond3A_12 = arith.cmpi ne, %convert_element_type3A_10, %cond3A_11 : i32
    scf.if %cond3A_12 {
      %dma_wait3A = arith.constant 0 : i32
      %dma_wait3A_24 = arith.constant 0 : i32
      %dma_wait3A_25 = tpu.memref_slice %arg4[%dma_wait3A, %dma_wait3A_24] : memref<500000x128xf32, #tpu.memory_space<hbm>> -> memref<128x128xf32, #tpu.memory_space<hbm>>
      %dma_wait3A_26 = arith.constant 0 : i32
      %dma_wait3A_27 = arith.constant 0 : i32
      %dma_wait3A_28 = tpu.memref_slice %arg4[%dma_wait3A_26, %dma_wait3A_27] : memref<500000x128xf32, #tpu.memory_space<hbm>> -> memref<128x128xf32, #tpu.memory_space<hbm>>
      tpu.wait_dma2 semaphore(%arg13 : memref<!tpu.dma_semaphore, #tpu.memory_space<semaphore_mem>>) src(%arg7 : memref<128x128xf32, #tpu.memory_space<vmem>>) dst(%dma_wait3A_28 : memref<128x128xf32, #tpu.memory_space<hbm>>)
    } else {
    }
    %add3A_13 = arith.constant 32 : i32
    %add3A_14 = arith.addi %add3A, %add3A_13 : i32
    %lt3A_15 = arith.constant 3906 : i32
    %lt3A_16 = arith.cmpi slt, %add3A_14, %lt3A_15 : i32
    %convert_element_type3A_17 = arith.extui %lt3A_16 : i1 to i32
    %cond3A_18 = arith.constant 0 : i32
    %cond3A_19 = arith.cmpi ne, %convert_element_type3A_17, %cond3A_18 : i32
    scf.if %cond3A_19 {
      %dma_wait3A = arith.constant 0 : i32
      %dma_wait3A_24 = arith.constant 0 : i32
      %dma_wait3A_25 = tpu.memref_slice %arg4[%dma_wait3A, %dma_wait3A_24] : memref<500000x128xf32, #tpu.memory_space<hbm>> -> memref<128x128xf32, #tpu.memory_space<hbm>>
      %dma_wait3A_26 = arith.constant 0 : i32
      %dma_wait3A_27 = arith.constant 0 : i32
      %dma_wait3A_28 = tpu.memref_slice %arg4[%dma_wait3A_26, %dma_wait3A_27] : memref<500000x128xf32, #tpu.memory_space<hbm>> -> memref<128x128xf32, #tpu.memory_space<hbm>>
      tpu.wait_dma2 semaphore(%arg14 : memref<!tpu.dma_semaphore, #tpu.memory_space<semaphore_mem>>) src(%arg8 : memref<128x128xf32, #tpu.memory_space<vmem>>) dst(%dma_wait3A_28 : memref<128x128xf32, #tpu.memory_space<hbm>>)
    } else {
    }
    %eq3A = arith.constant 0 : i32
    %eq3A_20 = arith.cmpi eq, %add3A, %eq3A : i32
    %convert_element_type3A_21 = arith.extui %eq3A_20 : i1 to i32
    %cond3A_22 = arith.constant 0 : i32
    %cond3A_23 = arith.cmpi ne, %convert_element_type3A_21, %cond3A_22 : i32
    scf.if %cond3A_23 {
      "tpu.region"() ({
        %run_scoped3A = tpu.sem_alloc : memref<!tpu.dma_semaphore, #tpu.memory_space<semaphore_mem>>
        tpu.enqueue_dma source(%arg3 : memref<64x64xf32, #tpu.memory_space<hbm>>) target(%arg9 : memref<64x64xf32, #tpu.memory_space<vmem>>) target_semaphore(%run_scoped3A : memref<!tpu.dma_semaphore, #tpu.memory_space<semaphore_mem>>)
        tpu.wait_dma2 semaphore(%run_scoped3A : memref<!tpu.dma_semaphore, #tpu.memory_space<semaphore_mem>>) src(%arg3 : memref<64x64xf32, #tpu.memory_space<hbm>>) dst(%arg9 : memref<64x64xf32, #tpu.memory_space<vmem>>)
        tpu.yield
      }) : () -> ()
      %parallel_loop3A = arith.constant 0 : i32
      %parallel_loop3A_24 = arith.constant 4 : i32
      %parallel_loop3A_25 = arith.constant 1 : i32
      scf.for %parallel_loop3A_26 = %parallel_loop3A to %parallel_loop3A_24 step %parallel_loop3A_25  : i32 {
        %parallel_loop3A_27 = arith.constant 16 : i32
        %parallel_loop3A_28 = arith.muli %parallel_loop3A_26, %parallel_loop3A_27 : i32
        %parallel_loop3A_29 = vector.broadcast %parallel_loop3A_28 : i32 to vector<16xi32>
        %parallel_loop3A_30 = arith.addi %parallel_loop3A_29, %iota3A : vector<16xi32>
        %parallel_loop3A_31 = arith.constant 1 : i32
        %parallel_loop3A_32 = vector.broadcast %parallel_loop3A_31 : i32 to vector<16xi32>
        %parallel_loop3A_33 = arith.shrsi %parallel_loop3A_30, %parallel_loop3A_32 : vector<16xi32>
        %parallel_loop3A_34 = arith.constant 1 : i32
        %parallel_loop3A_35 = vector.broadcast %parallel_loop3A_34 : i32 to vector<16xi32>
        %parallel_loop3A_36 = arith.andi %parallel_loop3A_30, %parallel_loop3A_35 : vector<16xi32>
        %parallel_loop3A_37 = arith.constant 64 : i32
        %parallel_loop3A_38 = vector.broadcast %parallel_loop3A_37 : i32 to vector<16xi32>
        %parallel_loop3A_39 = arith.muli %parallel_loop3A_36, %parallel_loop3A_38 : vector<16xi32>
        %parallel_loop3A_40 = arith.constant 0 : i32
        %parallel_loop3A_41 = arith.constant 64 : i32
        %parallel_loop3A_42 = arith.constant 1 : i32
        scf.for %parallel_loop3A_43 = %parallel_loop3A_40 to %parallel_loop3A_41 step %parallel_loop3A_42  : i32 {
          %parallel_loop3A_44 = vector.broadcast %parallel_loop3A_43 : i32 to vector<16xi32>
          %parallel_loop3A_45 = arith.addi %iota3A, %parallel_loop3A_44 : vector<16xi32>
          %parallel_loop3A_46 = arith.constant 63 : i32
          %parallel_loop3A_47 = vector.broadcast %parallel_loop3A_46 : i32 to vector<16xi32>
          %parallel_loop3A_48 = arith.andi %parallel_loop3A_45, %parallel_loop3A_47 : vector<16xi32>
          %parallel_loop3A_49 = tpu.vector_load_idx %arg9[%parallel_loop3A_48, %parallel_loop3A_30] : memref<64x64xf32, #tpu.memory_space<vmem>>[vector<16xi32>, vector<16xi32>], vector<16xf32>,
          %parallel_loop3A_50 = arith.addi %parallel_loop3A_39, %parallel_loop3A_48 : vector<16xi32>
          tpu.vector_store_idx %arg10[%parallel_loop3A_33, %parallel_loop3A_50], %parallel_loop3A_49 : memref<32x128xf32, #tpu.memory_space<vmem>>[vector<16xi32>, vector<16xi32>], vector<16xf32>,
        } {sc.loop_unroll_factor = 8 : i64, sc.parallel_access}
      } {sc.loop_unroll_factor = 1 : i64, sc.parallel_access}
      "tpu.region"() ({
        %run_scoped3A = tpu.sem_alloc : memref<!tpu.dma_semaphore, #tpu.memory_space<semaphore_mem>>
        %dma_start3A = arith.constant 499968 : i32
        %dma_start3A_26 = arith.constant 0 : i32
        %dma_start3A_27 = tpu.memref_slice %arg4[%dma_start3A, %dma_start3A_26] : memref<500000x128xf32, #tpu.memory_space<hbm>> -> memref<32x128xf32, #tpu.memory_space<hbm>>
        %dma_start3A_28 = arith.constant 499968 : i32
        %dma_start3A_29 = arith.constant 0 : i32
        %dma_start3A_30 = tpu.memref_slice %arg4[%dma_start3A_28, %dma_start3A_29] : memref<500000x128xf32, #tpu.memory_space<hbm>> -> memref<32x128xf32, #tpu.memory_space<hbm>>
        tpu.enqueue_dma source(%arg10 : memref<32x128xf32, #tpu.memory_space<vmem>>) target(%dma_start3A_30 : memref<32x128xf32, #tpu.memory_space<hbm>>) target_semaphore(%run_scoped3A : memref<!tpu.dma_semaphore, #tpu.memory_space<semaphore_mem>>)
        %dma_wait3A = arith.constant 499968 : i32
        %dma_wait3A_31 = arith.constant 0 : i32
        %dma_wait3A_32 = tpu.memref_slice %arg4[%dma_wait3A, %dma_wait3A_31] : memref<500000x128xf32, #tpu.memory_space<hbm>> -> memref<32x128xf32, #tpu.memory_space<hbm>>
        %dma_wait3A_33 = arith.constant 499968 : i32
        %dma_wait3A_34 = arith.constant 0 : i32
        %dma_wait3A_35 = tpu.memref_slice %arg4[%dma_wait3A_33, %dma_wait3A_34] : memref<500000x128xf32, #tpu.memory_space<hbm>> -> memref<32x128xf32, #tpu.memory_space<hbm>>
        tpu.wait_dma2 semaphore(%run_scoped3A : memref<!tpu.dma_semaphore, #tpu.memory_space<semaphore_mem>>) src(%arg10 : memref<32x128xf32, #tpu.memory_space<vmem>>) dst(%dma_wait3A_35 : memref<32x128xf32, #tpu.memory_space<hbm>>)
        tpu.yield
      }) : () -> ()
    } else {
    }
    return
  }
}

</mosaic_0001>

<sc_bundles>
// kernel: kernel.4.cloned.1.call-start
scs
__scs_entry_jumppad:
0x0: {  	(pc) =	sbr.rel $0x88, $3  }
0x1: {  	(tag) =	ssettag $0x0;
	lr =	simm.s32 $0x1  }
0x2: {  	[smem:$0x3F9F] =	sst lr;
	_ =	strace $0xD0000000  }
0x3: {  	_ = 	snop  }
0x4: {  	_ = 	snop  }
0x5: {  	_ = 	snop  }
0x6: {  	_ = 	snop  }
0x7: {  	_ = 	snop  }
__scs_overlays_trampoline_lowered:
0x8: {  	[smem:$0x3FAE] =	sst s0  }
0x9: {  	[smem:$0x3FAF] =	sst s1  }
0xa: {  	[smem:$0x3FB0] =	sst s2  }
0xb: {  	[smem:$0x3FB1] =	sst s3  }
0xc: {  	[smem:$0x3FB2] =	sst s4  }
0xd: {  	[smem:$0x3FB3] =	sst s5  }
0xe: {  	[smem:$0x3FB4] =	sst s6  }
0xf: {  	[smem:$0x3FB5] =	sst s7  }
0x10: {  	[smem:$0x3FB6] =	sst s8  }
0x11: {  	[smem:$0x3FB7] =	sst s9;
	s0 =	simm.s32 @!p0 $0x0  }
0x12: {  	s1 =	sld [smem:$0x3F9D];
	s0 =	simm.s32 @p0 $0x1  }
0x13: {  	[smem:$0x3FB8] =	sst s0;
	s0 =	simm.s32 @!p1 $0x0  }
0x14: {  	s2 =	sld [smem:$0x3F9C];
	s0 =	simm.s32 @p1 $0x1  }
0x15: {  	[smem:$0x3FB9] =	sst s0;
	s0 =	simm.s32 @!p2 $0x0  }
0x16: {  	s3 =	sld [smem:$0x3FDB];
	s0 =	simm.s32 @p2 $0x1  }
0x17: {  	s4 =	simm.s32 $0x1BF5;
	[smem:$0x3FBB] =	sst s0  }
0x18: {  	s0 =	sld [smem:$0x3F9E];
	_ =	swait.ge [sflag:s4], $0x0  }
0x19: {  	s7 =	sld [smem:$0x3F9F]  }
0x1a: {  	s8 =	sadd.s32 $0xFFFFE003, lr  }
0x1b: {  	s9 =	sadd.s32 $0xFFFFFEF7, lr;
	s5 =	simm.s32 $0xFFFFFFFF;
	p2 =	slt.u32 s8, $0xFFFFF086  }
0x1c: {  	p1 =	slt.u32 s9, $0xF7A;
	s5 =	simm.s32 @!p2 $0x0  }
0x1d: {  	s5 =	simm.s32 @p1 $0x1;
	p0 =	seq.s32 s7, s2  }
0x1e: {  	s7 =	smul.u32 @!p0 $0xF7A, s2;
	p2 =	seq.s32 @!p0 s5, $0x0  }
0x1f: {  	s9 =	smul.u32 $0xF7A, s1;
	s8 =	simm.s32 @!p0 $0x1BF5;
	p2 =	por !p2, p0  }
0x20: {  	[sflag:s8] =	ssyncset.s32 @!p0 $0xFFFFF086;
	s6 =	sadd.s32 @!p0 s3, s7;
	s7 =	simm.s32 @!p0 $0x108  }
0x21: {  	s3 =	sadd.s32 s3, s9;
	s6 =	sadd.s32 @!p0 $0x88, s6;
	s7 =	simm.s32 @p2 $0x1082  }
0x22: {  	[simem:s7], [sflag:s8] =	dma.local @!p0 [hbm:s6], $0xF7A  }
0x23: {  	s9 =	sor.u32 $0xD0000000, s2;
	s6 =	simm.s32 $0x108;
	_ =	swait.ge @!p0 [sflag:s8], $0x0  }
0x24: {  	s3 =	sadd.s32 $0x88, s3;
	s6 =	simm.s32 @!p1 $0x1082;
	[sflag:s4] =	ssyncset.s32 $0xFFFFF086  }
0x25: {  	[simem:s6], [sflag:s4] =	dma.local [hbm:s3], $0xF7A  }
0x26: {  	[smem:$0x3F9F] =	sst s1;
	(tag) =	ssettag s2;
	_ =	strace s9  }
0x27: {  	s1 =	sld [smem:$0x3FAF]  }
0x28: {  	s2 =	sld [smem:$0x3FB0]  }
0x29: {  	s4 =	sld [smem:$0x3FB2]  }
0x2a: {  	p0 =	seq.s32 s5, $0x0;
	s5 =	sld [smem:$0x3FB3]  }
0x2b: {  	s6 =	sld [smem:$0x3FB4]  }
0x2c: {  	s7 =	sld [smem:$0x3FB5]  }
0x2d: {  	s3 =	simm.s32 $0x108;
	s8 =	sld [smem:$0x3FB6]  }
0x2e: {  	s3 =	simm.s32 @!p0 $0x1082;
	s9 =	sld [smem:$0x3FB7]  }
0x2f: {  	lr =	sadd.s32 s0, s3;
	s0 =	sld [smem:$0x3FAE]  }
0x30: {  	s3 =	sld [smem:$0x3FB1]  }
0x31: {  	[smem:$0x3FBA] =	sst s10  }
0x32: {  	s10 =	sld [smem:$0x3FB8];
	_ =	sdelay $0x3  }
0x33: {  	p0 =	seq.s32 s10, $0x1;
	s10 =	sld [smem:$0x3FBA];
	_ =	sdelay $0x3  }
0x34: {  	[smem:$0x3FBA] =	sst s10  }
0x35: {  	s10 =	sld [smem:$0x3FB9];
	_ =	sdelay $0x3  }
0x36: {  	p1 =	seq.s32 s10, $0x1;
	s10 =	sld [smem:$0x3FBA];
	_ =	sdelay $0x3  }
0x37: {  	[smem:$0x3FBA] =	sst s10  }
0x38: {  	s10 =	sld [smem:$0x3FBB]  }
0x39: {  	_ = 	snop;
	(pc) =	sbr.ind lr, $3  }
0x3a: {  	_ = 	snop  }
0x3b: {  	_ = 	snop  }
0x3c: {  	p2 =	seq.s32 s10, $0x1;
	s10 =	sld [smem:$0x3FBA]  }
0x3d: {  	_ =	shalt  }
0x3e: {  	_ =	shalt  }
0x3f: {  	_ =	shalt  }
0x40: {  	_ =	shalt  }
0x41: {  	_ =	shalt  }
0x42: {  	_ =	shalt  }
0x43: {  	_ =	shalt  }
0x44: {  	_ =	shalt  }
0x45: {  	_ =	shalt  }
0x46: {  	_ =	shalt  }
0x47: {  	_ =	shalt  }
0x48: {  	_ =	shalt  }
0x49: {  	_ =	shalt  }
0x4a: {  	_ =	shalt  }
0x4b: {  	_ =	shalt  }
0x4c: {  	_ =	shalt  }
0x4d: {  	_ =	shalt  }
0x4e: {  	_ =	shalt  }
0x4f: {  	_ =	shalt  }
0x50: {  	_ =	shalt  }
0x51: {  	_ =	shalt  }
0x52: {  	_ =	shalt  }
0x53: {  	_ =	shalt  }
0x54: {  	_ =	shalt  }
0x55: {  	_ =	shalt  }
0x56: {  	_ =	shalt  }
0x57: {  	_ =	shalt  }
0x58: {  	_ =	shalt  }
0x59: {  	_ =	shalt  }
0x5a: {  	_ =	shalt  }
0x5b: {  	_ =	shalt  }
0x5c: {  	_ =	shalt  }
0x5d: {  	_ =	shalt  }
0x5e: {  	_ =	shalt  }
0x5f: {  	_ =	shalt  }
0x60: {  	_ =	shalt  }
0x61: {  	_ =	shalt  }
0x62: {  	_ =	shalt  }
0x63: {  	_ =	shalt  }
0x64: {  	_ =	shalt  }
0x65: {  	_ =	shalt  }
0x66: {  	_ =	shalt  }
0x67: {  	_ =	shalt  }
0x68: {  	_ =	shalt  }
0x69: {  	_ =	shalt  }
0x6a: {  	_ =	shalt  }
0x6b: {  	_ =	shalt  }
0x6c: {  	_ =	shalt  }
0x6d: {  	_ =	shalt  }
0x6e: {  	_ =	shalt  }
0x6f: {  	_ =	shalt  }
0x70: {  	_ =	shalt  }
0x71: {  	_ =	shalt  }
0x72: {  	_ =	shalt  }
0x73: {  	_ =	shalt  }
0x74: {  	_ =	shalt  }
0x75: {  	_ =	shalt  }
0x76: {  	_ =	shalt  }
0x77: {  	_ =	shalt  }
0x78: {  	_ =	shalt  }
0x79: {  	_ =	shalt  }
0x7a: {  	_ =	shalt  }
0x7b: {  	_ =	shalt  }
0x7c: {  	_ =	shalt  }
0x7d: {  	_ =	shalt  }
0x7e: {  	_ =	shalt  }
0x7f: {  	_ =	shalt  }
0x80: {  	_ =	shalt  }
0x81: {  	_ =	shalt  }
0x82: {  	_ =	shalt  }
0x83: {  	_ =	shalt  }
0x84: {  	_ =	shalt  }
0x85: {  	_ =	shalt  }
0x86: {  	_ =	shalt  }
0x87: {  	_ =	shalt  }
.Lfunc_end0:
.L_simem_size_0:
called_computation_lowered:
.L_overlay_start_0:
0x88: {  	s2 =	sld [smem:$0x3FD9]  }
0x89: {  	s3 =	sld [smem:$0x3FFE];
	_ =	sdelay $0x1  }
0x8a: {  	s1 =	srdreg.scid  }
0x8b: {  	s0 =	sand.u32 $0x1, s1  }
0x8c: {  	s17 =	sshll.u32 s0, $0xA;
	s2 =	sadd.s32 s3, s2  }
0x8d: {  	s2 =	sadd.s32 s2, s17  }
0x8e: {  	[smem:$0x3FC6] =	sst s2  }
0x8f: {  	_ = 	snop  }
0x90: {  	s2 =	sld [smem:$0x3FC8]  }
0x91: {  	s18 =	sld [smem:$0x3FD0];
	(tm) =	ssettm $0x1  }
0x92: {  	s4 =	sld [smem:$0x3FFB];
	_ =	sdelay $0x3  }
0x93: {  	_ =	strace s4  }
0x94: {  	s4 =	sld [smem:$0x3FFC];
	_ =	sdelay $0x3  }
0x95: {  	_ =	strace s4  }
0x96: {  	s4 =	sld [smem:$0x3FFD];
	_ =	sdelay $0x3  }
0x97: {  	_ =	strace s4  }
0x98: {  	_ =	strace $0x8FFFFFFF  }
0x99: {  	s19 =	sld [smem:$0x3FDB];
	_ =	sdelay $0x1  }
0x9a: {  	s5 =	simm.s32 $_scs_section_size  }
0x9b: {  	s6 =	simm.s32 $_size__tile_overlayer_lowered;
	s7 =	simm.s32 $_tile_overlayer_lowered  }
0x9c: {  	s22 =	simm.s32 $0x1BFF;
	s21 =	sshll.u32 s7, $0x1;
	s4 =	sadd.s32 s5, s19  }
0x9d: {  	s8 =	simm.s32 $0x0;
	s20 =	sshll.u32 s6, $0x1;
	s6 =	sadd.s32 s21, s4  }
0x9e: {  	[timem:s8], [sflag:s22] =	dma.local [hbm:s6], s20  }
0x9f: {  	_ =	swait.ge [sflag:s22], s20  }
0xa0: {  	s5 =	ssub.s32 $0x0, s20;
	[sflag:s22] =	ssyncset.done $0x0  }
0xa1: {  	[sflag:s22] =	ssyncadd.s32 s5;
	_ =	sdelay $0x1  }
0xa2: {  	s23 =	simm.s32 $0x1B8B  }
0xa3: {  	_ =	swait.ge [sflag:s23], $0x1  }
0xa4: {  	[sflag:s23] =	ssyncset.done $0x0  }
0xa5: {  	s25 =	simm.s32 $0x1B8E;
	s24 =	sld [smem:$0x3FFE];
	[sflag:s23] =	ssyncadd.s32 $0xFFFFFFFF  }
0xa6: {  	s26 =	simm.s32 $execute0_lowered;
	[smem:$0x3FD2] =	sst s25  }
0xa7: {  	s6 =	sshll.u32 s26, $0x1;
	_ =	strace $0x80000046;
	[dreg:$0x1] =	wrdreg $0xFFFFFFFF  }
0xa8: {  	s28 =	simm.s32 $_size_execute0_lowered;
	s4 =	sadd.s32 s4, s6;
	[dreg:$0x0] =	wrdreg $0x0  }
0xa9: {  	s6 =	sshll.u32 s28, $0x1;
	[dreg:$0x2] =	wrdreg s4  }
0xaa: {  	[dreg:$0x3] =	wrdreg s6  }
0xab: {  	[dreg:$0x4] =	wrdreg $0xC0  }
0xac: {  	_ =	task [dreg:s8], $0x5FFFF  }
0xad: {  	[dreg:$0x1] =	wrdreg $0xFFFFFFFF  }
0xae: {  	[dreg:$0x0] =	wrdreg $0x60  }
0xaf: {  	[dreg:$0x2] =	wrdreg s2  }
0xb0: {  	[dreg:$0x3] =	wrdreg s18  }
0xb1: {  	[dreg:$0x4] =	wrdreg s24  }
0xb2: {  	[dreg:$0x5] =	wrdreg $0x9  }
0xb3: {  	_ =	task.clear_ibuf [dreg:s8], $0x6FFFF;
	_ =	strace $0x90000046  }
0xb4: {  	s29 =	simm.s32 $0x9;
	_ =	strace $0x80000048  }
0xb5: {  	_ =	swait.ge [sflag:s29], $0x1  }
0xb6: {  	[sflag:s29] =	ssyncadd.s32 $0xFFFFFFFF  }
0xb7: {  	_ =	strace $0x90000048  }
0xb8: {  	_ =	sfence  }
0xb9: {  	s30 =	sld [smem:$0x0];
	_ =	sdelay $0x2  }
0xba: {  	s31 =	sshll.u32 s1, $0xD;
	s1 =	sshrl.u32 s1, $0x2  }
0xbb: {  	s3 =	sand.u32 $0x4000, s31;
	s1 =	sadd.s32 s1, s30  }
0xbc: {  	s0 =	sor.u32 s3, s0;
	s1 =	sshll.u32 s1, $0x11  }
0xbd: {  	s0 =	sor.u32 s1, s0  }
0xbe: {  	s0 =	sadd.s32 $0x8F2B, s0  }
0xbf: {  	[sflag:s0] =	ssyncadd.remote.s32 $0x1  }
0xc0: {  	_ =	sfence.sel $0xFFFF  }
0xc1: {  	[dreg:$0x0] =	wrdreg $0xFFFFFFFF;
	(pc) =	sbr.abs _section_cstart, $3  }
0xc2: {  	[dreg:$0x1] =	wrdreg $0xFFFFFFFF  }
0xc3: {  	_ =	task.clear_ibuf [dreg:s8], $0x2FFFF;
	_ =	strace $0x9FFFFFFF  }
0xc4: {  	(tm) =	ssettm $0x7FFFFFFF  }
0xc5: {  	_ =	shalt  }
tec
execute0_lowered:
.L_overlay_start_1:
0x0: {  	(tag) =	ssettag $0x1  }
0x1: {  	s1 =	rddreg [dreg:$0x0]  }
0x2: {  	s2 =	rddreg [dreg:$0x1]  }
0x3: {  	s0 =	rddreg [dreg:$0x2];
	s5 =	srdreg.scid;
	s4 =	simm.s32 $0x0  }
0x4: {  	s3 =	stileid.u32;
	s11 =	simm.s32 $0x800;
	s12 =	simm.s32 $0x7A1400  }
0x5: {  	s13 =	simm.s32 $0x1;
	s14 =	simm.s32 $0x8000;
	s15 =	simm.s32 $0x2  }
0x6: {  	s16 =	simm.s32 $0x4000;
	s17 =	simm.s32 $0xC000;
	s18 =	simm.s32 $0x3  }
0x7: {  	s19 =	simm.s32 $0x4;
	s20 =	simm.s32 $0x10000;
	s21 =	simm.s32 $0x5  }
0x8: {  	s22 =	simm.s32 $0x12000;
	s23 =	simm.s32 $0x0;
	s5 =	sand.u32 $0x1, s5  }
.Ltmp0:
0x9: {  	[smem:$0x7FF] =	sst s4;
	s6 =	sshll.u32 s3, $0x1;
	(pc) =	sbr.rel .LBB2_1-.Ltmp0, $4  }
0xa: {  	s9 =	sadd.s32 $0x7A1A00, s0;
	s7 =	ssub.s32 $0x2, s5;
	_ =	strace $0x80000047  }
0xb: {  	v0 =	vlaneseq.u32;
	s5 =	sor.u32 s5, s6;
	s6 =	sadd.s32 $0xA00, s0;
	s8 =	sshrl.u32 s7, $0x1  }
0xc: {  	v1 =	vand.u32 $0x7, v0;
	v2 =	vand.u32 $0x1, v0;
	s31 =	sshll.u32 s5, $0x8;
	p0 =	sne.s32 s5, $0x0;
	s10 =	ssub.s32 s7, s8  }
0xd: {  	v1 =	vmul.u32 $0x80, v1;
	v2 =	vmul.u32 $0x40, v2;
	s7 =	sadd.s32 s1, s31;
	s8 =	sor.u32 $0x40, s5;
	s10 =	smax.u32 s10, $0x1  }
.LBB2_15:
0xe: {  	_ =	swait.ge [sflag:s18], $0x4000  }
.Ltmp1:
0xf: {  	[sflag:s18] =	ssyncset.done $0x0;
	(pc) =	sbr.rel @!p0 .LBB2_16-.Ltmp1, $4  }
0x10: {  	[sflag:s18] =	ssyncadd.s32 $0xFFFFC000  }
0x11: {  	_ =	swait.ge [sflag:s19], $0x4000  }
0x12: {  	[sflag:s19] =	ssyncset.done $0x0  }
0x13: {  	[sflag:s19] =	ssyncadd.s32 $0xFFFFC000  }
.LBB2_21:
0x14: {  	s23 =	sadd.s32 $0x1, s23  }
0x15: {  	p1 =	sne.s32 s23, s10  }
.Ltmp2:
0x16: {  	_ = 	snop;
	(pc) =	sbr.rel @!p1 .LBB2_22-.Ltmp2, $1  }
0x17: {  	_ =	sdelay $0x3  }
.LBB2_1:
.Ltmp3:
0x18: {  	(pc) =	sbr.rel .LBB2_2-.Ltmp3, $3  }
0x19: {  	_ =	sdelay $0x1  }
0x1a: {  	[tilespmem:s4], [sflag:$0x1] =	stream.strided.gather [hbm4b:s7+s11], $0x4000, s12, s11, $0x38;
	[tilespmem:$0x13000] =	vst v63  }
0x1b: {  	s24 =	simm.s32 $0x0  }
.LBB2_14:
0x1c: {  	s24 =	sadd.s32 $0x1, s24  }
0x1d: {  	p1 =	sne.s32 s24, $0x3E  }
.Ltmp4:
0x1e: {  	_ = 	snop;
	(pc) =	sbr.rel @!p1 .LBB2_15-.Ltmp4, $1  }
0x1f: {  	_ =	sdelay $0x3  }
.LBB2_2:
0x20: {  	s26 =	sshll.u32 s24, $0x6  }
0x21: {  	s28 =	sor.u32 s5, s26  }
0x22: {  	p3 =	sgt.u32 s28, $0xF41  }
.Ltmp5:
0x23: {  	s25 =	sor.u32 $0x20, s28;
	(pc) =	sbr.rel @p3 .LBB2_8-.Ltmp5, $4  }
0x24: {  	p2 =	sgt.u32 s25, $0xF41  }
0x25: {  	p1 =	seq.s32 s24, $0x0;
	s0 =	sshll.u32 @!p2 s25, $0x8;
	s29 =	simm.s32 @!p2 $0x800  }
0x26: {  	s30 =	simm.s32 @!p2 $0x7A1400;
	s31 =	simm.s32 @!p2 $0x4000;
	s0 =	sadd.s32 @!p2 s1, s0  }
0x27: {  	[tilespmem:s31], [sflag:$0x2] =	stream.strided.gather @!p2 [hbm4b:s0+s29], $0x4000, s30, s29, $0x38;
	[tilespmem:$0x13000] =	vst v63  }
0x28: {  	_ =	swait.ge [sflag:s13], $0x4000  }
0x29: {  	[sflag:s13] =	ssyncset.done $0x0  }
0x2a: {  	s0 =	simm.s32 @!p1 $0x3;
	[sflag:s13] =	ssyncadd.s32 $0xFFFFC000  }
0x2b: {  	_ =	swait.ge @!p1 [sflag:s0], $0x4000  }
0x2c: {  	[sflag:s0] =	ssyncset.done @!p1 $0x0  }
0x2d: {  	s29 =	simm.s32 $0x0;
	s30 =	simm.s32 $0x0;
	[sflag:s0] =	ssyncadd.s32 @!p1 $0xFFFFC000  }
.LBB2_4:
0x2e: {  	s0 =	sshll.u32 s30, $0x4  }
0x2f: {  	v8 =	vadd.s32 s29, v0;
	s3 =	simm.s32 $0x7;
	v4 =	vor.u32 s0, v0  }
0x30: {  	v3 =	vmov s0;
	v7 =	vadd.s32 s3, v0;
	v5 =	vand.u32 $0x7F, v4  }
0x31: {  	v3 =	vshll.u32 v3, $0x3;
	v4 =	vshll.u32 v4, $0x6;
	v9 =	vshll.u32 v7, $0x8  }
0x32: {  	s3 =	simm.s32 $0x6;
	v10 =	vshll.u32 v7, $0x7;
	v3 =	vand.u32 $0x400, v3;
	v6 =	vand.u32 $0x3F80, v4  }
0x33: {  	v11 =	vand.u32 $0x3800, v9;
	v12 =	vand.u32 $0x380, v10;
	v9 =	vadd.s32 s3, v0  }
0x34: {  	v4 =	vor.u32 v3, v5;
	v3 =	vor.u32 v2, v6;
	v5 =	vand.u32 $0x3F, v8  }
0x35: {  	v8 =	vshll.u32 v8, $0x8;
	v11 =	vor.u32 v11, v12;
	v12 =	vshll.u32 v9, $0x8  }
0x36: {  	v13 =	vshll.u32 v9, $0x7;
	v6 =	vor.u32 v1, v4;
	v5 =	vor.u32 v5, v3  }
0x37: {  	s31 =	simm.s32 $0x5;
	v8 =	vand.u32 $0x3800, v8;
	v12 =	vand.u32 $0x3800, v12;
	v13 =	vand.u32 $0x380, v13  }
0x38: {  	s3 =	simm.s32 $0x4;
	v10 =	vor.u32 v8, v6;
	v8 =	vadd.s32 s31, v0;
	v16 =	vor.u32 v12, v13  }
0x39: {  	v12 =	vadd.s32 s3, v0;
	v14 =	vshll.u32 v8, $0x8;
	v15 =	vshll.u32 v8, $0x7  }
0x3a: {  	v17 =	vshll.u32 v12, $0x7;
	v14 =	vand.u32 $0x3800, v14;
	v15 =	vand.u32 $0x380, v15  }
0x3b: {  	s31 =	simm.s32 $0x3;
	v16 =	vor.u32 v4, v16;
	v17 =	vand.u32 $0x380, v17;
	v14 =	vor.u32 v14, v15  }
0x3c: {  	v15 =	vor.u32 v4, v11;
	v11 =	vadd.s32 s31, v0;
	v13 =	vor.u32 v4, v14  }
0x3d: {  	v14 =	vshll.u32 v12, $0x8;
	v18 =	vshll.u32 v11, $0x8;
	v19 =	vshll.u32 v11, $0x7  }
0x3e: {  	s3 =	simm.s32 $0x2;
	v20 =	vand.u32 $0x3800, v14;
	v18 =	vand.u32 $0x3800, v18;
	v19 =	vand.u32 $0x380, v19  }
0x3f: {  	v14 =	vadd.s32 s3, v0;
	v18 =	vor.u32 v18, v19;
	v20 =	vor.u32 v20, v17  }
0x40: {  	s0 =	simm.s32 $0x1;
	s31 =	simm.s32 $0x8;
	v19 =	vshll.u32 v14, $0x8;
	v17 =	vor.u32 v4, v18;
	v18 =	vor.u32 v4, v20  }
.LBB2_5:
0x41: {  	p3 =	slt.u32 s31, $0x38;
	v20 =	vadd.s32 s0, v0;
	v19 =	vand.u32 $0x3800, v19;
	v21 =	vshll.u32 v14, $0x7  }
0x42: {  	v22 =	vshll.u32 v20, $0x8;
	v23 =	vshll.u32 v20, $0x7;
	v21 =	vand.u32 $0x380, v21  }
0x43: {  	v10 =	vld.idx.msk [tilespmem:v10+s4+$0x0], $0xffff;
	v22 =	vand.u32 $0x3800, v22;
	v23 =	vand.u32 $0x380, v23;
	v19 =	vor.u32 v19, v21  }
0x44: {  	v7 =	vand.u32 $0x3F, v7;
	v21 =	vor.u32 v22, v23;
	v19 =	vor.u32 v4, v19;
	v15 =	vld.idx.msk [tilespmem:v15+s4+$0x0], $0xffff  }
0x45: {  	v9 =	vand.u32 $0x3F, v9;
	v22 =	vor.u32 v7, v3;
	v21 =	vor.u32 v4, v21;
	v16 =	vld.idx.msk [tilespmem:v16+s4+$0x0], $0xffff  }
0x46: {  	v8 =	vand.u32 $0x3F, v8;
	v9 =	vor.u32 v9, v3;
	v7 =	vadd.s32 s31, v0;
	v13 =	vld.idx.msk [tilespmem:v13+s4+$0x0], $0xffff  }
0x47: {  	v12 =	vand.u32 $0x3F, v12;
	v8 =	vor.u32 v8, v3;
	v23 =	vand.u32 $0x3F, v7;
	v18 =	vld.idx.msk [tilespmem:v18+s4+$0x0], $0xffff  }
0x48: {  	v11 =	vand.u32 $0x3F, v11;
	v12 =	vor.u32 v12, v3;
	v23 =	vor.u32 v23, v3;
	v17 =	vld.idx.msk [tilespmem:v17+s4+$0x0], $0xffff  }
0x49: {  	s0 =	sadd.s32 $0x7, s31;
	v25 =	vand.u32 $0x3F, v14;
	v11 =	vor.u32 v11, v3;
	v24 =	vshll.u32 v7, $0x8;
	[tilespmem:v5+s14+$0x0] =	vst.idx.msk $0xffff, v10;
	v14 =	vld.idx.msk [tilespmem:v19+s4+$0x0], $0xffff  }
0x4a: {  	v7 =	vadd.s32 s0, v0;
	v10 =	vand.u32 $0x3F, v20;
	v20 =	vor.u32 v25, v3;
	v19 =	vld.idx.msk [tilespmem:v21+s4+$0x0], $0xffff;
	[tilespmem:v22+s14+$0x0] =	vst.idx.msk $0xffff, v15  }
0x4b: {  	v5 =	vmovc v23;
	v15 =	vshll.u32 v7, $0x8;
	v21 =	vshll.u32 v7, $0x7;
	v22 =	vor.u32 v10, v3;
	[tilespmem:v9+s14+$0x0] =	vst.idx.msk $0xffff, v16  }
0x4c: {  	s0 =	sadd.s32 $0x6, s31;
	v9 =	vand.u32 $0x3800, v24;
	v15 =	vand.u32 $0x3800, v15;
	v16 =	vand.u32 $0x380, v21;
	[tilespmem:v8+s14+$0x0] =	vst.idx.msk $0xffff, v13  }
0x4d: {  	s3 =	sadd.s32 $0x5, s31;
	v10 =	vor.u32 v9, v6;
	v9 =	vadd.s32 s0, v0;
	v13 =	vor.u32 v15, v16;
	[tilespmem:v12+s14+$0x0] =	vst.idx.msk $0xffff, v18  }
0x4e: {  	v8 =	vadd.s32 s3, v0;
	v12 =	vshll.u32 v9, $0x8;
	v15 =	vshll.u32 v9, $0x7;
	[tilespmem:v11+s14+$0x0] =	vst.idx.msk $0xffff, v17  }
0x4f: {  	v16 =	vshll.u32 v8, $0x7;
	v11 =	vshll.u32 v8, $0x8;
	v12 =	vand.u32 $0x3800, v12;
	[tilespmem:v20+s14+$0x0] =	vst.idx.msk $0xffff, v14  }
0x50: {  	v15 =	vand.u32 $0x380, v15;
	v11 =	vand.u32 $0x3800, v11;
	v14 =	vand.u32 $0x380, v16;
	[tilespmem:v22+s14+$0x0] =	vst.idx.msk $0xffff, v19  }
0x51: {  	s0 =	sadd.s32 $0x4, s31;
	v11 =	vor.u32 v11, v14;
	v14 =	vor.u32 v12, v15;
	v15 =	vor.u32 v4, v13  }
0x52: {  	s3 =	sadd.s32 $0x3, s31;
	v12 =	vadd.s32 s0, v0;
	v13 =	vor.u32 v4, v11;
	v16 =	vor.u32 v4, v14  }
.Ltmp6:
0x53: {  	v11 =	vadd.s32 s3, v0;
	v14 =	vshll.u32 v12, $0x8;
	v17 =	vshll.u32 v12, $0x7;
	(pc) =	sbr.rel @p3 .LBB2_5-.Ltmp6, $4  }
0x54: {  	v18 =	vshll.u32 v11, $0x8;
	v19 =	vshll.u32 v11, $0x7;
	v20 =	vand.u32 $0x3800, v14  }
0x55: {  	s0 =	sadd.s32 $0x2, s31;
	v17 =	vand.u32 $0x380, v17;
	v18 =	vand.u32 $0x3800, v18;
	v19 =	vand.u32 $0x380, v19  }
0x56: {  	v14 =	vadd.s32 s0, v0;
	v20 =	vor.u32 v20, v17;
	v18 =	vor.u32 v18, v19  }
0x57: {  	s0 =	sadd.s32 $0x1, s31;
	s31 =	sadd.s32 $0x8, s31;
	v19 =	vshll.u32 v14, $0x8;
	v17 =	vor.u32 v4, v18;
	v18 =	vor.u32 v4, v20  }
0x58: {  	_ = 	snop  }
0x59: {  	v6 =	vadd.s32 s0, v0;
	v19 =	vand.u32 $0x3800, v19  }
0x5a: {  	v20 =	vshll.u32 v14, $0x7;
	v7 =	vand.u32 $0x3F, v7;
	v9 =	vand.u32 $0x3F, v9  }
0x5b: {  	v21 =	vshll.u32 v6, $0x8;
	v22 =	vshll.u32 v6, $0x7;
	v20 =	vand.u32 $0x380, v20  }
0x5c: {  	v10 =	vld.idx.msk [tilespmem:v10+s4+$0x0], $0xffff;
	v21 =	vand.u32 $0x3800, v21;
	v22 =	vand.u32 $0x380, v22;
	v19 =	vor.u32 v19, v20  }
0x5d: {  	v15 =	vld.idx.msk [tilespmem:v15+s4+$0x0], $0xffff;
	v7 =	vor.u32 v7, v3;
	v59 =	vor.u32 v21, v22;
	v19 =	vor.u32 v4, v19  }
0x5e: {  	v16 =	vld.idx.msk [tilespmem:v16+s4+$0x0], $0xffff;
	v8 =	vand.u32 $0x3F, v8;
	v9 =	vor.u32 v9, v3;
	v60 =	vor.u32 v4, v59  }
0x5f: {  	v13 =	vld.idx.msk [tilespmem:v13+s4+$0x0], $0xffff;
	v12 =	vand.u32 $0x3F, v12;
	v8 =	vor.u32 v8, v3  }
0x60: {  	v18 =	vld.idx.msk [tilespmem:v18+s4+$0x0], $0xffff;
	v11 =	vand.u32 $0x3F, v11;
	v12 =	vor.u32 v12, v3  }
0x61: {  	v17 =	vld.idx.msk [tilespmem:v17+s4+$0x0], $0xffff;
	v61 =	vand.u32 $0x3F, v14;
	v62 =	vor.u32 v11, v3;
	[tilespmem:v5+s14+$0x0] =	vst.idx.msk $0xffff, v10  }
0x62: {  	s30 =	sadd.s32 $0x1, s30;
	v6 =	vand.u32 $0x3F, v6;
	v5 =	vor.u32 v61, v3;
	[tilespmem:v7+s14+$0x0] =	vst.idx.msk $0xffff, v15;
	v63 =	vld.idx.msk [tilespmem:v19+s4+$0x0], $0xffff  }
0x63: {  	p3 =	sne.s32 s30, $0x10;
	v3 =	vor.u32 v6, v3;
	[tilespmem:v9+s14+$0x0] =	vst.idx.msk $0xffff, v16;
	v4 =	vld.idx.msk [tilespmem:v60+s4+$0x0], $0xffff  }
.Ltmp7:
0x64: {  	[tilespmem:v8+s14+$0x0] =	vst.idx.msk $0xffff, v13;
	(pc) =	sbr.rel @p3 .LBB2_4-.Ltmp7, $4  }
0x65: {  	[tilespmem:v12+s14+$0x0] =	vst.idx.msk $0xffff, v18  }
0x66: {  	[tilespmem:v62+s14+$0x0] =	vst.idx.msk $0xffff, v17  }
0x67: {  	[tilespmem:v5+s14+$0x0] =	vst.idx.msk $0xffff, v63  }
0x68: {  	[tilespmem:v3+s14+$0x0] =	vst.idx.msk $0xffff, v4  }
0x69: {  	s0 =	sshll.u32 s28, $0xB  }
0x6a: {  	s0 =	sadd.s32 s6, s0  }
0x6b: {  	[hbm4b:s0+s4] =	stream.linear.scatter [tilespmem:s14], [sflag:$0x3], $0x4000, $0x38;
	[tilespmem:$0x13000] =	vst v63  }
.LBB2_8:
.Ltmp8:
0x6c: {  	s0 =	sadd.s32 s8, s26;
	(pc) =	sbr.rel @p2 .LBB2_14-.Ltmp8, $4  }
0x6d: {  	p3 =	sgt.u32 s0, $0xF41  }
0x6e: {  	s0 =	sshll.u32 @!p3 s0, $0x8;
	s3 =	simm.s32 @!p3 $0x800  }
0x6f: {  	s26 =	simm.s32 @!p3 $0x7A1400;
	s28 =	simm.s32 @!p3 $0x0;
	s0 =	sadd.s32 @!p3 s1, s0  }
0x70: {  	[tilespmem:s28], [sflag:$0x1] =	stream.strided.gather @!p3 [hbm4b:s0+s3], $0x4000, s26, s3, $0x38;
	[tilespmem:$0x13000] =	vst v63  }
0x71: {  	_ =	swait.ge [sflag:s15], $0x4000  }
0x72: {  	[sflag:s15] =	ssyncset.done $0x0  }
0x73: {  	s0 =	simm.s32 @!p1 $0x4;
	[sflag:s15] =	ssyncadd.s32 $0xFFFFC000  }
0x74: {  	_ =	swait.ge @!p1 [sflag:s0], $0x4000  }
0x75: {  	[sflag:s0] =	ssyncset.done @!p1 $0x0  }
0x76: {  	s26 =	simm.s32 $0x0;
	s28 =	simm.s32 $0x0;
	[sflag:s0] =	ssyncadd.s32 @!p1 $0xFFFFC000  }
.LBB2_10:
0x77: {  	s0 =	sshll.u32 s28, $0x4  }
0x78: {  	v8 =	vadd.s32 s26, v0;
	s30 =	simm.s32 $0x7;
	v4 =	vor.u32 s0, v0  }
0x79: {  	v3 =	vmov s0;
	v7 =	vadd.s32 s30, v0;
	v5 =	vand.u32 $0x7F, v4  }
0x7a: {  	v3 =	vshll.u32 v3, $0x3;
	v4 =	vshll.u32 v4, $0x6;
	v9 =	vshll.u32 v7, $0x8  }
0x7b: {  	s31 =	simm.s32 $0x6;
	v10 =	vshll.u32 v7, $0x7;
	v3 =	vand.u32 $0x400, v3;
	v6 =	vand.u32 $0x3F80, v4  }
0x7c: {  	v11 =	vand.u32 $0x3800, v9;
	v12 =	vand.u32 $0x380, v10;
	v9 =	vadd.s32 s31, v0  }
0x7d: {  	v4 =	vor.u32 v3, v5;
	v3 =	vor.u32 v2, v6;
	v5 =	vand.u32 $0x3F, v8  }
0x7e: {  	v8 =	vshll.u32 v8, $0x8;
	v11 =	vor.u32 v11, v12;
	v12 =	vshll.u32 v9, $0x8  }
0x7f: {  	v13 =	vshll.u32 v9, $0x7;
	v6 =	vor.u32 v1, v4;
	v5 =	vor.u32 v5, v3  }
0x80: {  	s3 =	simm.s32 $0x5;
	v8 =	vand.u32 $0x3800, v8;
	v12 =	vand.u32 $0x3800, v12;
	v13 =	vand.u32 $0x380, v13  }
0x81: {  	v10 =	vor.u32 v8, v6;
	v8 =	vadd.s32 s3, v0;
	s3 =	simm.s32 $0x4;
	v16 =	vor.u32 v12, v13  }
0x82: {  	v14 =	vshll.u32 v8, $0x8;
	v15 =	vshll.u32 v8, $0x7;
	v12 =	vadd.s32 s3, v0  }
0x83: {  	v16 =	vor.u32 v4, v16;
	v14 =	vand.u32 $0x3800, v14;
	v15 =	vand.u32 $0x380, v15  }
0x84: {  	s30 =	simm.s32 $0x3;
	v17 =	vshll.u32 v12, $0x7;
	v14 =	vor.u32 v14, v15;
	v15 =	vor.u32 v4, v11  }
0x85: {  	v11 =	vadd.s32 s30, v0;
	v17 =	vand.u32 $0x380, v17;
	v13 =	vor.u32 v4, v14  }
0x86: {  	v14 =	vshll.u32 v12, $0x8;
	v18 =	vshll.u32 v11, $0x8;
	v19 =	vshll.u32 v11, $0x7  }
0x87: {  	s31 =	simm.s32 $0x2;
	v20 =	vand.u32 $0x3800, v14;
	v18 =	vand.u32 $0x3800, v18;
	v19 =	vand.u32 $0x380, v19  }
0x88: {  	v14 =	vadd.s32 s31, v0;
	v18 =	vor.u32 v18, v19;
	v20 =	vor.u32 v20, v17  }
0x89: {  	s29 =	simm.s32 $0x8;
	s0 =	simm.s32 $0x1;
	v19 =	vshll.u32 v14, $0x8;
	v17 =	vor.u32 v4, v18;
	v18 =	vor.u32 v4, v20  }
.LBB2_11:
0x8a: {  	p1 =	slt.u32 s29, $0x38;
	v20 =	vadd.s32 s0, v0;
	v19 =	vand.u32 $0x3800, v19;
	v21 =	vshll.u32 v14, $0x7  }
0x8b: {  	v22 =	vshll.u32 v20, $0x8;
	v23 =	vshll.u32 v20, $0x7;
	v21 =	vand.u32 $0x380, v21  }
0x8c: {  	v10 =	vld.idx.msk [tilespmem:v10+s16+$0x0], $0xffff;
	v22 =	vand.u32 $0x3800, v22;
	v23 =	vand.u32 $0x380, v23;
	v19 =	vor.u32 v19, v21  }
0x8d: {  	v7 =	vand.u32 $0x3F, v7;
	v21 =	vor.u32 v22, v23;
	v19 =	vor.u32 v4, v19;
	v15 =	vld.idx.msk [tilespmem:v15+s16+$0x0], $0xffff  }
0x8e: {  	v9 =	vand.u32 $0x3F, v9;
	v22 =	vor.u32 v7, v3;
	v21 =	vor.u32 v4, v21;
	v16 =	vld.idx.msk [tilespmem:v16+s16+$0x0], $0xffff  }
0x8f: {  	v8 =	vand.u32 $0x3F, v8;
	v9 =	vor.u32 v9, v3;
	v7 =	vadd.s32 s29, v0;
	v13 =	vld.idx.msk [tilespmem:v13+s16+$0x0], $0xffff  }
0x90: {  	v12 =	vand.u32 $0x3F, v12;
	v8 =	vor.u32 v8, v3;
	v23 =	vand.u32 $0x3F, v7;
	v18 =	vld.idx.msk [tilespmem:v18+s16+$0x0], $0xffff  }
0x91: {  	v11 =	vand.u32 $0x3F, v11;
	v12 =	vor.u32 v12, v3;
	v23 =	vor.u32 v23, v3;
	v17 =	vld.idx.msk [tilespmem:v17+s16+$0x0], $0xffff  }
0x92: {  	s0 =	sadd.s32 $0x7, s29;
	v25 =	vand.u32 $0x3F, v14;
	v11 =	vor.u32 v11, v3;
	v24 =	vshll.u32 v7, $0x8;
	[tilespmem:v5+s17+$0x0] =	vst.idx.msk $0xffff, v10;
	v14 =	vld.idx.msk [tilespmem:v19+s16+$0x0], $0xffff  }
0x93: {  	v7 =	vadd.s32 s0, v0;
	v10 =	vand.u32 $0x3F, v20;
	v20 =	vor.u32 v25, v3;
	v19 =	vld.idx.msk [tilespmem:v21+s16+$0x0], $0xffff;
	[tilespmem:v22+s17+$0x0] =	vst.idx.msk $0xffff, v15  }
0x94: {  	v5 =	vmovc v23;
	v15 =	vshll.u32 v7, $0x8;
	v21 =	vshll.u32 v7, $0x7;
	v22 =	vor.u32 v10, v3;
	[tilespmem:v9+s17+$0x0] =	vst.idx.msk $0xffff, v16  }
0x95: {  	s0 =	sadd.s32 $0x6, s29;
	v9 =	vand.u32 $0x3800, v24;
	v15 =	vand.u32 $0x3800, v15;
	v16 =	vand.u32 $0x380, v21;
	[tilespmem:v8+s17+$0x0] =	vst.idx.msk $0xffff, v13  }
0x96: {  	s3 =	sadd.s32 $0x5, s29;
	v10 =	vor.u32 v9, v6;
	v9 =	vadd.s32 s0, v0;
	v13 =	vor.u32 v15, v16;
	[tilespmem:v12+s17+$0x0] =	vst.idx.msk $0xffff, v18  }
0x97: {  	v8 =	vadd.s32 s3, v0;
	v12 =	vshll.u32 v9, $0x8;
	v15 =	vshll.u32 v9, $0x7;
	[tilespmem:v11+s17+$0x0] =	vst.idx.msk $0xffff, v17  }
0x98: {  	v16 =	vshll.u32 v8, $0x7;
	v11 =	vshll.u32 v8, $0x8;
	v12 =	vand.u32 $0x3800, v12;
	[tilespmem:v20+s17+$0x0] =	vst.idx.msk $0xffff, v14  }
0x99: {  	v15 =	vand.u32 $0x380, v15;
	v11 =	vand.u32 $0x3800, v11;
	v14 =	vand.u32 $0x380, v16;
	[tilespmem:v22+s17+$0x0] =	vst.idx.msk $0xffff, v19  }
0x9a: {  	s0 =	sadd.s32 $0x4, s29;
	v11 =	vor.u32 v11, v14;
	v14 =	vor.u32 v12, v15;
	v15 =	vor.u32 v4, v13  }
0x9b: {  	s3 =	sadd.s32 $0x3, s29;
	v12 =	vadd.s32 s0, v0;
	v13 =	vor.u32 v4, v11;
	v16 =	vor.u32 v4, v14  }
.Ltmp9:
0x9c: {  	v11 =	vadd.s32 s3, v0;
	v14 =	vshll.u32 v12, $0x8;
	v17 =	vshll.u32 v12, $0x7;
	(pc) =	sbr.rel @p1 .LBB2_11-.Ltmp9, $4  }
0x9d: {  	v18 =	vshll.u32 v11, $0x8;
	v19 =	vshll.u32 v11, $0x7;
	v20 =	vand.u32 $0x3800, v14  }
0x9e: {  	s0 =	sadd.s32 $0x2, s29;
	v17 =	vand.u32 $0x380, v17;
	v18 =	vand.u32 $0x3800, v18;
	v19 =	vand.u32 $0x380, v19  }
0x9f: {  	v14 =	vadd.s32 s0, v0;
	v20 =	vor.u32 v20, v17;
	v18 =	vor.u32 v18, v19  }
0xa0: {  	s0 =	sadd.s32 $0x1, s29;
	s29 =	sadd.s32 $0x8, s29;
	v19 =	vshll.u32 v14, $0x8;
	v17 =	vor.u32 v4, v18;
	v18 =	vor.u32 v4, v20  }
0xa1: {  	_ = 	snop  }
0xa2: {  	v6 =	vadd.s32 s0, v0;
	v19 =	vand.u32 $0x3800, v19  }
0xa3: {  	v20 =	vshll.u32 v14, $0x7;
	v7 =	vand.u32 $0x3F, v7;
	v9 =	vand.u32 $0x3F, v9  }
0xa4: {  	v21 =	vshll.u32 v6, $0x8;
	v22 =	vshll.u32 v6, $0x7;
	v20 =	vand.u32 $0x380, v20  }
0xa5: {  	v10 =	vld.idx.msk [tilespmem:v10+s16+$0x0], $0xffff;
	v21 =	vand.u32 $0x3800, v21;
	v22 =	vand.u32 $0x380, v22;
	v19 =	vor.u32 v19, v20  }
0xa6: {  	v15 =	vld.idx.msk [tilespmem:v15+s16+$0x0], $0xffff;
	v7 =	vor.u32 v7, v3;
	v59 =	vor.u32 v21, v22;
	v19 =	vor.u32 v4, v19  }
0xa7: {  	v16 =	vld.idx.msk [tilespmem:v16+s16+$0x0], $0xffff;
	v8 =	vand.u32 $0x3F, v8;
	v9 =	vor.u32 v9, v3;
	v60 =	vor.u32 v4, v59  }
0xa8: {  	v13 =	vld.idx.msk [tilespmem:v13+s16+$0x0], $0xffff;
	v12 =	vand.u32 $0x3F, v12;
	v8 =	vor.u32 v8, v3  }
0xa9: {  	v18 =	vld.idx.msk [tilespmem:v18+s16+$0x0], $0xffff;
	v11 =	vand.u32 $0x3F, v11;
	v12 =	vor.u32 v12, v3  }
0xaa: {  	v17 =	vld.idx.msk [tilespmem:v17+s16+$0x0], $0xffff;
	v61 =	vand.u32 $0x3F, v14;
	v62 =	vor.u32 v11, v3;
	[tilespmem:v5+s17+$0x0] =	vst.idx.msk $0xffff, v10  }
0xab: {  	s28 =	sadd.s32 $0x1, s28;
	v6 =	vand.u32 $0x3F, v6;
	v5 =	vor.u32 v61, v3;
	[tilespmem:v7+s17+$0x0] =	vst.idx.msk $0xffff, v15;
	v63 =	vld.idx.msk [tilespmem:v19+s16+$0x0], $0xffff  }
0xac: {  	p1 =	sne.s32 s28, $0x10;
	v3 =	vor.u32 v6, v3;
	[tilespmem:v9+s17+$0x0] =	vst.idx.msk $0xffff, v16;
	v4 =	vld.idx.msk [tilespmem:v60+s16+$0x0], $0xffff  }
.Ltmp10:
0xad: {  	[tilespmem:v8+s17+$0x0] =	vst.idx.msk $0xffff, v13;
	(pc) =	sbr.rel @p1 .LBB2_10-.Ltmp10, $4  }
0xae: {  	[tilespmem:v12+s17+$0x0] =	vst.idx.msk $0xffff, v18  }
0xaf: {  	[tilespmem:v62+s17+$0x0] =	vst.idx.msk $0xffff, v17  }
0xb0: {  	[tilespmem:v5+s17+$0x0] =	vst.idx.msk $0xffff, v63  }
0xb1: {  	[tilespmem:v3+s17+$0x0] =	vst.idx.msk $0xffff, v4  }
.Ltmp11:
0xb2: {  	(pc) =	sbr.rel .LBB2_14-.Ltmp11, $4  }
0xb3: {  	_ = 	snop  }
0xb4: {  	s0 =	sshll.u32 s25, $0xB  }
0xb5: {  	s0 =	sadd.s32 s6, s0  }
0xb6: {  	[hbm4b:s0+s4] =	stream.linear.scatter [tilespmem:s17], [sflag:$0x4], $0x4000, $0x38;
	[tilespmem:$0x13000] =	vst v63  }
.LBB2_16:
0xb7: {  	s24 =	simm.s32 $0x0  }
0xb8: {  	[tilespmem:s20], [sflag:$0x5] =	stream.linear.gather [hbm4b:s2+s24], $0x2000, $0x38;
	[tilespmem:$0x13000] =	vst v63  }
0xb9: {  	_ =	swait.ge [sflag:s21], $0x2000  }
0xba: {  	[sflag:s21] =	ssyncset.done $0x0  }
0xbb: {  	s25 =	simm.s32 $0x0;
	[sflag:s21] =	ssyncadd.s32 $0xFFFFE000  }
.LBB2_17:
0xbc: {  	s0 =	sshll.u32 s25, $0x4;
	v5 =	vadd.s32 s24, v0;
	s29 =	simm.s32 $0x7  }
0xbd: {  	s30 =	simm.s32 $0x6;
	s3 =	simm.s32 $0x5;
	s31 =	simm.s32 $0x4;
	v4 =	vor.u32 s0, v0;
	v5 =	vand.u32 $0x3F, v5;
	v6 =	vadd.s32 s29, v0  }
0xbe: {  	s26 =	simm.s32 $0x2;
	v9 =	vadd.s32 s30, v0;
	v10 =	vadd.s32 s3, v0;
	v11 =	vadd.s32 s31, v0  }
0xbf: {  	v16 =	vadd.s32 s26, v0;
	v3 =	vshll.u32 v4, $0x6;
	v7 =	vshll.u32 v5, $0x7  }
0xc0: {  	s3 =	simm.s32 $0x3;
	s29 =	simm.s32 $0x1;
	v6 =	vand.u32 $0x3F, v6;
	v9 =	vand.u32 $0x3F, v9;
	v10 =	vand.u32 $0x3F, v10  }
0xc1: {  	v11 =	vand.u32 $0x3F, v11;
	v14 =	vadd.s32 s3, v0;
	v17 =	vadd.s32 s29, v0  }
0xc2: {  	v7 =	vadd.s32 v4, v7;
	v8 =	vshll.u32 v6, $0x7;
	v14 =	vand.u32 $0x3F, v14  }
0xc3: {  	v16 =	vand.u32 $0x3F, v16;
	v8 =	vadd.s32 v4, v8;
	v18 =	vshll.u32 v14, $0x7  }
0xc4: {  	v3 =	vand.u32 $0xF80, v3;
	v12 =	vshll.u32 v9, $0x7;
	v18 =	vadd.s32 v4, v18  }
0xc5: {  	v13 =	vshll.u32 v10, $0x7;
	v15 =	vshll.u32 v11, $0x7;
	v12 =	vadd.s32 v4, v12  }
0xc6: {  	v17 =	vand.u32 $0x3F, v17;
	v3 =	vor.u32 v2, v3;
	v13 =	vadd.s32 v4, v13  }
0xc7: {  	v19 =	vshll.u32 v16, $0x7;
	v15 =	vadd.s32 v4, v15;
	v21 =	vor.u32 v5, v3;
	v20 =	vld.idx.msk [tilespmem:v7+s20+$0x0], $0xffff  }
0xc8: {  	v19 =	vadd.s32 v4, v19;
	v5 =	vshll.u32 v17, $0x7;
	v24 =	vor.u32 v6, v3;
	v22 =	vld.idx.msk [tilespmem:v8+s20+$0x0], $0xffff  }
0xc9: {  	s3 =	simm.s32 $0xE;
	v25 =	vor.u32 v9, v3;
	v14 =	vor.u32 v14, v3;
	v23 =	vadd.s32 v4, v5;
	v18 =	vld.idx.msk [tilespmem:v18+s20+$0x0], $0xffff  }
0xca: {  	s31 =	simm.s32 $0xF;
	s26 =	simm.s32 $0xD;
	s29 =	simm.s32 $0xC;
	v27 =	vor.u32 v10, v3;
	v29 =	vor.u32 v11, v3;
	v9 =	vadd.s32 s3, v0;
	v12 =	vld.idx.msk [tilespmem:v12+s20+$0x0], $0xffff  }
0xcb: {  	s30 =	simm.s32 $0x8;
	v10 =	vadd.s32 s26, v0;
	v11 =	vadd.s32 s29, v0;
	v5 =	vadd.s32 s31, v0;
	v26 =	vld.idx.msk [tilespmem:v13+s20+$0x0], $0xffff  }
0xcc: {  	v9 =	vand.u32 $0x3F, v9;
	v10 =	vand.u32 $0x3F, v10;
	v7 =	vadd.s32 s30, v0;
	v28 =	vld.idx.msk [tilespmem:v15+s20+$0x0], $0xffff;
	[tilespmem:v21+s22+$0x0] =	vst.idx.msk $0xffff, v20  }
0xcd: {  	v11 =	vand.u32 $0x3F, v11;
	v6 =	vand.u32 $0x3F, v7;
	v19 =	vld.idx.msk [tilespmem:v19+s20+$0x0], $0xffff;
	v20 =	vor.u32 v16, v3;
	[tilespmem:v24+s22+$0x0] =	vst.idx.msk $0xffff, v22  }
0xce: {  	v5 =	vand.u32 $0x3F, v5;
	v13 =	vor.u32 v17, v3;
	v7 =	vshll.u32 v6, $0x7;
	[tilespmem:v14+s22+$0x0] =	vst.idx.msk $0xffff, v18;
	v14 =	vld.idx.msk [tilespmem:v23+s20+$0x0], $0xffff  }
0xcf: {  	v17 =	vshll.u32 v11, $0x7;
	v8 =	vadd.s32 v4, v7;
	v7 =	vshll.u32 v5, $0x7;
	[tilespmem:v25+s22+$0x0] =	vst.idx.msk $0xffff, v12  }
0xd0: {  	s30 =	simm.s32 $0xB;
	v17 =	vadd.s32 v4, v17;
	v7 =	vadd.s32 v4, v7;
	v12 =	vshll.u32 v9, $0x7;
	[tilespmem:v27+s22+$0x0] =	vst.idx.msk $0xffff, v26  }
0xd1: {  	s31 =	simm.s32 $0xA;
	v16 =	vshll.u32 v10, $0x7;
	[tilespmem:v29+s22+$0x0] =	vst.idx.msk $0xffff, v28;
	v15 =	vadd.s32 v4, v12;
	v12 =	vadd.s32 s30, v0  }
0xd2: {  	s28 =	simm.s32 $0x9;
	s26 =	simm.s32 $0x10;
	v16 =	vadd.s32 v4, v16;
	v18 =	vadd.s32 s31, v0;
	v12 =	vand.u32 $0x3F, v12;
	[tilespmem:v20+s22+$0x0] =	vst.idx.msk $0xffff, v19  }
.LBB2_18:
0xd3: {  	p1 =	slt.u32 s26, $0x38;
	v19 =	vadd.s32 s28, v0;
	v18 =	vand.u32 $0x3F, v18;
	v20 =	vshll.u32 v12, $0x7;
	[tilespmem:v13+s22+$0x0] =	vst.idx.msk $0xffff, v14  }
0xd4: {  	v13 =	vld.idx.msk [tilespmem:v8+s20+$0x0], $0xffff;
	v19 =	vand.u32 $0x3F, v19;
	v8 =	vshll.u32 v18, $0x7;
	v14 =	vadd.s32 v4, v20  }
0xd5: {  	v20 =	vor.u32 v6, v3;
	v6 =	vshll.u32 v19, $0x7;
	v21 =	vadd.s32 v4, v8;
	v22 =	vld.idx.msk [tilespmem:v7+s20+$0x0], $0xffff  }
0xd6: {  	s0 =	sadd.s32 $0x7, s26;
	v24 =	vor.u32 v5, v3;
	v7 =	vadd.s32 s26, v0;
	v23 =	vadd.s32 v4, v6;
	v15 =	vld.idx.msk [tilespmem:v15+s20+$0x0], $0xffff  }
0xd7: {  	v25 =	vor.u32 v9, v3;
	v5 =	vadd.s32 s0, v0;
	v6 =	vand.u32 $0x3F, v7;
	v16 =	vld.idx.msk [tilespmem:v16+s20+$0x0], $0xffff  }
0xd8: {  	v26 =	vor.u32 v10, v3;
	v5 =	vand.u32 $0x3F, v5;
	v7 =	vshll.u32 v6, $0x7;
	v17 =	vld.idx.msk [tilespmem:v17+s20+$0x0], $0xffff  }
0xd9: {  	v28 =	vor.u32 v11, v3;
	v8 =	vadd.s32 v4, v7;
	v7 =	vshll.u32 v5, $0x7;
	v27 =	vld.idx.msk [tilespmem:v14+s20+$0x0], $0xffff  }
0xda: {  	v12 =	vor.u32 v12, v3;
	s0 =	sadd.s32 $0x6, s26;
	v7 =	vadd.s32 v4, v7;
	[tilespmem:v20+s22+$0x0] =	vst.idx.msk $0xffff, v13;
	v20 =	vld.idx.msk [tilespmem:v21+s20+$0x0], $0xffff  }
0xdb: {  	s3 =	sadd.s32 $0x5, s26;
	v9 =	vadd.s32 s0, v0;
	v21 =	vor.u32 v18, v3;
	v14 =	vld.idx.msk [tilespmem:v23+s20+$0x0], $0xffff;
	[tilespmem:v24+s22+$0x0] =	vst.idx.msk $0xffff, v22  }
.Ltmp12:
0xdc: {  	v10 =	vadd.s32 s3, v0;
	s0 =	sadd.s32 $0x4, s26;
	v9 =	vand.u32 $0x3F, v9;
	v13 =	vor.u32 v19, v3;
	[tilespmem:v25+s22+$0x0] =	vst.idx.msk $0xffff, v15;
	(pc) =	sbr.rel @p1 .LBB2_18-.Ltmp12, $4  }
0xdd: {  	v10 =	vand.u32 $0x3F, v10;
	v11 =	vadd.s32 s0, v0;
	v15 =	vshll.u32 v9, $0x7;
	[tilespmem:v26+s22+$0x0] =	vst.idx.msk $0xffff, v16  }
0xde: {  	s0 =	sadd.s32 $0x3, s26;
	v11 =	vand.u32 $0x3F, v11;
	v16 =	vshll.u32 v10, $0x7;
	v15 =	vadd.s32 v4, v15;
	[tilespmem:v28+s22+$0x0] =	vst.idx.msk $0xffff, v17  }
0xdf: {  	s3 =	sadd.s32 $0x2, s26;
	v19 =	vshll.u32 v11, $0x7;
	v17 =	vadd.s32 s0, v0;
	v16 =	vadd.s32 v4, v16;
	[tilespmem:v12+s22+$0x0] =	vst.idx.msk $0xffff, v27  }
0xe0: {  	s28 =	sadd.s32 $0x1, s26;
	s26 =	sadd.s32 $0x8, s26;
	v18 =	vadd.s32 s3, v0;
	v12 =	vand.u32 $0x3F, v17;
	v17 =	vadd.s32 v4, v19;
	[tilespmem:v21+s22+$0x0] =	vst.idx.msk $0xffff, v20  }
0xe1: {  	_ =	sdelay $0x1  }
0xe2: {  	v19 =	vadd.s32 s28, v0  }
0xe3: {  	v18 =	vand.u32 $0x3F, v18;
	v20 =	vshll.u32 v12, $0x7;
	v6 =	vor.u32 v6, v3  }
0xe4: {  	v8 =	vld.idx.msk [tilespmem:v8+s20+$0x0], $0xffff;
	v19 =	vand.u32 $0x3F, v19;
	v21 =	vshll.u32 v18, $0x7;
	v20 =	vadd.s32 v4, v20  }
0xe5: {  	v7 =	vld.idx.msk [tilespmem:v7+s20+$0x0], $0xffff;
	v5 =	vor.u32 v5, v3;
	v22 =	vshll.u32 v19, $0x7;
	v21 =	vadd.s32 v4, v21  }
0xe6: {  	v15 =	vld.idx.msk [tilespmem:v15+s20+$0x0], $0xffff;
	v9 =	vor.u32 v9, v3;
	v58 =	vadd.s32 v4, v22  }
0xe7: {  	v16 =	vld.idx.msk [tilespmem:v16+s20+$0x0], $0xffff;
	v10 =	vor.u32 v10, v3  }
0xe8: {  	[tilespmem:v13+s22+$0x0] =	vst.idx.msk $0xffff, v14;
	v59 =	vld.idx.msk [tilespmem:v17+s20+$0x0], $0xffff;
	v11 =	vor.u32 v11, v3  }
0xe9: {  	v61 =	vor.u32 v12, v3;
	[tilespmem:v6+s22+$0x0] =	vst.idx.msk $0xffff, v8;
	v60 =	vld.idx.msk [tilespmem:v20+s20+$0x0], $0xffff  }
0xea: {  	s25 =	sadd.s32 $0x1, s25;
	v63 =	vor.u32 v18, v3;
	[tilespmem:v5+s22+$0x0] =	vst.idx.msk $0xffff, v7;
	v62 =	vld.idx.msk [tilespmem:v21+s20+$0x0], $0xffff  }
0xeb: {  	p1 =	sne.s32 s25, $0x4;
	v3 =	vor.u32 v19, v3;
	[tilespmem:v9+s22+$0x0] =	vst.idx.msk $0xffff, v15;
	v4 =	vld.idx.msk [tilespmem:v58+s20+$0x0], $0xffff  }
.Ltmp13:
0xec: {  	[tilespmem:v10+s22+$0x0] =	vst.idx.msk $0xffff, v16;
	(pc) =	sbr.rel @p1 .LBB2_17-.Ltmp13, $4  }
0xed: {  	[tilespmem:v11+s22+$0x0] =	vst.idx.msk $0xffff, v59  }
0xee: {  	[tilespmem:v61+s22+$0x0] =	vst.idx.msk $0xffff, v60  }
0xef: {  	[tilespmem:v63+s22+$0x0] =	vst.idx.msk $0xffff, v62  }
0xf0: {  	[tilespmem:v3+s22+$0x0] =	vst.idx.msk $0xffff, v4  }
.Ltmp14:
0xf1: {  	(pc) =	sbr.rel .LBB2_21-.Ltmp14, $4  }
0xf2: {  	[hbm4b:s9+s4] =	stream.linear.scatter [tilespmem:s22], [sflag:$0x5], $0x1000, $0x38;
	[tilespmem:$0x13000] =	vst v63  }
0xf3: {  	_ =	swait.ge [sflag:s21], $0x1000  }
0xf4: {  	[sflag:s21] =	ssyncset.done $0x0  }
0xf5: {  	[sflag:s21] =	ssyncadd.s32 $0xFFFFF000  }
.LBB2_22:
0xf6: {  	_ =	sfence.sel $0x180000  }
0xf7: {  	[bflag:$0x0] =	sbarrier.arrive $0xFFFF  }
0xf8: {  	_ =	strace $0x90000047  }
0xf9: {  	s0 =	stileid.u32;
	[bflag:$0x2] =	sbarrier.arrive $0xFFFF  }
0xfa: {  	p0 =	sne.s32 s0, $0x0;
	s0 =	rddreg [dreg:$0x3]  }
0xfb: {  	s0 =	sadd.s32 @!p0 $0x100000, s0  }
0xfc: {  	[sflag:s0] =	ssyncadd.tile.s32 @!p0 $0x1;
	_ =	shalt  }
.Lfunc_end2:
_tile_overlayer_lowered:
.L_overlay_start_2:
0xfd: {  	(tag) =	ssettag $0x2  }
0xfe: {  	s0 =	rddreg [dreg:$0x0];
	s2 =	stileid.u32  }
0xff: {  	s1 =	rddreg [dreg:$0x1];
	p0 =	sne.s32 s2, $0x0  }
0x100: {  	s3 =	rddreg [dreg:$0x2];
	[bflag:$0x3] =	sbarrier.arrive $0xFFFF;
	s2 =	simm.s32 @!p0 $0x1C05  }
0x101: {  	[timem:s3], [sflag:s2] =	dma.local @!p0 [hbm:s0], s1  }
0x102: {  	s0 =	simm.s32 @!p0 $0x5  }
0x103: {  	_ =	swait.ge @!p0 [sflag:s0], s1  }
0x104: {  	s1 =	ssub.s32 @!p0 $0x0, s1;
	[sflag:s0] =	ssyncset.done @!p0 $0x0  }
0x105: {  	[sflag:s0] =	ssyncadd.s32 @!p0 s1  }
0x106: {  	[bflag:$0x3] =	sbarrier.arrive $0xFFFF  }
0x107: {  	_ =	shalt  }

// kernel: kernel.7.cloned.1.call-start
scs
__scs_entry_jumppad:
0x0: {  	(pc) =	sbr.rel $0x88, $3  }
0x1: {  	(tag) =	ssettag $0x0;
	lr =	simm.s32 $0x1  }
0x2: {  	[smem:$0x3F9F] =	sst lr;
	_ =	strace $0xD0000000  }
0x3: {  	_ = 	snop  }
0x4: {  	_ = 	snop  }
0x5: {  	_ = 	snop  }
0x6: {  	_ = 	snop  }
0x7: {  	_ = 	snop  }
__scs_overlays_trampoline_lowered:
0x8: {  	[smem:$0x3FAE] =	sst s0  }
0x9: {  	[smem:$0x3FAF] =	sst s1  }
0xa: {  	[smem:$0x3FB0] =	sst s2  }
0xb: {  	[smem:$0x3FB1] =	sst s3  }
0xc: {  	[smem:$0x3FB2] =	sst s4  }
0xd: {  	[smem:$0x3FB3] =	sst s5  }
0xe: {  	[smem:$0x3FB4] =	sst s6  }
0xf: {  	[smem:$0x3FB5] =	sst s7  }
0x10: {  	[smem:$0x3FB6] =	sst s8  }
0x11: {  	[smem:$0x3FB7] =	sst s9;
	s0 =	simm.s32 @!p0 $0x0  }
0x12: {  	s1 =	sld [smem:$0x3F9D];
	s0 =	simm.s32 @p0 $0x1  }
0x13: {  	[smem:$0x3FB8] =	sst s0;
	s0 =	simm.s32 @!p1 $0x0  }
0x14: {  	s2 =	sld [smem:$0x3F9C];
	s0 =	simm.s32 @p1 $0x1  }
0x15: {  	[smem:$0x3FB9] =	sst s0;
	s0 =	simm.s32 @!p2 $0x0  }
0x16: {  	s3 =	sld [smem:$0x3FDB];
	s0 =	simm.s32 @p2 $0x1  }
0x17: {  	s4 =	simm.s32 $0x1BF5;
	[smem:$0x3FBB] =	sst s0  }
0x18: {  	s0 =	sld [smem:$0x3F9E];
	_ =	swait.ge [sflag:s4], $0x0  }
0x19: {  	s7 =	sld [smem:$0x3F9F]  }
0x1a: {  	s8 =	sadd.s32 $0xFFFFE003, lr  }
0x1b: {  	s9 =	sadd.s32 $0xFFFFFEF7, lr;
	s5 =	simm.s32 $0xFFFFFFFF;
	p2 =	slt.u32 s8, $0xFFFFF086  }
0x1c: {  	p1 =	slt.u32 s9, $0xF7A;
	s5 =	simm.s32 @!p2 $0x0  }
0x1d: {  	s5 =	simm.s32 @p1 $0x1;
	p0 =	seq.s32 s7, s2  }
0x1e: {  	s7 =	smul.u32 @!p0 $0xF7A, s2;
	p2 =	seq.s32 @!p0 s5, $0x0  }
0x1f: {  	s9 =	smul.u32 $0xF7A, s1;
	s8 =	simm.s32 @!p0 $0x1BF5;
	p2 =	por !p2, p0  }
0x20: {  	[sflag:s8] =	ssyncset.s32 @!p0 $0xFFFFF086;
	s6 =	sadd.s32 @!p0 s3, s7;
	s7 =	simm.s32 @!p0 $0x108  }
0x21: {  	s3 =	sadd.s32 s3, s9;
	s6 =	sadd.s32 @!p0 $0x88, s6;
	s7 =	simm.s32 @p2 $0x1082  }
0x22: {  	[simem:s7], [sflag:s8] =	dma.local @!p0 [hbm:s6], $0xF7A  }
0x23: {  	s9 =	sor.u32 $0xD0000000, s2;
	s6 =	simm.s32 $0x108;
	_ =	swait.ge @!p0 [sflag:s8], $0x0  }
0x24: {  	s3 =	sadd.s32 $0x88, s3;
	s6 =	simm.s32 @!p1 $0x1082;
	[sflag:s4] =	ssyncset.s32 $0xFFFFF086  }
0x25: {  	[simem:s6], [sflag:s4] =	dma.local [hbm:s3], $0xF7A  }
0x26: {  	[smem:$0x3F9F] =	sst s1;
	(tag) =	ssettag s2;
	_ =	strace s9  }
0x27: {  	s1 =	sld [smem:$0x3FAF]  }
0x28: {  	s2 =	sld [smem:$0x3FB0]  }
0x29: {  	s4 =	sld [smem:$0x3FB2]  }
0x2a: {  	p0 =	seq.s32 s5, $0x0;
	s5 =	sld [smem:$0x3FB3]  }
0x2b: {  	s6 =	sld [smem:$0x3FB4]  }
0x2c: {  	s7 =	sld [smem:$0x3FB5]  }
0x2d: {  	s3 =	simm.s32 $0x108;
	s8 =	sld [smem:$0x3FB6]  }
0x2e: {  	s3 =	simm.s32 @!p0 $0x1082;
	s9 =	sld [smem:$0x3FB7]  }
0x2f: {  	lr =	sadd.s32 s0, s3;
	s0 =	sld [smem:$0x3FAE]  }
0x30: {  	s3 =	sld [smem:$0x3FB1]  }
0x31: {  	[smem:$0x3FBA] =	sst s10  }
0x32: {  	s10 =	sld [smem:$0x3FB8];
	_ =	sdelay $0x3  }
0x33: {  	p0 =	seq.s32 s10, $0x1;
	s10 =	sld [smem:$0x3FBA];
	_ =	sdelay $0x3  }
0x34: {  	[smem:$0x3FBA] =	sst s10  }
0x35: {  	s10 =	sld [smem:$0x3FB9];
	_ =	sdelay $0x3  }
0x36: {  	p1 =	seq.s32 s10, $0x1;
	s10 =	sld [smem:$0x3FBA];
	_ =	sdelay $0x3  }
0x37: {  	[smem:$0x3FBA] =	sst s10  }
0x38: {  	s10 =	sld [smem:$0x3FBB]  }
0x39: {  	_ = 	snop;
	(pc) =	sbr.ind lr, $3  }
0x3a: {  	_ = 	snop  }
0x3b: {  	_ = 	snop  }
0x3c: {  	p2 =	seq.s32 s10, $0x1;
	s10 =	sld [smem:$0x3FBA]  }
0x3d: {  	_ =	shalt  }
0x3e: {  	_ =	shalt  }
0x3f: {  	_ =	shalt  }
0x40: {  	_ =	shalt  }
0x41: {  	_ =	shalt  }
0x42: {  	_ =	shalt  }
0x43: {  	_ =	shalt  }
0x44: {  	_ =	shalt  }
0x45: {  	_ =	shalt  }
0x46: {  	_ =	shalt  }
0x47: {  	_ =	shalt  }
0x48: {  	_ =	shalt  }
0x49: {  	_ =	shalt  }
0x4a: {  	_ =	shalt  }
0x4b: {  	_ =	shalt  }
0x4c: {  	_ =	shalt  }
0x4d: {  	_ =	shalt  }
0x4e: {  	_ =	shalt  }
0x4f: {  	_ =	shalt  }
0x50: {  	_ =	shalt  }
0x51: {  	_ =	shalt  }
0x52: {  	_ =	shalt  }
0x53: {  	_ =	shalt  }
0x54: {  	_ =	shalt  }
0x55: {  	_ =	shalt  }
0x56: {  	_ =	shalt  }
0x57: {  	_ =	shalt  }
0x58: {  	_ =	shalt  }
0x59: {  	_ =	shalt  }
0x5a: {  	_ =	shalt  }
0x5b: {  	_ =	shalt  }
0x5c: {  	_ =	shalt  }
0x5d: {  	_ =	shalt  }
0x5e: {  	_ =	shalt  }
0x5f: {  	_ =	shalt  }
0x60: {  	_ =	shalt  }
0x61: {  	_ =	shalt  }
0x62: {  	_ =	shalt  }
0x63: {  	_ =	shalt  }
0x64: {  	_ =	shalt  }
0x65: {  	_ =	shalt  }
0x66: {  	_ =	shalt  }
0x67: {  	_ =	shalt  }
0x68: {  	_ =	shalt  }
0x69: {  	_ =	shalt  }
0x6a: {  	_ =	shalt  }
0x6b: {  	_ =	shalt  }
0x6c: {  	_ =	shalt  }
0x6d: {  	_ =	shalt  }
0x6e: {  	_ =	shalt  }
0x6f: {  	_ =	shalt  }
0x70: {  	_ =	shalt  }
0x71: {  	_ =	shalt  }
0x72: {  	_ =	shalt  }
0x73: {  	_ =	shalt  }
0x74: {  	_ =	shalt  }
0x75: {  	_ =	shalt  }
0x76: {  	_ =	shalt  }
0x77: {  	_ =	shalt  }
0x78: {  	_ =	shalt  }
0x79: {  	_ =	shalt  }
0x7a: {  	_ =	shalt  }
0x7b: {  	_ =	shalt  }
0x7c: {  	_ =	shalt  }
0x7d: {  	_ =	shalt  }
0x7e: {  	_ =	shalt  }
0x7f: {  	_ =	shalt  }
0x80: {  	_ =	shalt  }
0x81: {  	_ =	shalt  }
0x82: {  	_ =	shalt  }
0x83: {  	_ =	shalt  }
0x84: {  	_ =	shalt  }
0x85: {  	_ =	shalt  }
0x86: {  	_ =	shalt  }
0x87: {  	_ =	shalt  }
.Lfunc_end0:
.L_simem_size_0:
called_computation.1_lowered:
.L_overlay_start_0:
0x88: {  	s2 =	sld [smem:$0x3FD9]  }
0x89: {  	s3 =	sld [smem:$0x3FFE];
	_ =	sdelay $0x1  }
0x8a: {  	s1 =	srdreg.scid  }
0x8b: {  	s0 =	sand.u32 $0x1, s1  }
0x8c: {  	s17 =	sshll.u32 s0, $0xA;
	s2 =	sadd.s32 s3, s2  }
0x8d: {  	s2 =	sadd.s32 s2, s17  }
0x8e: {  	[smem:$0x3FC6] =	sst s2  }
0x8f: {  	_ = 	snop  }
0x90: {  	s2 =	sld [smem:$0x3FD0];
	(tm) =	ssettm $0x1  }
0x91: {  	s18 =	sld [smem:$0x3FFB];
	_ =	sdelay $0x3  }
0x92: {  	_ =	strace s18  }
0x93: {  	s3 =	sld [smem:$0x3FFC];
	_ =	sdelay $0x3  }
0x94: {  	_ =	strace s3  }
0x95: {  	s3 =	sld [smem:$0x3FFD];
	_ =	sdelay $0x3  }
0x96: {  	_ =	strace s3  }
0x97: {  	_ =	strace $0x8FFFFFFF  }
0x98: {  	s19 =	sld [smem:$0x3FDB];
	_ =	sdelay $0x1  }
0x99: {  	s4 =	simm.s32 $_scs_section_size  }
0x9a: {  	s5 =	simm.s32 $_size__tile_overlayer_lowered;
	s6 =	simm.s32 $_tile_overlayer_lowered  }
0x9b: {  	s22 =	simm.s32 $0x1BFF;
	s21 =	sshll.u32 s6, $0x1;
	s3 =	sadd.s32 s4, s19  }
0x9c: {  	s7 =	simm.s32 $0x0;
	s20 =	sshll.u32 s5, $0x1;
	s5 =	sadd.s32 s21, s3  }
0x9d: {  	[timem:s7], [sflag:s22] =	dma.local [hbm:s5], s20  }
0x9e: {  	_ =	swait.ge [sflag:s22], s20  }
0x9f: {  	s4 =	ssub.s32 $0x0, s20;
	[sflag:s22] =	ssyncset.done $0x0  }
0xa0: {  	[sflag:s22] =	ssyncadd.s32 s4;
	_ =	sdelay $0x1  }
0xa1: {  	s23 =	simm.s32 $0x1B8B  }
0xa2: {  	_ =	swait.ge [sflag:s23], $0x1  }
0xa3: {  	[sflag:s23] =	ssyncset.done $0x0  }
0xa4: {  	s25 =	simm.s32 $0x1B8E;
	s24 =	sld [smem:$0x3FFE];
	[sflag:s23] =	ssyncadd.s32 $0xFFFFFFFF  }
0xa5: {  	s26 =	simm.s32 $execute0_lowered;
	[smem:$0x3FD2] =	sst s25  }
0xa6: {  	s5 =	sshll.u32 s26, $0x1;
	_ =	strace $0x80000049;
	[dreg:$0x1] =	wrdreg $0xFFFFFFFF  }
0xa7: {  	s28 =	simm.s32 $_size_execute0_lowered;
	s3 =	sadd.s32 s3, s5;
	[dreg:$0x0] =	wrdreg $0x0  }
0xa8: {  	s5 =	sshll.u32 s28, $0x1;
	[dreg:$0x2] =	wrdreg s3  }
0xa9: {  	[dreg:$0x3] =	wrdreg s5  }
0xaa: {  	[dreg:$0x4] =	wrdreg $0xC0  }
0xab: {  	_ =	task [dreg:s7], $0x5FFFF  }
0xac: {  	[dreg:$0x1] =	wrdreg $0xFFFFFFFF  }
0xad: {  	[dreg:$0x0] =	wrdreg $0x60  }
0xae: {  	[dreg:$0x2] =	wrdreg s24  }
0xaf: {  	[dreg:$0x3] =	wrdreg s2  }
0xb0: {  	[dreg:$0x4] =	wrdreg $0x9  }
0xb1: {  	_ =	task.clear_ibuf [dreg:s7], $0x5FFFF;
	_ =	strace $0x90000049  }
0xb2: {  	s29 =	simm.s32 $0x9;
	_ =	strace $0x8000004B  }
0xb3: {  	_ =	swait.ge [sflag:s29], $0x1  }
0xb4: {  	[sflag:s29] =	ssyncadd.s32 $0xFFFFFFFF  }
0xb5: {  	_ =	strace $0x9000004B  }
0xb6: {  	_ =	sfence  }
0xb7: {  	s30 =	sld [smem:$0x0];
	_ =	sdelay $0x2  }
0xb8: {  	s31 =	sshll.u32 s1, $0xD;
	s1 =	sshrl.u32 s1, $0x2  }
0xb9: {  	s3 =	sand.u32 $0x4000, s31;
	s1 =	sadd.s32 s1, s30  }
0xba: {  	s0 =	sor.u32 s3, s0;
	s1 =	sshll.u32 s1, $0x11  }
0xbb: {  	s0 =	sor.u32 s1, s0  }
0xbc: {  	s0 =	sadd.s32 $0x8F2B, s0  }
0xbd: {  	[sflag:s0] =	ssyncadd.remote.s32 $0x1  }
0xbe: {  	_ =	sfence.sel $0xFFFF  }
0xbf: {  	[dreg:$0x0] =	wrdreg $0xFFFFFFFF;
	(pc) =	sbr.abs _section_cstart, $3  }
0xc0: {  	[dreg:$0x1] =	wrdreg $0xFFFFFFFF  }
0xc1: {  	_ =	task.clear_ibuf [dreg:s7], $0x2FFFF;
	_ =	strace $0x9FFFFFFF  }
0xc2: {  	(tm) =	ssettm $0x7FFFFFFF  }
0xc3: {  	_ =	shalt  }
tec
execute0_lowered:
.L_overlay_start_1:
0x0: {  	(tag) =	ssettag $0x1  }
0x1: {  	s0 =	srdreg.scid  }
0x2: {  	s2 =	stileid.u32;
	s1 =	rddreg [dreg:$0x0];
	s17 =	simm.s32 $0x6500  }
0x3: {  	s18 =	simm.s32 $0x80;
	s20 =	simm.s32 $0x8500;
	s21 =	simm.s32 $0x1  }
0x4: {  	s22 =	simm.s32 $0xA500;
	s31 =	simm.s32 $0x2;
	s14 =	simm.s32 $0x0  }
0x5: {  	s0 =	sand.u32 $0x1, s0;
	s3 =	sshll.u32 s2, $0x1;
	s2 =	rddreg [dreg:$0x1]  }
0x6: {  	s5 =	sor.u32 s0, s3;
	s3 =	simm.s32 $0x0;
	s0 =	ssub.s32 $0x2, s0  }
0x7: {  	s8 =	sadd.s32 $0x2000, s2;
	s9 =	sadd.s32 $0x3000, s2;
	s10 =	sadd.s32 $0x4000, s2  }
0x8: {  	s11 =	sadd.s32 $0x5000, s2;
	s12 =	sadd.s32 $0x6000, s2;
	s13 =	sadd.s32 $0x7000, s2  }
0x9: {  	s4 =	smul.u32 $0xC80, s5;
	[smem:$0x7FF] =	sst s3;
	s7 =	sshrl.u32 s0, $0x1  }
0xa: {  	s5 =	smul.u32 $0xC8, s5;
	_ =	strace $0x8000004A;
	s0 =	ssub.s32 s0, s7  }
0xb: {  	s7 =	sadd.s32 $0x1000, s2;
	s6 =	sadd.s32 s4, s1;
	s0 =	smax.u32 s0, $0x1  }
0xc: {  	v0 =	vlaneseq.u32;
	s4 =	sadd.s32 $0xA00, s1;
	s30 =	sadd.s32 $0x7A1C00, s6;
	[dreg:$0x4] =	wrdreg s0  }
0xd: {  	v1 =	vand.u32 $0x7, v0;
	v2 =	vor.u32 $0x78, v0;
	s1 =	simm.s32 $0x4;
	s0 =	simm.s32 $0xC500;
	[dreg:$0x3] =	wrdreg s30  }
.LBB2_1:
0xe: {  	[dreg:$0x5] =	wrdreg s14  }
0xf: {  	s6 =	rddreg [dreg:$0x3];
	s30 =	simm.s32 $0x5  }
0x10: {  	[tilespmem:s3], [sflag:$0x5] =	stream.linear.gather [hbm4b:s6+s3], $0x6400, $0x38;
	[tilespmem:$0xE500] =	vst v63  }
0x11: {  	_ =	swait.ge [sflag:s30], $0x6400  }
0x12: {  	[sflag:s30] =	ssyncset.done $0x0  }
0x13: {  	s6 =	simm.s32 $0x0;
	[sflag:s30] =	ssyncadd.s32 $0xFFFF9C00  }
0x14: {  	s14 =	simm.s32 $0x40;
	v3 =	vld [tilespmem:s6+$0x0]  }
.LBB2_2:
0x15: {  	p0 =	sne.s32 s14, $0x1C0  }
.Ltmp0:
0x16: {  	_ = 	snop;
	(pc) =	sbr.rel @p0 .LBB2_2-.Ltmp0, $3  }
0x17: {  	_ =	sdelay $0x1  }
0x18: {  	[tilespmem:s6+$0x6400] =	vst v3;
	s6 =	sshra.s32 s14, $0x2;
	s14 =	sadd.s32 $0x40, s14  }
0x19: {  	v3 =	vld [tilespmem:s6+$0x0]  }
0x1a: {  	_ =	sdelay $0x2  }
0x1b: {  	s25 =	simm.s32 $0x80  }
0x1c: {  	s30 =	simm.s32 $0x6400;
	s26 =	simm.s32 $0x0;
	s28 =	simm.s32 $0x100;
	[tilespmem:s6+$0x6400] =	vst v3  }
0x1d: {  	[tilespmem:s17], [sflag:$0x1] =	stream.indirect.gather [hbm4b:s4+s25], $0x40, s30, s25, $0xb8;
	[tilespmem:$0xE500] =	vst v63  }
.LBB2_4:
0x1e: {  	v3 =	vmov s25;
	_ =	sdelay $0x3  }
0x1f: {  	s6 =	simm.s32 $0x0  }
0x20: {  	s30 =	sshll.u32 s26, $0x1;
	s29 =	sshllo.u32 s26, $0x1;
	s14 =	simm.s32 $0x40;
	v4 =	vld.idx.msk [tilespmem:v3+s6+$0x0 ss:$0x1], $0xffff  }
.LBB2_5:
0x21: {  	p0 =	sne.s32 s14, $0x1C0  }
.Ltmp1:
0x22: {  	_ = 	snop;
	(pc) =	sbr.rel @p0 .LBB2_5-.Ltmp1, $3  }
0x23: {  	_ =	sdelay $0x1  }
0x24: {  	s15 =	sshra.s32 s14, $0x2;
	s14 =	sadd.s32 $0x40, s14  }
0x25: {  	[tilespmem:s6+$0x6480] =	vst v4;
	v4 =	vld.idx.msk [tilespmem:v3+s15+$0x0 ss:$0x1], $0xffff;
	s6 =	smov.u32 s15  }
0x26: {  	_ =	sdelay $0x3  }
0x27: {  	s24 =	simm.s32 $0x6480;
	[tilespmem:s6+$0x6480] =	vst v4  }
0x28: {  	[tilespmem:s20], [sflag:$0x2] =	stream.indirect.gather [hbm4b:s4+s18], $0x40, s24, s18, $0xb8;
	[tilespmem:$0xE500] =	vst v63  }
0x29: {  	_ =	swait.ge [sflag:s21], $0x2000  }
0x2a: {  	p0 =	seq.s32 s26, $0x0;
	[sflag:s21] =	ssyncset.done $0x0  }
0x2b: {  	s6 =	simm.s32 @!p0 $0x3;
	[sflag:s21] =	ssyncadd.s32 $0xFFFFE000  }
0x2c: {  	_ =	swait.ge @!p0 [sflag:s6], $0x400  }
0x2d: {  	[sflag:s6] =	ssyncset.done @!p0 $0x0  }
0x2e: {  	[sflag:s6] =	ssyncadd.s32 @!p0 $0xFFFFFC00  }
0x2f: {  	_ =	swait.ge @!p0 [sflag:s6], $0x400  }
0x30: {  	[sflag:s6] =	ssyncset.done @!p0 $0x0  }
0x31: {  	[sflag:s6] =	ssyncadd.s32 @!p0 $0xFFFFFC00  }
0x32: {  	_ =	swait.ge @!p0 [sflag:s6], $0x400  }
0x33: {  	[sflag:s6] =	ssyncset.done @!p0 $0x0  }
0x34: {  	[sflag:s6] =	ssyncadd.s32 @!p0 $0xFFFFFC00  }
0x35: {  	_ =	swait.ge @!p0 [sflag:s6], $0x400  }
0x36: {  	[sflag:s6] =	ssyncset.done @!p0 $0x0  }
0x37: {  	[sflag:s6] =	ssyncadd.s32 @!p0 $0xFFFFFC00  }
0x38: {  	_ =	swait.ge @!p0 [sflag:s6], $0x400  }
0x39: {  	[sflag:s6] =	ssyncset.done @!p0 $0x0  }
0x3a: {  	[sflag:s6] =	ssyncadd.s32 @!p0 $0xFFFFFC00  }
0x3b: {  	_ =	swait.ge @!p0 [sflag:s6], $0x400  }
0x3c: {  	[sflag:s6] =	ssyncset.done @!p0 $0x0  }
0x3d: {  	[sflag:s6] =	ssyncadd.s32 @!p0 $0xFFFFFC00  }
0x3e: {  	_ =	swait.ge @!p0 [sflag:s6], $0x400  }
0x3f: {  	[sflag:s6] =	ssyncset.done @!p0 $0x0  }
0x40: {  	[sflag:s6] =	ssyncadd.s32 @!p0 $0xFFFFFC00  }
0x41: {  	_ =	swait.ge @!p0 [sflag:s6], $0x400  }
0x42: {  	[sflag:s6] =	ssyncset.done @!p0 $0x0  }
0x43: {  	s14 =	simm.s32 $0x0;
	[sflag:s6] =	ssyncadd.s32 @!p0 $0xFFFFFC00;
	s6 =	simm.s32 $0x0  }
.LBB2_7:
0x44: {  	s15 =	sshll.u32 s14, $0x4;
	s23 =	simm.s32 $0x1  }
0x45: {  	v6 =	vadd.s32 s6, v0;
	s16 =	simm.s32 $0x2;
	s24 =	simm.s32 $0x4;
	s19 =	simm.s32 $0x5;
	v5 =	vor.u32 s15, v0;
	v7 =	vadd.s32 s23, v0  }
0x46: {  	v9 =	vadd.s32 s16, v0;
	v10 =	vadd.s32 s24, v0;
	v8 =	vadd.s32 s19, v0  }
0x47: {  	s19 =	simm.s32 $0x7;
	v15 =	vand.u32 $0x38, v6;
	v6 =	vshll.u32 v6, $0x7;
	v3 =	vshll.u32 v5, $0x6  }
0x48: {  	s23 =	simm.s32 $0x3;
	v5 =	vand.u32 v2, v5;
	v11 =	vand.u32 $0x3F, v7;
	v12 =	vadd.s32 s19, v0  }
0x49: {  	s24 =	simm.s32 $0x6;
	v13 =	vadd.s32 s23, v0;
	v16 =	vand.u32 $0x3F, v8;
	v17 =	vand.u32 $0x3F, v10  }
0x4a: {  	v18 =	vadd.s32 s24, v0;
	v14 =	vand.u32 $0x3F, v12;
	v16 =	vor.u32 v3, v16  }
0x4b: {  	v20 =	vand.u32 $0x3F, v9;
	v9 =	vshll.u32 v9, $0x7;
	v14 =	vor.u32 v3, v14  }
0x4c: {  	v10 =	vshll.u32 v10, $0x7;
	v11 =	vor.u32 v3, v11;
	v19 =	vand.u32 $0x3F, v18  }
0x4d: {  	v25 =	vand.u32 $0x1F80, v6;
	v7 =	vshll.u32 v7, $0x7;
	v19 =	vor.u32 v3, v19  }
0x4e: {  	v4 =	vor.u32 v1, v3;
	v17 =	vor.u32 v3, v17;
	v21 =	vand.u32 $0x3F, v13  }
0x4f: {  	v12 =	vshll.u32 v12, $0x7;
	v15 =	vor.u32 v15, v4;
	v22 =	vor.u32 v3, v21;
	v21 =	vld.idx.msk [tilespmem:v16+s17+$0x0], $0xffff  }
0x50: {  	v20 =	vor.u32 v3, v20;
	v18 =	vshll.u32 v18, $0x7;
	v23 =	vld.idx.msk [tilespmem:v14+s17+$0x0], $0xffff;
	v14 =	vshll.u32 v8, $0x7  }
0x51: {  	v13 =	vshll.u32 v13, $0x7;
	v6 =	vand.u32 $0x1F80, v9;
	v8 =	vld.idx.msk [tilespmem:v11+s17+$0x0], $0xffff;
	v11 =	vand.u32 $0x1F80, v14  }
0x52: {  	v10 =	vand.u32 $0x1F80, v10;
	v12 =	vand.u32 $0x1F80, v12;
	v14 =	vld.idx.msk [tilespmem:v19+s17+$0x0], $0xffff;
	v19 =	vor.u32 v11, v5  }
0x53: {  	v7 =	vand.u32 $0x1F80, v7;
	v16 =	vand.u32 $0x1F80, v18;
	v9 =	vld.idx.msk [tilespmem:v17+s17+$0x0], $0xffff;
	v18 =	vor.u32 v12, v5  }
0x54: {  	v24 =	vand.u32 $0x1F80, v13;
	v6 =	vor.u32 v6, v5;
	v16 =	vor.u32 v16, v5;
	v11 =	vld.idx.msk [tilespmem:v15+s17+$0x0], $0xffff  }
0x55: {  	v12 =	vld.idx.msk [tilespmem:v20+s17+$0x0], $0xffff;
	v17 =	vor.u32 v25, v5;
	v15 =	vor.u32 v7, v5;
	v21 =	vmul.f32 $8.000000000e+00, v21  }
0x56: {  	s15 =	simm.s32 $0x8;
	v13 =	vld.idx.msk [tilespmem:v22+s17+$0x0], $0xffff;
	v7 =	vor.u32 v10, v5;
	v10 =	vor.u32 v24, v5;
	v20 =	vmul.f32 $8.000000000e+00, v23  }
.LBB2_8:
0x57: {  	v22 =	vadd.s32 s15, v0;
	s16 =	sadd.s32 $0x1, s15;
	s19 =	sadd.s32 $0x2, s15;
	s23 =	sadd.s32 $0x3, s15;
	v8 =	vmul.f32 $8.000000000e+00, v8;
	[tilespmem:v19+s22+$0x0] =	vst.idx.msk $0xffff, v21;
	v14 =	vmul.f32 $8.000000000e+00, v14  }
0x58: {  	s24 =	sadd.s32 $0x6, s15;
	v9 =	vmul.f32 $8.000000000e+00, v9;
	v21 =	vadd.s32 s16, v0;
	v19 =	vadd.s32 s19, v0;
	s16 =	sadd.s32 $0x4, s15;
	s19 =	sadd.s32 $0x5, s15;
	[tilespmem:v18+s22+$0x0] =	vst.idx.msk $0xffff, v20  }
0x59: {  	p1 =	slt.u32 s15, $0x38;
	v11 =	vmul.f32 $8.000000000e+00, v11;
	v18 =	vadd.s32 s16, v0;
	v20 =	vadd.s32 s19, v0;
	s16 =	sadd.s32 $0x7, s15;
	s15 =	sadd.s32 $0x8, s15;
	[tilespmem:v16+s22+$0x0] =	vst.idx.msk $0xffff, v14  }
0x5a: {  	v14 =	vand.u32 $0x3F, v21;
	v16 =	vadd.s32 s16, v0;
	[tilespmem:v15+s22+$0x0] =	vst.idx.msk $0xffff, v8;
	v8 =	vmul.f32 $8.000000000e+00, v12  }
0x5b: {  	v12 =	vadd.s32 s23, v0;
	v15 =	vand.u32 $0x3F, v16;
	[tilespmem:v17+s22+$0x0] =	vst.idx.msk $0xffff, v11;
	v11 =	vmul.f32 $8.000000000e+00, v13  }
0x5c: {  	v13 =	vand.u32 $0x38, v22;
	v17 =	vand.u32 $0x3F, v20;
	v15 =	vor.u32 v3, v15;
	[tilespmem:v6+s22+$0x0] =	vst.idx.msk $0xffff, v8  }
0x5d: {  	v6 =	vand.u32 $0x3F, v18;
	v8 =	vor.u32 v3, v17;
	v17 =	vadd.s32 s24, v0;
	[tilespmem:v10+s22+$0x0] =	vst.idx.msk $0xffff, v11  }
0x5e: {  	v10 =	vor.u32 v3, v14;
	v6 =	vor.u32 v3, v6;
	v11 =	vand.u32 $0x3F, v17;
	[tilespmem:v7+s22+$0x0] =	vst.idx.msk $0xffff, v9  }
0x5f: {  	v7 =	vand.u32 $0x3F, v19;
	v9 =	vand.u32 $0x3F, v12;
	v11 =	vor.u32 v3, v11  }
0x60: {  	v13 =	vor.u32 v13, v4;
	v23 =	vor.u32 v3, v9;
	v9 =	vshll.u32 v16, $0x7  }
0x61: {  	v14 =	vshll.u32 v17, $0x7;
	v7 =	vor.u32 v3, v7;
	v24 =	vld.idx.msk [tilespmem:v15+s17+$0x0], $0xffff;
	v15 =	vand.u32 $0x1F80, v9  }
0x62: {  	v16 =	vand.u32 $0x1F80, v14;
	v9 =	vshll.u32 v12, $0x7;
	v12 =	vshll.u32 v20, $0x7;
	v17 =	vld.idx.msk [tilespmem:v8+s17+$0x0], $0xffff  }
0x63: {  	v14 =	vshll.u32 v22, $0x7;
	v12 =	vand.u32 $0x1F80, v12;
	v8 =	vld.idx.msk [tilespmem:v10+s17+$0x0], $0xffff;
	v10 =	vand.u32 $0x1F80, v9  }
0x64: {  	v18 =	vshll.u32 v18, $0x7;
	v20 =	vand.u32 $0x1F80, v14;
	v9 =	vshll.u32 v19, $0x7;
	v14 =	vld.idx.msk [tilespmem:v11+s17+$0x0], $0xffff  }
.Ltmp2:
0x65: {  	v25 =	vand.u32 $0x1F80, v18;
	v19 =	vor.u32 v12, v5;
	v22 =	vand.u32 $0x1F80, v9;
	v9 =	vld.idx.msk [tilespmem:v6+s17+$0x0], $0xffff;
	(pc) =	sbr.rel @p1 .LBB2_8-.Ltmp2, $4  }
0x66: {  	v18 =	vor.u32 v15, v5;
	v12 =	vshll.u32 v21, $0x7;
	v6 =	vor.u32 v22, v5;
	v11 =	vld.idx.msk [tilespmem:v13+s17+$0x0], $0xffff  }
0x67: {  	v16 =	vor.u32 v16, v5;
	v13 =	vand.u32 $0x1F80, v12;
	v12 =	vld.idx.msk [tilespmem:v7+s17+$0x0], $0xffff  }
0x68: {  	v15 =	vor.u32 v13, v5;
	v7 =	vor.u32 v25, v5;
	v21 =	vmul.f32 $8.000000000e+00, v17;
	v13 =	vld.idx.msk [tilespmem:v23+s17+$0x0], $0xffff  }
0x69: {  	v10 =	vor.u32 v10, v5;
	v17 =	vor.u32 v20, v5;
	v20 =	vmul.f32 $8.000000000e+00, v24  }
0x6a: {  	_ =	sdelay $0x3  }
0x6b: {  	[tilespmem:v19+s22+$0x0] =	vst.idx.msk $0xffff, v21;
	v3 =	vmul.f32 $8.000000000e+00, v14  }
0x6c: {  	v4 =	vmul.f32 $8.000000000e+00, v8;
	s14 =	sadd.s32 $0x1, s14;
	[tilespmem:v18+s22+$0x0] =	vst.idx.msk $0xffff, v20  }
0x6d: {  	v63 =	vmul.f32 $8.000000000e+00, v9;
	p1 =	sne.s32 s14, $0x8;
	[tilespmem:v16+s22+$0x0] =	vst.idx.msk $0xffff, v3  }
.Ltmp3:
0x6e: {  	v5 =	vmul.f32 $8.000000000e+00, v11;
	[tilespmem:v15+s22+$0x0] =	vst.idx.msk $0xffff, v4;
	(pc) =	sbr.rel @p1 .LBB2_7-.Ltmp3, $4  }
0x6f: {  	v3 =	vmul.f32 $8.000000000e+00, v12;
	[tilespmem:v7+s22+$0x0] =	vst.idx.msk $0xffff, v63  }
0x70: {  	[tilespmem:v17+s22+$0x0] =	vst.idx.msk $0xffff, v5;
	v62 =	vmul.f32 $8.000000000e+00, v13  }
0x71: {  	[tilespmem:v6+s22+$0x0] =	vst.idx.msk $0xffff, v3  }
0x72: {  	[tilespmem:v10+s22+$0x0] =	vst.idx.msk $0xffff, v62  }
0x73: {  	s6 =	sadd.s32 s5, s30  }
0x74: {  	s14 =	sshll.u32 s6, $0xA;
	s6 =	sshll.u32 s6, $0x7  }
0x75: {  	s14 =	sand.u32 $0xFFF8000, s14;
	s6 =	sand.u32 $0xF00, s6  }
0x76: {  	s6 =	sor.u32 s6, s14  }
0x77: {  	s15 =	simm.s32 $0x0;
	s14 =	sadd.s32 s2, s6  }
0x78: {  	[hbm4b:s14+s15] =	stream.linear.scatter [tilespmem:s22], [sflag:$0x3], $0x400, $0x38;
	[tilespmem:$0xE500] =	vst v63  }
0x79: {  	s16 =	simm.s32 $0xA900;
	s23 =	sadd.s32 s6, s7  }
0x7a: {  	[hbm4b:s23+s15] =	stream.linear.scatter [tilespmem:s16], [sflag:$0x3], $0x400, $0x38;
	[tilespmem:$0xE500] =	vst v63  }
0x7b: {  	s30 =	simm.s32 $0xAD00;
	s24 =	sadd.s32 s6, s8  }
0x7c: {  	[hbm4b:s24+s15] =	stream.linear.scatter [tilespmem:s30], [sflag:$0x3], $0x400, $0x38;
	[tilespmem:$0xE500] =	vst v63  }
0x7d: {  	s19 =	sadd.s32 s6, s9;
	s23 =	simm.s32 $0xB100  }
0x7e: {  	[hbm4b:s19+s15] =	stream.linear.scatter [tilespmem:s23], [sflag:$0x3], $0x400, $0x38;
	[tilespmem:$0xE500] =	vst v63  }
0x7f: {  	s24 =	sadd.s32 s6, s10;
	s30 =	simm.s32 $0xB500  }
0x80: {  	[hbm4b:s24+s15] =	stream.linear.scatter [tilespmem:s30], [sflag:$0x3], $0x400, $0x38;
	[tilespmem:$0xE500] =	vst v63  }
0x81: {  	p1 =	sne.s32 s26, $0x63;
	s16 =	sadd.s32 s6, s11;
	s19 =	simm.s32 $0xB900  }
0x82: {  	[hbm4b:s16+s15] =	stream.linear.scatter [tilespmem:s19], [sflag:$0x3], $0x400, $0x38;
	[tilespmem:$0xE500] =	vst v63  }
.Ltmp4:
0x83: {  	_ = 	snop;
	(pc) =	sbr.rel @p1 .LBB2_12-.Ltmp4, $4  }
0x84: {  	s23 =	sadd.s32 s6, s12;
	s24 =	simm.s32 $0xBD00  }
0x85: {  	[hbm4b:s23+s15] =	stream.linear.scatter [tilespmem:s24], [sflag:$0x3], $0x400, $0x38;
	[tilespmem:$0xE500] =	vst v63  }
0x86: {  	s6 =	sadd.s32 s6, s13;
	s30 =	simm.s32 $0xC100  }
0x87: {  	[hbm4b:s6+s15] =	stream.linear.scatter [tilespmem:s30], [sflag:$0x3], $0x400, $0x38;
	[tilespmem:$0xE500] =	vst v63  }
.Ltmp5:
0x88: {  	(pc) =	sbr.rel .LBB2_15-.Ltmp5, $4  }
0x89: {  	_ = 	snop  }
0x8a: {  	_ =	swait.ge [sflag:s31], $0x2000  }
0x8b: {  	[sflag:s31] =	ssyncset.done $0x0  }
0x8c: {  	[sflag:s31] =	ssyncadd.s32 $0xFFFFE000  }
.LBB2_12:
0x8d: {  	s15 =	sadd.s32 $0x0, s28  }
0x8e: {  	s6 =	simm.s32 $0x0;
	s14 =	simm.s32 $0x40;
	v3 =	vld [tilespmem:s15+$0x0]  }
.LBB2_13:
0x8f: {  	p1 =	sne.s32 s14, $0x1C0  }
.Ltmp6:
0x90: {  	_ = 	snop;
	(pc) =	sbr.rel @p1 .LBB2_13-.Ltmp6, $4  }
0x91: {  	_ = 	snop  }
0x92: {  	s15 =	sshra.s32 s14, $0x2;
	s14 =	sadd.s32 $0x40, s14  }
0x93: {  	s16 =	sadd.s32 s15, s28;
	[tilespmem:s6+$0x6400] =	vst v3;
	s6 =	smov.u32 s15  }
0x94: {  	v3 =	vld [tilespmem:s16+$0x0]  }
0x95: {  	_ =	sdelay $0x3  }
.Ltmp7:
0x96: {  	s30 =	simm.s32 $0x6400;
	[tilespmem:s6+$0x6400] =	vst v3;
	(pc) =	sbr.rel @p0 .LBB2_16-.Ltmp7, $4  }
0x97: {  	[tilespmem:s17], [sflag:$0x1] =	stream.indirect.gather [hbm4b:s4+s18], $0x40, s30, s18, $0xb8;
	[tilespmem:$0xE500] =	vst v63  }
0x98: {  	_ =	swait.ge [sflag:s31], $0x2000  }
0x99: {  	[sflag:s31] =	ssyncset.done $0x0  }
0x9a: {  	[sflag:s31] =	ssyncadd.s32 $0xFFFFE000  }
.LBB2_15:
0x9b: {  	_ =	swait.ge [sflag:s1], $0x400  }
0x9c: {  	[sflag:s1] =	ssyncset.done $0x0  }
0x9d: {  	[sflag:s1] =	ssyncadd.s32 $0xFFFFFC00  }
0x9e: {  	_ =	swait.ge [sflag:s1], $0x400  }
0x9f: {  	[sflag:s1] =	ssyncset.done $0x0  }
0xa0: {  	[sflag:s1] =	ssyncadd.s32 $0xFFFFFC00  }
0xa1: {  	_ =	swait.ge [sflag:s1], $0x400  }
0xa2: {  	[sflag:s1] =	ssyncset.done $0x0  }
0xa3: {  	[sflag:s1] =	ssyncadd.s32 $0xFFFFFC00  }
0xa4: {  	_ =	swait.ge [sflag:s1], $0x400  }
0xa5: {  	[sflag:s1] =	ssyncset.done $0x0  }
0xa6: {  	[sflag:s1] =	ssyncadd.s32 $0xFFFFFC00  }
0xa7: {  	_ =	swait.ge [sflag:s1], $0x400  }
0xa8: {  	[sflag:s1] =	ssyncset.done $0x0  }
0xa9: {  	[sflag:s1] =	ssyncadd.s32 $0xFFFFFC00  }
0xaa: {  	_ =	swait.ge [sflag:s1], $0x400  }
0xab: {  	[sflag:s1] =	ssyncset.done $0x0  }
0xac: {  	[sflag:s1] =	ssyncadd.s32 $0xFFFFFC00  }
0xad: {  	_ =	swait.ge [sflag:s1], $0x400  }
0xae: {  	[sflag:s1] =	ssyncset.done $0x0  }
0xaf: {  	[sflag:s1] =	ssyncadd.s32 $0xFFFFFC00  }
0xb0: {  	_ =	swait.ge [sflag:s1], $0x400  }
0xb1: {  	[sflag:s1] =	ssyncset.done $0x0  }
0xb2: {  	[sflag:s1] =	ssyncadd.s32 $0xFFFFFC00  }
.LBB2_16:
0xb3: {  	s6 =	simm.s32 $0x0;
	s14 =	simm.s32 $0x0  }
.LBB2_17:
0xb4: {  	s15 =	sshll.u32 s14, $0x4;
	s24 =	simm.s32 $0x1  }
0xb5: {  	v6 =	vadd.s32 s6, v0;
	s16 =	simm.s32 $0x2;
	s30 =	simm.s32 $0x4;
	s19 =	simm.s32 $0x5;
	v5 =	vor.u32 s15, v0;
	v7 =	vadd.s32 s24, v0  }
0xb6: {  	s23 =	simm.s32 $0x3;
	v9 =	vadd.s32 s16, v0;
	v10 =	vadd.s32 s30, v0;
	v8 =	vadd.s32 s19, v0  }
0xb7: {  	v13 =	vadd.s32 s23, v0;
	v15 =	vand.u32 $0x38, v6;
	v6 =	vshll.u32 v6, $0x7  }
0xb8: {  	s24 =	simm.s32 $0x7;
	v3 =	vshll.u32 v5, $0x6;
	v5 =	vand.u32 v2, v5;
	v11 =	vand.u32 $0x3F, v7  }
0xb9: {  	s30 =	simm.s32 $0x6;
	v12 =	vadd.s32 s24, v0;
	v16 =	vand.u32 $0x3F, v8;
	v17 =	vand.u32 $0x3F, v10  }
0xba: {  	v18 =	vadd.s32 s30, v0;
	v14 =	vand.u32 $0x3F, v12;
	v16 =	vor.u32 v3, v16  }
0xbb: {  	v20 =	vand.u32 $0x3F, v9;
	v21 =	vand.u32 $0x3F, v13;
	v14 =	vor.u32 v3, v14  }
0xbc: {  	v13 =	vshll.u32 v13, $0x7;
	v11 =	vor.u32 v3, v11;
	v19 =	vand.u32 $0x3F, v18  }
0xbd: {  	v9 =	vshll.u32 v9, $0x7;
	v10 =	vshll.u32 v10, $0x7;
	v19 =	vor.u32 v3, v19  }
0xbe: {  	v25 =	vand.u32 $0x1F80, v6;
	v4 =	vor.u32 v1, v3;
	v17 =	vor.u32 v3, v17  }
0xbf: {  	v7 =	vshll.u32 v7, $0x7;
	v22 =	vor.u32 v3, v21;
	v15 =	vor.u32 v15, v4;
	v21 =	vld.idx.msk [tilespmem:v16+s20+$0x0], $0xffff  }
0xc0: {  	v12 =	vshll.u32 v12, $0x7;
	v20 =	vor.u32 v3, v20;
	v23 =	vld.idx.msk [tilespmem:v14+s20+$0x0], $0xffff;
	v14 =	vshll.u32 v8, $0x7  }
0xc1: {  	v18 =	vshll.u32 v18, $0x7;
	v24 =	vand.u32 $0x1F80, v13;
	v8 =	vld.idx.msk [tilespmem:v11+s20+$0x0], $0xffff;
	v11 =	vand.u32 $0x1F80, v14  }
0xc2: {  	v6 =	vand.u32 $0x1F80, v9;
	v12 =	vand.u32 $0x1F80, v12;
	v14 =	vld.idx.msk [tilespmem:v19+s20+$0x0], $0xffff;
	v19 =	vor.u32 v11, v5  }
0xc3: {  	v10 =	vand.u32 $0x1F80, v10;
	v16 =	vand.u32 $0x1F80, v18;
	v9 =	vld.idx.msk [tilespmem:v17+s20+$0x0], $0xffff;
	v18 =	vor.u32 v12, v5  }
0xc4: {  	v7 =	vand.u32 $0x1F80, v7;
	v6 =	vor.u32 v6, v5;
	v16 =	vor.u32 v16, v5;
	v11 =	vld.idx.msk [tilespmem:v15+s20+$0x0], $0xffff  }
0xc5: {  	v12 =	vld.idx.msk [tilespmem:v20+s20+$0x0], $0xffff;
	v17 =	vor.u32 v25, v5;
	v15 =	vor.u32 v7, v5;
	v21 =	vmul.f32 $8.000000000e+00, v21  }
0xc6: {  	s15 =	simm.s32 $0x8;
	v13 =	vld.idx.msk [tilespmem:v22+s20+$0x0], $0xffff;
	v7 =	vor.u32 v10, v5;
	v10 =	vor.u32 v24, v5;
	v20 =	vmul.f32 $8.000000000e+00, v23  }
.LBB2_18:
0xc7: {  	v22 =	vadd.s32 s15, v0;
	s16 =	sadd.s32 $0x1, s15;
	s19 =	sadd.s32 $0x2, s15;
	s23 =	sadd.s32 $0x3, s15;
	v8 =	vmul.f32 $8.000000000e+00, v8;
	[tilespmem:v19+s0+$0x0] =	vst.idx.msk $0xffff, v21;
	v14 =	vmul.f32 $8.000000000e+00, v14  }
0xc8: {  	s24 =	sadd.s32 $0x6, s15;
	v9 =	vmul.f32 $8.000000000e+00, v9;
	v21 =	vadd.s32 s16, v0;
	v19 =	vadd.s32 s19, v0;
	s16 =	sadd.s32 $0x4, s15;
	s19 =	sadd.s32 $0x5, s15;
	[tilespmem:v18+s0+$0x0] =	vst.idx.msk $0xffff, v20  }
0xc9: {  	p0 =	slt.u32 s15, $0x38;
	v11 =	vmul.f32 $8.000000000e+00, v11;
	v18 =	vadd.s32 s16, v0;
	v20 =	vadd.s32 s19, v0;
	s16 =	sadd.s32 $0x7, s15;
	s15 =	sadd.s32 $0x8, s15;
	[tilespmem:v16+s0+$0x0] =	vst.idx.msk $0xffff, v14  }
0xca: {  	v14 =	vand.u32 $0x3F, v21;
	v16 =	vadd.s32 s16, v0;
	[tilespmem:v15+s0+$0x0] =	vst.idx.msk $0xffff, v8;
	v8 =	vmul.f32 $8.000000000e+00, v12  }
0xcb: {  	v12 =	vadd.s32 s23, v0;
	v15 =	vand.u32 $0x3F, v16;
	[tilespmem:v17+s0+$0x0] =	vst.idx.msk $0xffff, v11;
	v11 =	vmul.f32 $8.000000000e+00, v13  }
0xcc: {  	v13 =	vand.u32 $0x38, v22;
	v17 =	vand.u32 $0x3F, v20;
	v15 =	vor.u32 v3, v15;
	[tilespmem:v6+s0+$0x0] =	vst.idx.msk $0xffff, v8  }
0xcd: {  	v6 =	vand.u32 $0x3F, v18;
	v8 =	vor.u32 v3, v17;
	v17 =	vadd.s32 s24, v0;
	[tilespmem:v10+s0+$0x0] =	vst.idx.msk $0xffff, v11  }
0xce: {  	v10 =	vor.u32 v3, v14;
	v6 =	vor.u32 v3, v6;
	v11 =	vand.u32 $0x3F, v17;
	[tilespmem:v7+s0+$0x0] =	vst.idx.msk $0xffff, v9  }
0xcf: {  	v7 =	vand.u32 $0x3F, v19;
	v9 =	vand.u32 $0x3F, v12;
	v11 =	vor.u32 v3, v11  }
0xd0: {  	v13 =	vor.u32 v13, v4;
	v23 =	vor.u32 v3, v9;
	v9 =	vshll.u32 v16, $0x7  }
0xd1: {  	v14 =	vshll.u32 v17, $0x7;
	v7 =	vor.u32 v3, v7;
	v24 =	vld.idx.msk [tilespmem:v15+s20+$0x0], $0xffff;
	v15 =	vand.u32 $0x1F80, v9  }
0xd2: {  	v16 =	vand.u32 $0x1F80, v14;
	v9 =	vshll.u32 v12, $0x7;
	v12 =	vshll.u32 v20, $0x7;
	v17 =	vld.idx.msk [tilespmem:v8+s20+$0x0], $0xffff  }
0xd3: {  	v14 =	vshll.u32 v22, $0x7;
	v12 =	vand.u32 $0x1F80, v12;
	v8 =	vld.idx.msk [tilespmem:v10+s20+$0x0], $0xffff;
	v10 =	vand.u32 $0x1F80, v9  }
0xd4: {  	v18 =	vshll.u32 v18, $0x7;
	v20 =	vand.u32 $0x1F80, v14;
	v9 =	vshll.u32 v19, $0x7;
	v14 =	vld.idx.msk [tilespmem:v11+s20+$0x0], $0xffff  }
.Ltmp8:
0xd5: {  	v25 =	vand.u32 $0x1F80, v18;
	v19 =	vor.u32 v12, v5;
	v22 =	vand.u32 $0x1F80, v9;
	v9 =	vld.idx.msk [tilespmem:v6+s20+$0x0], $0xffff;
	(pc) =	sbr.rel @p0 .LBB2_18-.Ltmp8, $4  }
0xd6: {  	v18 =	vor.u32 v15, v5;
	v12 =	vshll.u32 v21, $0x7;
	v6 =	vor.u32 v22, v5;
	v11 =	vld.idx.msk [tilespmem:v13+s20+$0x0], $0xffff  }
0xd7: {  	v16 =	vor.u32 v16, v5;
	v13 =	vand.u32 $0x1F80, v12;
	v12 =	vld.idx.msk [tilespmem:v7+s20+$0x0], $0xffff  }
0xd8: {  	v15 =	vor.u32 v13, v5;
	v7 =	vor.u32 v25, v5;
	v21 =	vmul.f32 $8.000000000e+00, v17;
	v13 =	vld.idx.msk [tilespmem:v23+s20+$0x0], $0xffff  }
0xd9: {  	v10 =	vor.u32 v10, v5;
	v17 =	vor.u32 v20, v5;
	v20 =	vmul.f32 $8.000000000e+00, v24  }
0xda: {  	_ =	sdelay $0x3  }
0xdb: {  	[tilespmem:v19+s0+$0x0] =	vst.idx.msk $0xffff, v21;
	v3 =	vmul.f32 $8.000000000e+00, v14  }
0xdc: {  	v4 =	vmul.f32 $8.000000000e+00, v8;
	s14 =	sadd.s32 $0x1, s14;
	[tilespmem:v18+s0+$0x0] =	vst.idx.msk $0xffff, v20  }
0xdd: {  	v63 =	vmul.f32 $8.000000000e+00, v9;
	p0 =	sne.s32 s14, $0x8;
	[tilespmem:v16+s0+$0x0] =	vst.idx.msk $0xffff, v3  }
.Ltmp9:
0xde: {  	v5 =	vmul.f32 $8.000000000e+00, v11;
	[tilespmem:v15+s0+$0x0] =	vst.idx.msk $0xffff, v4;
	(pc) =	sbr.rel @p0 .LBB2_17-.Ltmp9, $4  }
0xdf: {  	v3 =	vmul.f32 $8.000000000e+00, v12;
	[tilespmem:v7+s0+$0x0] =	vst.idx.msk $0xffff, v63  }
0xe0: {  	[tilespmem:v17+s0+$0x0] =	vst.idx.msk $0xffff, v5;
	v62 =	vmul.f32 $8.000000000e+00, v13  }
0xe1: {  	[tilespmem:v6+s0+$0x0] =	vst.idx.msk $0xffff, v3  }
0xe2: {  	[tilespmem:v10+s0+$0x0] =	vst.idx.msk $0xffff, v62  }
0xe3: {  	s6 =	sadd.s32 s5, s29  }
0xe4: {  	s14 =	sshll.u32 s6, $0xA;
	s6 =	sshll.u32 s6, $0x7  }
0xe5: {  	s14 =	sand.u32 $0xFFF8000, s14;
	s6 =	sand.u32 $0xF80, s6  }
0xe6: {  	s6 =	sor.u32 s6, s14  }
0xe7: {  	s14 =	sadd.s32 s2, s6  }
0xe8: {  	[hbm4b:s14+s3] =	stream.linear.scatter [tilespmem:s0], [sflag:$0x4], $0x400, $0x38;
	[tilespmem:$0xE500] =	vst v63  }
0xe9: {  	s15 =	simm.s32 $0xC900;
	s19 =	sadd.s32 s6, s7  }
0xea: {  	[hbm4b:s19+s3] =	stream.linear.scatter [tilespmem:s15], [sflag:$0x4], $0x400, $0x38;
	[tilespmem:$0xE500] =	vst v63  }
0xeb: {  	s24 =	simm.s32 $0xCD00;
	s23 =	sadd.s32 s6, s8  }
0xec: {  	[hbm4b:s23+s3] =	stream.linear.scatter [tilespmem:s24], [sflag:$0x4], $0x400, $0x38;
	[tilespmem:$0xE500] =	vst v63  }
0xed: {  	s30 =	simm.s32 $0xD100;
	s29 =	sadd.s32 s6, s9  }
0xee: {  	[hbm4b:s29+s3] =	stream.linear.scatter [tilespmem:s30], [sflag:$0x4], $0x400, $0x38;
	[tilespmem:$0xE500] =	vst v63  }
0xef: {  	s16 =	simm.s32 $0xD500;
	s26 =	sadd.s32 $0x1, s26;
	s15 =	sadd.s32 s6, s10  }
0xf0: {  	[hbm4b:s15+s3] =	stream.linear.scatter [tilespmem:s16], [sflag:$0x4], $0x400, $0x38;
	[tilespmem:$0xE500] =	vst v63  }
0xf1: {  	p0 =	sne.s32 s26, $0x64;
	s19 =	sadd.s32 s6, s11;
	s23 =	simm.s32 $0xD900  }
0xf2: {  	[hbm4b:s19+s3] =	stream.linear.scatter [tilespmem:s23], [sflag:$0x4], $0x400, $0x38;
	[tilespmem:$0xE500] =	vst v63  }
.Ltmp10:
0xf3: {  	_ = 	snop;
	(pc) =	sbr.rel @p0 .LBB2_4-.Ltmp10, $4  }
0xf4: {  	s25 =	sadd.s32 $0x100, s25;
	s24 =	sadd.s32 s6, s12;
	s29 =	simm.s32 $0xDD00  }
0xf5: {  	[hbm4b:s24+s3] =	stream.linear.scatter [tilespmem:s29], [sflag:$0x4], $0x400, $0x38;
	[tilespmem:$0xE500] =	vst v63  }
0xf6: {  	s28 =	sadd.s32 $0x100, s28;
	s6 =	sadd.s32 s6, s13;
	s30 =	simm.s32 $0xE100  }
0xf7: {  	[hbm4b:s6+s3] =	stream.linear.scatter [tilespmem:s30], [sflag:$0x4], $0x400, $0x38;
	[tilespmem:$0xE500] =	vst v63  }
0xf8: {  	s6 =	simm.s32 $0x3  }
0xf9: {  	_ =	swait.ge [sflag:s6], $0x400  }
0xfa: {  	[sflag:s6] =	ssyncset.done $0x0  }
0xfb: {  	[sflag:s6] =	ssyncadd.s32 $0xFFFFFC00  }
0xfc: {  	_ =	swait.ge [sflag:s6], $0x400  }
0xfd: {  	[sflag:s6] =	ssyncset.done $0x0  }
0xfe: {  	[sflag:s6] =	ssyncadd.s32 $0xFFFFFC00  }
0xff: {  	_ =	swait.ge [sflag:s6], $0x400  }
0x100: {  	[sflag:s6] =	ssyncset.done $0x0  }
0x101: {  	[sflag:s6] =	ssyncadd.s32 $0xFFFFFC00  }
0x102: {  	_ =	swait.ge [sflag:s6], $0x400  }
0x103: {  	[sflag:s6] =	ssyncset.done $0x0  }
0x104: {  	[sflag:s6] =	ssyncadd.s32 $0xFFFFFC00  }
0x105: {  	_ =	swait.ge [sflag:s6], $0x400  }
0x106: {  	[sflag:s6] =	ssyncset.done $0x0  }
0x107: {  	[sflag:s6] =	ssyncadd.s32 $0xFFFFFC00  }
0x108: {  	_ =	swait.ge [sflag:s6], $0x400  }
0x109: {  	[sflag:s6] =	ssyncset.done $0x0  }
0x10a: {  	[sflag:s6] =	ssyncadd.s32 $0xFFFFFC00  }
0x10b: {  	_ =	swait.ge [sflag:s6], $0x400  }
0x10c: {  	[sflag:s6] =	ssyncset.done $0x0  }
0x10d: {  	[sflag:s6] =	ssyncadd.s32 $0xFFFFFC00  }
0x10e: {  	_ =	swait.ge [sflag:s6], $0x400  }
0x10f: {  	[sflag:s6] =	ssyncset.done $0x0  }
0x110: {  	[sflag:s6] =	ssyncadd.s32 $0xFFFFFC00  }
0x111: {  	_ =	swait.ge [sflag:s1], $0x400  }
0x112: {  	[sflag:s1] =	ssyncset.done $0x0  }
0x113: {  	[sflag:s1] =	ssyncadd.s32 $0xFFFFFC00  }
0x114: {  	_ =	swait.ge [sflag:s1], $0x400  }
0x115: {  	[sflag:s1] =	ssyncset.done $0x0  }
0x116: {  	[sflag:s1] =	ssyncadd.s32 $0xFFFFFC00  }
0x117: {  	_ =	swait.ge [sflag:s1], $0x400  }
0x118: {  	[sflag:s1] =	ssyncset.done $0x0  }
0x119: {  	[sflag:s1] =	ssyncadd.s32 $0xFFFFFC00  }
0x11a: {  	_ =	swait.ge [sflag:s1], $0x400  }
0x11b: {  	[sflag:s1] =	ssyncset.done $0x0  }
0x11c: {  	[sflag:s1] =	ssyncadd.s32 $0xFFFFFC00  }
0x11d: {  	_ =	swait.ge [sflag:s1], $0x400  }
0x11e: {  	[sflag:s1] =	ssyncset.done $0x0  }
0x11f: {  	[sflag:s1] =	ssyncadd.s32 $0xFFFFFC00  }
0x120: {  	_ =	swait.ge [sflag:s1], $0x400  }
0x121: {  	[sflag:s1] =	ssyncset.done $0x0  }
0x122: {  	[sflag:s1] =	ssyncadd.s32 $0xFFFFFC00  }
0x123: {  	_ =	swait.ge [sflag:s1], $0x400  }
0x124: {  	[sflag:s1] =	ssyncset.done $0x0  }
0x125: {  	[sflag:s1] =	ssyncadd.s32 $0xFFFFFC00  }
0x126: {  	_ =	swait.ge [sflag:s1], $0x400  }
0x127: {  	s14 =	rddreg [dreg:$0x5]  }
0x128: {  	s30 =	rddreg [dreg:$0x4];
	s14 =	sadd.s32 $0x1, s14  }
0x129: {  	p0 =	sne.s32 s14, s30  }
.Ltmp11:
0x12a: {  	_ = 	snop;
	(pc) =	sbr.rel @p0 .LBB2_1-.Ltmp11, $3  }
0x12b: {  	_ =	sdelay $0x1  }
0x12c: {  	[sflag:s1] =	ssyncset.done $0x0  }
0x12d: {  	[sflag:s1] =	ssyncadd.s32 $0xFFFFFC00  }
0x12e: {  	_ =	sfence.sel $0x180000  }
0x12f: {  	[bflag:$0x0] =	sbarrier.arrive $0xFFFF  }
0x130: {  	_ =	strace $0x9000004A  }
0x131: {  	s0 =	stileid.u32;
	[bflag:$0x2] =	sbarrier.arrive $0xFFFF  }
0x132: {  	p0 =	sne.s32 s0, $0x0;
	s0 =	rddreg [dreg:$0x2]  }
0x133: {  	s0 =	sadd.s32 @!p0 $0x100000, s0  }
0x134: {  	[sflag:s0] =	ssyncadd.tile.s32 @!p0 $0x1;
	_ =	shalt  }
.Lfunc_end2:
_tile_overlayer_lowered:
.L_overlay_start_2:
0x135: {  	(tag) =	ssettag $0x2  }
0x136: {  	s0 =	rddreg [dreg:$0x0];
	s2 =	stileid.u32  }
0x137: {  	s1 =	rddreg [dreg:$0x1];
	p0 =	sne.s32 s2, $0x0  }
0x138: {  	s3 =	rddreg [dreg:$0x2];
	[bflag:$0x3] =	sbarrier.arrive $0xFFFF;
	s2 =	simm.s32 @!p0 $0x1C05  }
0x139: {  	[timem:s3], [sflag:s2] =	dma.local @!p0 [hbm:s0], s1  }
0x13a: {  	s0 =	simm.s32 @!p0 $0x5  }
0x13b: {  	_ =	swait.ge @!p0 [sflag:s0], s1  }
0x13c: {  	s1 =	ssub.s32 @!p0 $0x0, s1;
	[sflag:s0] =	ssyncset.done @!p0 $0x0  }
0x13d: {  	[sflag:s0] =	ssyncadd.s32 @!p0 s1  }
0x13e: {  	[bflag:$0x3] =	sbarrier.arrive $0xFFFF  }
0x13f: {  	_ =	shalt  }

</sc_bundles>
